<compile_context>
chip_gen: v7x
topology: tpu7x:2x2x1
jax: 0.10.2.dev20260603
libtpu: 0.0.44.dev20260713+nightly
codegen_flags: <defaults>
</compile_context>

<pallas_src>
import dataclasses
import functools

import jax
import jax.numpy as jnp
from jax import lax
from jax.experimental import pallas as pl
from jax.experimental.pallas import tpu as pltpu
from jax.experimental.pallas import tpu_sc as plsc

N = 10000
E = 320000
D = 128
NC = 2
NS = 16
NW = NC * NS
LANES = 16
BLK = 128
EPT = 10240
NBLK = EPT // BLK
NPAD = 10240
RPS = NPAD // NS
ICH = 40

_mesh = plsc.VectorSubcoreMesh(
    core_axis_name="c", subcore_axis_name="s", num_cores=NC, num_subcores=NS
)


def _fill(buf, rows, value):
    cols = buf.shape[1] // LANES

    @pl.loop(0, rows)
    def _(i):
        @pl.loop(0, cols)
        def _(j):
            buf[i, pl.ds(j * LANES, LANES)] = jnp.full((LANES,), value, jnp.float32)


@functools.partial(
    pl.kernel,
    out_type=jax.ShapeDtypeStruct((NC, NPAD), jnp.float32),
    mesh=_mesh,
    scratch_types=[
        pltpu.VMEM((NBLK, BLK), jnp.int32),
        pltpu.VMEM((NPAD,), jnp.float32),
        pltpu.VMEM((NS, RPS), jnp.float32),
        pltpu.VMEM_SHARED((NS, NPAD), jnp.float32),
    ],
    compiler_params=dataclasses.replace(pltpu.CompilerParams(),
                                        needs_layout_passes=False),
)
def _deg_sc(dstr_hbm, out_hbm, dstv, hist, red, shared):
    c = lax.axis_index("c")
    s = lax.axis_index("s")
    wid = c * NS + s

    zeros = jnp.zeros((LANES,), jnp.float32)

    @pl.loop(0, NPAD // LANES)
    def _(i):
        hist[pl.ds(i * LANES, LANES)] = zeros

    pltpu.sync_copy(dstr_hbm.at[wid], dstv)
    ones = jnp.ones((LANES,), jnp.float32)

    @pl.loop(0, NBLK)
    def _(j):
        @pl.loop(0, BLK // LANES)
        def _(i):
            plsc.addupdate_scatter(hist, [dstv[j, pl.ds(i * LANES, LANES)]], ones)

    pltpu.sync_copy(hist, shared.at[s])
    plsc.subcore_barrier()

    for k in range(NS):
        pltpu.sync_copy(shared.at[k, pl.ds(s * RPS, RPS)], red.at[k])

    @pl.loop(0, RPS // LANES)
    def _(v):
        acc = red[0, pl.ds(v * LANES, LANES)]
        for k in range(1, NS):
            acc = acc + red[k, pl.ds(v * LANES, LANES)]
        hist[pl.ds(v * LANES, LANES)] = acc

    pltpu.sync_copy(hist.at[pl.ds(0, RPS)], out_hbm.at[c, pl.ds(s * RPS, RPS)])


@functools.partial(
    pl.kernel,
    out_type=jax.ShapeDtypeStruct((NC, NPAD, D), jnp.float32),
    mesh=_mesh,
    scratch_types=[
        pltpu.VMEM((ICH, BLK), jnp.int32),
        pltpu.VMEM((ICH, BLK), jnp.int32),
        pltpu.VMEM((BLK, D), jnp.float32),
        pltpu.VMEM((BLK, D), jnp.float32),
        pltpu.SemaphoreType.DMA,
        pltpu.SemaphoreType.DMA,
        pltpu.SemaphoreType.DMA,
        pltpu.SemaphoreType.DMA,
        pltpu.VMEM_SHARED((NPAD, D), jnp.float32),
    ],
)
def _hop_sc(g_hbm, srcr_hbm, dstr_hbm, out_hbm, srcv, dstv, rows0, rows1, sem0,
            sem1, sem2, sem3, accum):
    c = lax.axis_index("c")
    s = lax.axis_index("s")
    wid = c * NS + s

    _fill(rows0, BLK, 0.0)

    @pl.loop(0, RPS // BLK)
    def _(i):
        pltpu.sync_copy(rows0, accum.at[pl.ds(s * RPS + i * BLK, BLK)])
    plsc.subcore_barrier()

    @pl.loop(0, NBLK // ICH)
    def _(k):
        pltpu.sync_copy(srcr_hbm.at[wid, pl.ds(k * ICH, ICH)], srcv)
        pltpu.sync_copy(dstr_hbm.at[wid, pl.ds(k * ICH, ICH)], dstv)

        pltpu.async_copy(g_hbm.at[srcv.at[0]], rows0, sem0)
        pltpu.async_copy(g_hbm.at[srcv.at[1]], rows1, sem1)

        @pl.loop(0, ICH - 2, step=2)
        def _(j):
            pltpu.make_async_copy(g_hbm.at[srcv.at[j]], rows0, sem0).wait()
            pltpu.async_copy(rows0, accum.at[dstv.at[j]], sem2, add=True)
            pltpu.make_async_copy(g_hbm.at[srcv.at[j + 1]], rows1, sem1).wait()
            pltpu.async_copy(rows1, accum.at[dstv.at[j + 1]], sem3, add=True)
            pltpu.make_async_copy(rows0, accum.at[dstv.at[j]], sem2).wait()
            pltpu.async_copy(g_hbm.at[srcv.at[j + 2]], rows0, sem0)
            pltpu.make_async_copy(rows1, accum.at[dstv.at[j + 1]], sem3).wait()
            pltpu.async_copy(g_hbm.at[srcv.at[j + 3]], rows1, sem1)

        pltpu.make_async_copy(g_hbm.at[srcv.at[ICH - 2]], rows0, sem0).wait()
        pltpu.sync_copy(rows0, accum.at[dstv.at[ICH - 2]], add=True)
        pltpu.make_async_copy(g_hbm.at[srcv.at[ICH - 1]], rows1, sem1).wait()
        pltpu.sync_copy(rows1, accum.at[dstv.at[ICH - 1]], add=True)
    plsc.subcore_barrier()

    pltpu.sync_copy(accum.at[pl.ds(s * RPS, RPS)], out_hbm.at[c, pl.ds(s * RPS, RPS)])


_RB = 1280
_GRID = NPAD // _RB

_deg_spec = pl.BlockSpec((NC, _RB), lambda i: (0, i))
_row_spec = pl.BlockSpec((_RB, D), lambda i: (i, 0))
_par_spec = pl.BlockSpec((NC, _RB, D), lambda i: (0, i, 0))


def _norm_of(deg_ref):
    d = (deg_ref[0] + deg_ref[1])[:, None]
    return lax.rsqrt(jnp.maximum(d, 1.0))


def _scale_body(deg_ref, feat_ref, o_ref):
    o_ref[...] = feat_ref[...] * _norm_of(deg_ref)


_scale_call = pl.pallas_call(
    _scale_body,
    grid=(_GRID,),
    in_specs=[_deg_spec, _row_spec],
    out_specs=_row_spec,
    out_shape=jax.ShapeDtypeStruct((NPAD, D), jnp.float32),
)


def _comb_body(deg_ref, p_ref, o_ref):
    d = (deg_ref[0] + deg_ref[1])[:, None]
    o_ref[...] = (p_ref[0] + p_ref[1]) / jnp.maximum(d, 1.0)


_comb_call = pl.pallas_call(
    _comb_body,
    grid=(_GRID,),
    in_specs=[_deg_spec, _par_spec],
    out_specs=_row_spec,
    out_shape=jax.ShapeDtypeStruct((NPAD, D), jnp.float32),
)


def _final_body(deg_ref, p_ref, w_ref, b_ref, o_ref):
    h = (p_ref[0] + p_ref[1]) * _norm_of(deg_ref)
    o_ref[...] = (
        lax.dot_general(h, w_ref[...], (((1,), (1,)), ((), ())),
                        preferred_element_type=jnp.float32)
        + b_ref[...]
    )


_final_call = pl.pallas_call(
    _final_body,
    grid=(_GRID,),
    in_specs=[
        _deg_spec,
        _par_spec,
        pl.BlockSpec((D, D), lambda i: (0, 0)),
        pl.BlockSpec((1, D), lambda i: (0, 0)),
    ],
    out_specs=_row_spec,
    out_shape=jax.ShapeDtypeStruct((NPAD, D), jnp.float32),
)


def kernel(feat, edge_index, W1, b1):
    ppw = EPT - E // NW
    pad_src = jnp.broadcast_to(jnp.arange(ppw, dtype=jnp.int32), (NW, ppw))
    pad_dst = jnp.broadcast_to(N + jnp.arange(ppw, dtype=jnp.int32), (NW, ppw))
    srcp = jnp.concatenate([edge_index[0].reshape(NW, E // NW), pad_src], axis=1)
    srcp = srcp.reshape(NW, NBLK, BLK)
    dstp = jnp.concatenate([edge_index[1].reshape(NW, E // NW), pad_dst], axis=1)
    dstp = dstp.reshape(NW, NBLK, BLK)
    featp = jnp.concatenate([feat, jnp.zeros((NPAD - N, D), feat.dtype)])

    degp = _deg_sc(dstp)
    g1 = _scale_call(degp, featp)
    p1 = _hop_sc(g1, srcp, dstp)
    g2 = _comb_call(degp, p1)
    p2 = _hop_sc(g2, srcp, dstp)
    x = _final_call(degp, p2, W1, b1.reshape(1, D))
    return x[:N]

# --- scband reference (transcript-rebuilt; emitter-appended) ---
"""Pipeline reference for scband-sgconv-45518063403640 (READ-ONLY COPY).

The authoritative reference and input builder live on the scoring server;
editing this copy changes nothing except your own understanding.
"""

import jax, jax.numpy as jnp
import numpy as np

N_NODES = 10000
N_EDGES = 320000
D_IN = 128
D_OUT = 128
K_HOPS = 2


def setup_inputs(seed: int = 0) -> dict:
    key = jax.random.key(seed)
    k1, k2, k3 = jax.random.split(key, 3)
    feat = jax.random.normal(k1, (N_NODES, D_IN), dtype=jnp.float32)
    edge_index = jax.random.randint(k2, (2, N_EDGES), 0, N_NODES, dtype=jnp.int32)
    # fc1 params (xavier uniform init, zero bias)
    limit = float(np.sqrt(6.0 / (D_IN + D_OUT)))
    W1 = jax.random.uniform(k3, (D_OUT, D_IN), minval=-limit, maxval=limit, dtype=jnp.float32)
    b1 = jnp.zeros((D_OUT,), dtype=jnp.float32)
    return {"feat": feat, "edge_index": edge_index, "W1": W1, "b1": b1}


def reference(feat, edge_index, W1, b1):
    src = edge_index[0]
    dst = edge_index[1]
    # in-degrees (messages arrive at dst), clamp(min=1)
    degs = jax.ops.segment_sum(jnp.ones((N_EDGES,), dtype=jnp.float32), dst, num_segments=N_NODES)
    degs = jnp.maximum(degs, 1.0)
    norm = jnp.power(degs, -0.5)[:, None]
    h = feat
    for _ in range(K_HOPS):
        h = h * norm
        # copy_u + sum: scatter-add messages from src nodes into dst nodes
        h = jax.ops.segment_sum(h[src], dst, num_segments=N_NODES)
        h = h * norm
    # fc1
    x = h @ W1.T + b1
    return x

if __name__ == "__main__":
    import jax
    _d = setup_inputs()
    print(jax.jit(kernel)(*tuple(_d.values())))

</pallas_src>

<mosaic_0001>
#map = affine_map<(d0, d1) -> (0, 0)>
#map1 = affine_map<(d0, d1) -> (0, 0, 0)>
module attributes {stable_mosaic.version = 14 : i64} {
  func.func @_hop_sc(%arg0: i32, %arg1: i32, %arg2: memref<10240x128xf32, #tpu.memory_space<hbm>>, %arg3: memref<32x80x128xi32, #tpu.memory_space<hbm>>, %arg4: memref<32x80x128xi32, #tpu.memory_space<hbm>>, %arg5: memref<2x10240x128xf32, #tpu.memory_space<hbm>>, %arg6: memref<40x128xi32, #tpu.memory_space<vmem>>, %arg7: memref<40x128xi32, #tpu.memory_space<vmem>>, %arg8: memref<128x128xf32, #tpu.memory_space<vmem>>, %arg9: memref<128x128xf32, #tpu.memory_space<vmem>>, %arg10: memref<!tpu.dma_semaphore, #tpu.memory_space<semaphore_mem>>, %arg11: memref<!tpu.dma_semaphore, #tpu.memory_space<semaphore_mem>>, %arg12: memref<!tpu.dma_semaphore, #tpu.memory_space<semaphore_mem>>, %arg13: memref<!tpu.dma_semaphore, #tpu.memory_space<semaphore_mem>>, %arg14: memref<10240x128xf32, #tpu.memory_space<vmem_shared>>) attributes {dimension_semantics = [#tpu.dimension_semantics<core_parallel>, #tpu.dimension_semantics<subcore_parallel>], iteration_bounds = array<i64: 2, 16>, scalar_prefetch = 0 : i64, scratch_operands = 9 : i64, tpu.core_type = #tpu.core_type<sc_vector_subcore>, window_params = [{transform_indices = #map}, {transform_indices = #map1}, {transform_indices = #map1}, {transform_indices = #map1}]} {
    %mul3A = arith.constant 16 : i32
    %mul3A_0 = arith.muli %arg0, %mul3A : i32
    %add3A = arith.addi %mul3A_0, %arg1 : i32
    %scan3A = arith.constant 0 : i32
    %scan3A_1 = arith.constant 128 : i32
    %scan3A_2 = arith.addi %scan3A, %scan3A_1 : i32
    %scan3A_3 = arith.constant 1 : i32
    scf.for %scan3A_20 = %scan3A to %scan3A_2 step %scan3A_3  : i32 {
      %mul3A_21 = arith.constant 1 : i32
      %mul3A_22 = arith.muli %scan3A_20, %mul3A_21 : i32
      %add3A_23 = arith.constant 0 : i32
      %add3A_24 = arith.addi %add3A_23, %mul3A_22 : i32
      %scan3A_25 = arith.constant 0 : i32
      %scan3A_26 = arith.constant 8 : i32
      %scan3A_27 = arith.addi %scan3A_25, %scan3A_26 : i32
      %scan3A_28 = arith.constant 1 : i32
      scf.for %scan3A_30 = %scan3A_25 to %scan3A_27 step %scan3A_28  : i32 {
        %mul3A_31 = arith.constant 1 : i32
        %mul3A_32 = arith.muli %scan3A_30, %mul3A_31 : i32
        %add3A_33 = arith.constant 0 : i32
        %add3A_34 = arith.addi %add3A_33, %mul3A_32 : i32
        %broadcast_in_dim3A = arith.constant 0.000000e+00 : f32
        %broadcast_in_dim3A_35 = vector.broadcast %broadcast_in_dim3A : f32 to vector<16xf32>
        %mul3A_36 = arith.constant 16 : i32
        %mul3A_37 = arith.muli %add3A_34, %mul3A_36 : i32
        %swap3A = arith.index_cast %add3A_24 : i32 to index
        %swap3A_38 = arith.index_cast %mul3A_37 : i32 to index
        %swap3A_39 = tpu.vector_load %arg8[%swap3A, %swap3A_38] {strides = array<i32>} : memref<128x128xf32, #tpu.memory_space<vmem>>, vector<1x16xf32>,
        %swap3A_40 = vector.shape_cast %swap3A_39 : vector<1x16xf32> to vector<16xf32>
        %swap3A_41 = vector.shape_cast %broadcast_in_dim3A_35 : vector<16xf32> to vector<1x16xf32>
        tpu.vector_store %arg8[%swap3A, %swap3A_38], %swap3A_41 {strides = array<i32>} : memref<128x128xf32, #tpu.memory_space<vmem>>, vector<1x16xf32>,
      }
      %scan3A_29 = arith.constant 8 : i32
    }
    %scan3A_4 = arith.constant 128 : i32
    %scan3A_5 = arith.constant 0 : i32
    %scan3A_6 = arith.constant 5 : i32
    %scan3A_7 = arith.addi %scan3A_5, %scan3A_6 : i32
    %scan3A_8 = arith.constant 1 : i32
    scf.for %scan3A_20 = %scan3A_5 to %scan3A_7 step %scan3A_8  : i32 {
      %mul3A_21 = arith.constant 1 : i32
      %mul3A_22 = arith.muli %scan3A_20, %mul3A_21 : i32
      %add3A_23 = arith.constant 0 : i32
      %add3A_24 = arith.addi %add3A_23, %mul3A_22 : i32
      %mul3A_25 = arith.constant 640 : i32
      %mul3A_26 = arith.muli %arg1, %mul3A_25 : i32
      %mul3A_27 = arith.constant 128 : i32
      %mul3A_28 = arith.muli %add3A_24, %mul3A_27 : i32
      %add3A_29 = arith.addi %mul3A_26, %mul3A_28 : i32
      "tpu.region"() ({
        %run_scoped3A = tpu.sem_alloc : memref<!tpu.dma_semaphore, #tpu.memory_space<semaphore_mem>>
        %dma_start3A = arith.constant 0 : i32
        %dma_start3A_30 = tpu.memref_slice %arg14[%add3A_29, %dma_start3A] : memref<10240x128xf32, #tpu.memory_space<vmem_shared>> -> memref<128x128xf32, #tpu.memory_space<vmem_shared>>
        %dma_start3A_31 = arith.constant 0 : i32
        %dma_start3A_32 = tpu.memref_slice %arg14[%add3A_29, %dma_start3A_31] : memref<10240x128xf32, #tpu.memory_space<vmem_shared>> -> memref<128x128xf32, #tpu.memory_space<vmem_shared>>
        tpu.enqueue_dma source(%arg8 : memref<128x128xf32, #tpu.memory_space<vmem>>) target(%dma_start3A_32 : memref<128x128xf32, #tpu.memory_space<vmem_shared>>) target_semaphore(%run_scoped3A : memref<!tpu.dma_semaphore, #tpu.memory_space<semaphore_mem>>)
        %dma_wait3A = arith.constant 0 : i32
        %dma_wait3A_33 = tpu.memref_slice %arg14[%add3A_29, %dma_wait3A] : memref<10240x128xf32, #tpu.memory_space<vmem_shared>> -> memref<128x128xf32, #tpu.memory_space<vmem_shared>>
        %dma_wait3A_34 = arith.constant 0 : i32
        %dma_wait3A_35 = tpu.memref_slice %arg14[%add3A_29, %dma_wait3A_34] : memref<10240x128xf32, #tpu.memory_space<vmem_shared>> -> memref<128x128xf32, #tpu.memory_space<vmem_shared>>
        tpu.wait_dma2 semaphore(%run_scoped3A : memref<!tpu.dma_semaphore, #tpu.memory_space<semaphore_mem>>) src(%arg8 : memref<128x128xf32, #tpu.memory_space<vmem>>) dst(%dma_wait3A_35 : memref<128x128xf32, #tpu.memory_space<vmem_shared>>)
        tpu.yield
      }) : () -> ()
    }
    %scan3A_9 = arith.constant 5 : i32
    %barrier3A = arith.constant 0 : index
    tpu.barrier barrier_id(%barrier3A)
    %scan3A_10 = arith.constant 0 : i32
    %scan3A_11 = arith.constant 2 : i32
    %scan3A_12 = arith.addi %scan3A_10, %scan3A_11 : i32
    %scan3A_13 = arith.constant 1 : i32
    scf.for %scan3A_20 = %scan3A_10 to %scan3A_12 step %scan3A_13  : i32 {
      %mul3A_21 = arith.constant 1 : i32
      %mul3A_22 = arith.muli %scan3A_20, %mul3A_21 : i32
      %add3A_23 = arith.constant 0 : i32
      %add3A_24 = arith.addi %add3A_23, %mul3A_22 : i32
      %mul3A_25 = arith.constant 40 : i32
      %mul3A_26 = arith.muli %add3A_24, %mul3A_25 : i32
      "tpu.region"() ({
        %run_scoped3A_61 = tpu.sem_alloc : memref<!tpu.dma_semaphore, #tpu.memory_space<semaphore_mem>>
        %dma_start3A_62 = arith.constant 0 : i32
        %dma_start3A_63 = tpu.memref_slice %arg3[%add3A, %mul3A_26, %dma_start3A_62] : memref<32x80x128xi32, #tpu.memory_space<hbm>> -> memref<1x40x128xi32, #tpu.memory_space<hbm>>
        %dma_start3A_64 = tpu.memref_squeeze %dma_start3A_63 : memref<1x40x128xi32, #tpu.memory_space<hbm>> -> memref<40x128xi32, #tpu.memory_space<hbm>>
        %dma_start3A_65 = arith.constant 0 : i32
        %dma_start3A_66 = tpu.memref_slice %arg3[%add3A, %mul3A_26, %dma_start3A_65] : memref<32x80x128xi32, #tpu.memory_space<hbm>> -> memref<1x40x128xi32, #tpu.memory_space<hbm>>
        %dma_start3A_67 = tpu.memref_squeeze %dma_start3A_66 : memref<1x40x128xi32, #tpu.memory_space<hbm>> -> memref<40x128xi32, #tpu.memory_space<hbm>>
        tpu.enqueue_dma source(%dma_start3A_67 : memref<40x128xi32, #tpu.memory_space<hbm>>) target(%arg6 : memref<40x128xi32, #tpu.memory_space<vmem>>) target_semaphore(%run_scoped3A_61 : memref<!tpu.dma_semaphore, #tpu.memory_space<semaphore_mem>>)
        %dma_wait3A_68 = arith.constant 0 : i32
        %dma_wait3A_69 = tpu.memref_slice %arg3[%add3A, %mul3A_26, %dma_wait3A_68] : memref<32x80x128xi32, #tpu.memory_space<hbm>> -> memref<1x40x128xi32, #tpu.memory_space<hbm>>
        %dma_wait3A_70 = tpu.memref_squeeze %dma_wait3A_69 : memref<1x40x128xi32, #tpu.memory_space<hbm>> -> memref<40x128xi32, #tpu.memory_space<hbm>>
        %dma_wait3A_71 = arith.constant 0 : i32
        %dma_wait3A_72 = tpu.memref_slice %arg3[%add3A, %mul3A_26, %dma_wait3A_71] : memref<32x80x128xi32, #tpu.memory_space<hbm>> -> memref<1x40x128xi32, #tpu.memory_space<hbm>>
        %dma_wait3A_73 = tpu.memref_squeeze %dma_wait3A_72 : memref<1x40x128xi32, #tpu.memory_space<hbm>> -> memref<40x128xi32, #tpu.memory_space<hbm>>
        tpu.wait_dma2 semaphore(%run_scoped3A_61 : memref<!tpu.dma_semaphore, #tpu.memory_space<semaphore_mem>>) src(%dma_wait3A_73 : memref<40x128xi32, #tpu.memory_space<hbm>>) dst(%arg6 : memref<40x128xi32, #tpu.memory_space<vmem>>)
        tpu.yield
      }) : () -> ()
      %mul3A_27 = arith.constant 40 : i32
      %mul3A_28 = arith.muli %add3A_24, %mul3A_27 : i32
      "tpu.region"() ({
        %run_scoped3A_61 = tpu.sem_alloc : memref<!tpu.dma_semaphore, #tpu.memory_space<semaphore_mem>>
        %dma_start3A_62 = arith.constant 0 : i32
        %dma_start3A_63 = tpu.memref_slice %arg4[%add3A, %mul3A_28, %dma_start3A_62] : memref<32x80x128xi32, #tpu.memory_space<hbm>> -> memref<1x40x128xi32, #tpu.memory_space<hbm>>
        %dma_start3A_64 = tpu.memref_squeeze %dma_start3A_63 : memref<1x40x128xi32, #tpu.memory_space<hbm>> -> memref<40x128xi32, #tpu.memory_space<hbm>>
        %dma_start3A_65 = arith.constant 0 : i32
        %dma_start3A_66 = tpu.memref_slice %arg4[%add3A, %mul3A_28, %dma_start3A_65] : memref<32x80x128xi32, #tpu.memory_space<hbm>> -> memref<1x40x128xi32, #tpu.memory_space<hbm>>
        %dma_start3A_67 = tpu.memref_squeeze %dma_start3A_66 : memref<1x40x128xi32, #tpu.memory_space<hbm>> -> memref<40x128xi32, #tpu.memory_space<hbm>>
        tpu.enqueue_dma source(%dma_start3A_67 : memref<40x128xi32, #tpu.memory_space<hbm>>) target(%arg7 : memref<40x128xi32, #tpu.memory_space<vmem>>) target_semaphore(%run_scoped3A_61 : memref<!tpu.dma_semaphore, #tpu.memory_space<semaphore_mem>>)
        %dma_wait3A_68 = arith.constant 0 : i32
        %dma_wait3A_69 = tpu.memref_slice %arg4[%add3A, %mul3A_28, %dma_wait3A_68] : memref<32x80x128xi32, #tpu.memory_space<hbm>> -> memref<1x40x128xi32, #tpu.memory_space<hbm>>
        %dma_wait3A_70 = tpu.memref_squeeze %dma_wait3A_69 : memref<1x40x128xi32, #tpu.memory_space<hbm>> -> memref<40x128xi32, #tpu.memory_space<hbm>>
        %dma_wait3A_71 = arith.constant 0 : i32
        %dma_wait3A_72 = tpu.memref_slice %arg4[%add3A, %mul3A_28, %dma_wait3A_71] : memref<32x80x128xi32, #tpu.memory_space<hbm>> -> memref<1x40x128xi32, #tpu.memory_space<hbm>>
        %dma_wait3A_73 = tpu.memref_squeeze %dma_wait3A_72 : memref<1x40x128xi32, #tpu.memory_space<hbm>> -> memref<40x128xi32, #tpu.memory_space<hbm>>
        tpu.wait_dma2 semaphore(%run_scoped3A_61 : memref<!tpu.dma_semaphore, #tpu.memory_space<semaphore_mem>>) src(%dma_wait3A_73 : memref<40x128xi32, #tpu.memory_space<hbm>>) dst(%arg7 : memref<40x128xi32, #tpu.memory_space<vmem>>)
        tpu.yield
      }) : () -> ()
      %dma_start3A = arith.constant 0 : i32
      %dma_start3A_29 = arith.constant 0 : i32
      %dma_start3A_30 = tpu.memref_slice %arg6[%dma_start3A, %dma_start3A_29] : memref<40x128xi32, #tpu.memory_space<vmem>> -> memref<1x128xi32, #tpu.memory_space<vmem>>
      %dma_start3A_31 = tpu.memref_squeeze %dma_start3A_30 : memref<1x128xi32, #tpu.memory_space<vmem>> -> memref<128xi32, #tpu.memory_space<vmem>>
      %dma_start3A_32 = arith.constant 0 : i32
      %dma_start3A_33 = arith.constant 0 : i32
      %dma_start3A_34 = tpu.memref_slice %arg2[%dma_start3A_32, %dma_start3A_33] : memref<10240x128xf32, #tpu.memory_space<hbm>> -> memref<10240x128xf32, #tpu.memory_space<hbm>>
      tpu.enqueue_indirect_dma source(%dma_start3A_34 : memref<10240x128xf32, #tpu.memory_space<hbm>>) target(%arg8 : memref<128x128xf32, #tpu.memory_space<vmem>>) offsets(%dma_start3A_31 : memref<128xi32, #tpu.memory_space<vmem>>) semaphore(%arg10 : memref<!tpu.dma_semaphore, #tpu.memory_space<semaphore_mem>>)
      %dma_start3A_35 = arith.constant 1 : i32
      %dma_start3A_36 = arith.constant 0 : i32
      %dma_start3A_37 = tpu.memref_slice %arg6[%dma_start3A_35, %dma_start3A_36] : memref<40x128xi32, #tpu.memory_space<vmem>> -> memref<1x128xi32, #tpu.memory_space<vmem>>
      %dma_start3A_38 = tpu.memref_squeeze %dma_start3A_37 : memref<1x128xi32, #tpu.memory_space<vmem>> -> memref<128xi32, #tpu.memory_space<vmem>>
      %dma_start3A_39 = arith.constant 0 : i32
      %dma_start3A_40 = arith.constant 0 : i32
      %dma_start3A_41 = tpu.memref_slice %arg2[%dma_start3A_39, %dma_start3A_40] : memref<10240x128xf32, #tpu.memory_space<hbm>> -> memref<10240x128xf32, #tpu.memory_space<hbm>>
      tpu.enqueue_indirect_dma source(%dma_start3A_41 : memref<10240x128xf32, #tpu.memory_space<hbm>>) target(%arg9 : memref<128x128xf32, #tpu.memory_space<vmem>>) offsets(%dma_start3A_38 : memref<128xi32, #tpu.memory_space<vmem>>) semaphore(%arg11 : memref<!tpu.dma_semaphore, #tpu.memory_space<semaphore_mem>>)
      %scan3A_42 = arith.constant 0 : i32
      %scan3A_43 = arith.constant 19 : i32
      %scan3A_44 = arith.addi %scan3A_42, %scan3A_43 : i32
      %scan3A_45 = arith.constant 1 : i32
      scf.for %scan3A_61 = %scan3A_42 to %scan3A_44 step %scan3A_45  : i32 {
        %mul3A_62 = arith.constant 2 : i32
        %mul3A_63 = arith.muli %scan3A_61, %mul3A_62 : i32
        %add3A_64 = arith.constant 0 : i32
        %add3A_65 = arith.addi %add3A_64, %mul3A_63 : i32
        %dma_wait3A_66 = arith.constant 0 : i32
        %dma_wait3A_67 = tpu.memref_slice %arg6[%add3A_65, %dma_wait3A_66] : memref<40x128xi32, #tpu.memory_space<vmem>> -> memref<1x128xi32, #tpu.memory_space<vmem>>
        %dma_wait3A_68 = tpu.memref_squeeze %dma_wait3A_67 : memref<1x128xi32, #tpu.memory_space<vmem>> -> memref<128xi32, #tpu.memory_space<vmem>>
        %dma_wait3A_69 = arith.constant 0 : i32
        %dma_wait3A_70 = arith.constant 0 : i32
        %dma_wait3A_71 = tpu.memref_slice %arg2[%dma_wait3A_69, %dma_wait3A_70] : memref<10240x128xf32, #tpu.memory_space<hbm>> -> memref<10240x128xf32, #tpu.memory_space<hbm>>
        tpu.wait_indirect_dma semaphore(%arg10 : memref<!tpu.dma_semaphore, #tpu.memory_space<semaphore_mem>>) src(%dma_wait3A_71 : memref<10240x128xf32, #tpu.memory_space<hbm>>) dst(%arg8 : memref<128x128xf32, #tpu.memory_space<vmem>>)
        %dma_start3A_72 = arith.constant 0 : i32
        %dma_start3A_73 = tpu.memref_slice %arg7[%add3A_65, %dma_start3A_72] : memref<40x128xi32, #tpu.memory_space<vmem>> -> memref<1x128xi32, #tpu.memory_space<vmem>>
        %dma_start3A_74 = tpu.memref_squeeze %dma_start3A_73 : memref<1x128xi32, #tpu.memory_space<vmem>> -> memref<128xi32, #tpu.memory_space<vmem>>
        %dma_start3A_75 = arith.constant 0 : i32
        %dma_start3A_76 = arith.constant 0 : i32
        %dma_start3A_77 = tpu.memref_slice %arg14[%dma_start3A_75, %dma_start3A_76] : memref<10240x128xf32, #tpu.memory_space<vmem_shared>> -> memref<10240x128xf32, #tpu.memory_space<vmem_shared>>
        tpu.enqueue_indirect_dma source(%arg8 : memref<128x128xf32, #tpu.memory_space<vmem>>) target(%dma_start3A_77 : memref<10240x128xf32, #tpu.memory_space<vmem_shared>>) offsets(%dma_start3A_74 : memref<128xi32, #tpu.memory_space<vmem>>) semaphore(%arg12 : memref<!tpu.dma_semaphore, #tpu.memory_space<semaphore_mem>>) {add = true}
        %add3A_78 = arith.constant 1 : i32
        %add3A_79 = arith.addi %add3A_65, %add3A_78 : i32
        %dma_wait3A_80 = arith.constant 0 : i32
        %dma_wait3A_81 = tpu.memref_slice %arg6[%add3A_79, %dma_wait3A_80] : memref<40x128xi32, #tpu.memory_space<vmem>> -> memref<1x128xi32, #tpu.memory_space<vmem>>
        %dma_wait3A_82 = tpu.memref_squeeze %dma_wait3A_81 : memref<1x128xi32, #tpu.memory_space<vmem>> -> memref<128xi32, #tpu.memory_space<vmem>>
        %dma_wait3A_83 = arith.constant 0 : i32
        %dma_wait3A_84 = arith.constant 0 : i32
        %dma_wait3A_85 = tpu.memref_slice %arg2[%dma_wait3A_83, %dma_wait3A_84] : memref<10240x128xf32, #tpu.memory_space<hbm>> -> memref<10240x128xf32, #tpu.memory_space<hbm>>
        tpu.wait_indirect_dma semaphore(%arg11 : memref<!tpu.dma_semaphore, #tpu.memory_space<semaphore_mem>>) src(%dma_wait3A_85 : memref<10240x128xf32, #tpu.memory_space<hbm>>) dst(%arg9 : memref<128x128xf32, #tpu.memory_space<vmem>>)
        %add3A_86 = arith.constant 1 : i32
        %add3A_87 = arith.addi %add3A_65, %add3A_86 : i32
        %dma_start3A_88 = arith.constant 0 : i32
        %dma_start3A_89 = tpu.memref_slice %arg7[%add3A_87, %dma_start3A_88] : memref<40x128xi32, #tpu.memory_space<vmem>> -> memref<1x128xi32, #tpu.memory_space<vmem>>
        %dma_start3A_90 = tpu.memref_squeeze %dma_start3A_89 : memref<1x128xi32, #tpu.memory_space<vmem>> -> memref<128xi32, #tpu.memory_space<vmem>>
        %dma_start3A_91 = arith.constant 0 : i32
        %dma_start3A_92 = arith.constant 0 : i32
        %dma_start3A_93 = tpu.memref_slice %arg14[%dma_start3A_91, %dma_start3A_92] : memref<10240x128xf32, #tpu.memory_space<vmem_shared>> -> memref<10240x128xf32, #tpu.memory_space<vmem_shared>>
        tpu.enqueue_indirect_dma source(%arg9 : memref<128x128xf32, #tpu.memory_space<vmem>>) target(%dma_start3A_93 : memref<10240x128xf32, #tpu.memory_space<vmem_shared>>) offsets(%dma_start3A_90 : memref<128xi32, #tpu.memory_space<vmem>>) semaphore(%arg13 : memref<!tpu.dma_semaphore, #tpu.memory_space<semaphore_mem>>) {add = true}
        %dma_wait3A_94 = arith.constant 0 : i32
        %dma_wait3A_95 = tpu.memref_slice %arg7[%add3A_65, %dma_wait3A_94] : memref<40x128xi32, #tpu.memory_space<vmem>> -> memref<1x128xi32, #tpu.memory_space<vmem>>
        %dma_wait3A_96 = tpu.memref_squeeze %dma_wait3A_95 : memref<1x128xi32, #tpu.memory_space<vmem>> -> memref<128xi32, #tpu.memory_space<vmem>>
        %dma_wait3A_97 = arith.constant 0 : i32
        %dma_wait3A_98 = arith.constant 0 : i32
        %dma_wait3A_99 = tpu.memref_slice %arg14[%dma_wait3A_97, %dma_wait3A_98] : memref<10240x128xf32, #tpu.memory_space<vmem_shared>> -> memref<10240x128xf32, #tpu.memory_space<vmem_shared>>
        tpu.wait_indirect_dma semaphore(%arg12 : memref<!tpu.dma_semaphore, #tpu.memory_space<semaphore_mem>>) src(%arg8 : memref<128x128xf32, #tpu.memory_space<vmem>>) dst(%dma_wait3A_99 : memref<10240x128xf32, #tpu.memory_space<vmem_shared>>)
        %add3A_100 = arith.constant 2 : i32
        %add3A_101 = arith.addi %add3A_65, %add3A_100 : i32
        %dma_start3A_102 = arith.constant 0 : i32
        %dma_start3A_103 = tpu.memref_slice %arg6[%add3A_101, %dma_start3A_102] : memref<40x128xi32, #tpu.memory_space<vmem>> -> memref<1x128xi32, #tpu.memory_space<vmem>>
        %dma_start3A_104 = tpu.memref_squeeze %dma_start3A_103 : memref<1x128xi32, #tpu.memory_space<vmem>> -> memref<128xi32, #tpu.memory_space<vmem>>
        %dma_start3A_105 = arith.constant 0 : i32
        %dma_start3A_106 = arith.constant 0 : i32
        %dma_start3A_107 = tpu.memref_slice %arg2[%dma_start3A_105, %dma_start3A_106] : memref<10240x128xf32, #tpu.memory_space<hbm>> -> memref<10240x128xf32, #tpu.memory_space<hbm>>
        tpu.enqueue_indirect_dma source(%dma_start3A_107 : memref<10240x128xf32, #tpu.memory_space<hbm>>) target(%arg8 : memref<128x128xf32, #tpu.memory_space<vmem>>) offsets(%dma_start3A_104 : memref<128xi32, #tpu.memory_space<vmem>>) semaphore(%arg10 : memref<!tpu.dma_semaphore, #tpu.memory_space<semaphore_mem>>)
        %add3A_108 = arith.constant 1 : i32
        %add3A_109 = arith.addi %add3A_65, %add3A_108 : i32
        %dma_wait3A_110 = arith.constant 0 : i32
        %dma_wait3A_111 = tpu.memref_slice %arg7[%add3A_109, %dma_wait3A_110] : memref<40x128xi32, #tpu.memory_space<vmem>> -> memref<1x128xi32, #tpu.memory_space<vmem>>
        %dma_wait3A_112 = tpu.memref_squeeze %dma_wait3A_111 : memref<1x128xi32, #tpu.memory_space<vmem>> -> memref<128xi32, #tpu.memory_space<vmem>>
        %dma_wait3A_113 = arith.constant 0 : i32
        %dma_wait3A_114 = arith.constant 0 : i32
        %dma_wait3A_115 = tpu.memref_slice %arg14[%dma_wait3A_113, %dma_wait3A_114] : memref<10240x128xf32, #tpu.memory_space<vmem_shared>> -> memref<10240x128xf32, #tpu.memory_space<vmem_shared>>
        tpu.wait_indirect_dma semaphore(%arg13 : memref<!tpu.dma_semaphore, #tpu.memory_space<semaphore_mem>>) src(%arg9 : memref<128x128xf32, #tpu.memory_space<vmem>>) dst(%dma_wait3A_115 : memref<10240x128xf32, #tpu.memory_space<vmem_shared>>)
        %add3A_116 = arith.constant 3 : i32
        %add3A_117 = arith.addi %add3A_65, %add3A_116 : i32
        %dma_start3A_118 = arith.constant 0 : i32
        %dma_start3A_119 = tpu.memref_slice %arg6[%add3A_117, %dma_start3A_118] : memref<40x128xi32, #tpu.memory_space<vmem>> -> memref<1x128xi32, #tpu.memory_space<vmem>>
        %dma_start3A_120 = tpu.memref_squeeze %dma_start3A_119 : memref<1x128xi32, #tpu.memory_space<vmem>> -> memref<128xi32, #tpu.memory_space<vmem>>
        %dma_start3A_121 = arith.constant 0 : i32
        %dma_start3A_122 = arith.constant 0 : i32
        %dma_start3A_123 = tpu.memref_slice %arg2[%dma_start3A_121, %dma_start3A_122] : memref<10240x128xf32, #tpu.memory_space<hbm>> -> memref<10240x128xf32, #tpu.memory_space<hbm>>
        tpu.enqueue_indirect_dma source(%dma_start3A_123 : memref<10240x128xf32, #tpu.memory_space<hbm>>) target(%arg9 : memref<128x128xf32, #tpu.memory_space<vmem>>) offsets(%dma_start3A_120 : memref<128xi32, #tpu.memory_space<vmem>>) semaphore(%arg11 : memref<!tpu.dma_semaphore, #tpu.memory_space<semaphore_mem>>)
      }
      %scan3A_46 = arith.constant 19 : i32
      %dma_wait3A = arith.constant 38 : i32
      %dma_wait3A_47 = arith.constant 0 : i32
      %dma_wait3A_48 = tpu.memref_slice %arg6[%dma_wait3A, %dma_wait3A_47] : memref<40x128xi32, #tpu.memory_space<vmem>> -> memref<1x128xi32, #tpu.memory_space<vmem>>
      %dma_wait3A_49 = tpu.memref_squeeze %dma_wait3A_48 : memref<1x128xi32, #tpu.memory_space<vmem>> -> memref<128xi32, #tpu.memory_space<vmem>>
      %dma_wait3A_50 = arith.constant 0 : i32
      %dma_wait3A_51 = arith.constant 0 : i32
      %dma_wait3A_52 = tpu.memref_slice %arg2[%dma_wait3A_50, %dma_wait3A_51] : memref<10240x128xf32, #tpu.memory_space<hbm>> -> memref<10240x128xf32, #tpu.memory_space<hbm>>
      tpu.wait_indirect_dma semaphore(%arg10 : memref<!tpu.dma_semaphore, #tpu.memory_space<semaphore_mem>>) src(%dma_wait3A_52 : memref<10240x128xf32, #tpu.memory_space<hbm>>) dst(%arg8 : memref<128x128xf32, #tpu.memory_space<vmem>>)
      %run_scoped3A = arith.constant 38 : i32
      "tpu.region"() ({
        %run_scoped3A_61 = tpu.sem_alloc : memref<!tpu.dma_semaphore, #tpu.memory_space<semaphore_mem>>
        %dma_start3A_62 = arith.constant 0 : i32
        %dma_start3A_63 = tpu.memref_slice %arg7[%run_scoped3A, %dma_start3A_62] : memref<40x128xi32, #tpu.memory_space<vmem>> -> memref<1x128xi32, #tpu.memory_space<vmem>>
        %dma_start3A_64 = tpu.memref_squeeze %dma_start3A_63 : memref<1x128xi32, #tpu.memory_space<vmem>> -> memref<128xi32, #tpu.memory_space<vmem>>
        %dma_start3A_65 = arith.constant 0 : i32
        %dma_start3A_66 = arith.constant 0 : i32
        %dma_start3A_67 = tpu.memref_slice %arg14[%dma_start3A_65, %dma_start3A_66] : memref<10240x128xf32, #tpu.memory_space<vmem_shared>> -> memref<10240x128xf32, #tpu.memory_space<vmem_shared>>
        tpu.enqueue_indirect_dma source(%arg8 : memref<128x128xf32, #tpu.memory_space<vmem>>) target(%dma_start3A_67 : memref<10240x128xf32, #tpu.memory_space<vmem_shared>>) offsets(%dma_start3A_64 : memref<128xi32, #tpu.memory_space<vmem>>) semaphore(%run_scoped3A_61 : memref<!tpu.dma_semaphore, #tpu.memory_space<semaphore_mem>>) {add = true}
        %dma_wait3A_68 = arith.constant 0 : i32
        %dma_wait3A_69 = tpu.memref_slice %arg7[%run_scoped3A, %dma_wait3A_68] : memref<40x128xi32, #tpu.memory_space<vmem>> -> memref<1x128xi32, #tpu.memory_space<vmem>>
        %dma_wait3A_70 = tpu.memref_squeeze %dma_wait3A_69 : memref<1x128xi32, #tpu.memory_space<vmem>> -> memref<128xi32, #tpu.memory_space<vmem>>
        %dma_wait3A_71 = arith.constant 0 : i32
        %dma_wait3A_72 = arith.constant 0 : i32
        %dma_wait3A_73 = tpu.memref_slice %arg14[%dma_wait3A_71, %dma_wait3A_72] : memref<10240x128xf32, #tpu.memory_space<vmem_shared>> -> memref<10240x128xf32, #tpu.memory_space<vmem_shared>>
        tpu.wait_indirect_dma semaphore(%run_scoped3A_61 : memref<!tpu.dma_semaphore, #tpu.memory_space<semaphore_mem>>) src(%arg8 : memref<128x128xf32, #tpu.memory_space<vmem>>) dst(%dma_wait3A_73 : memref<10240x128xf32, #tpu.memory_space<vmem_shared>>)
        tpu.yield
      }) : () -> ()
      %dma_wait3A_53 = arith.constant 39 : i32
      %dma_wait3A_54 = arith.constant 0 : i32
      %dma_wait3A_55 = tpu.memref_slice %arg6[%dma_wait3A_53, %dma_wait3A_54] : memref<40x128xi32, #tpu.memory_space<vmem>> -> memref<1x128xi32, #tpu.memory_space<vmem>>
      %dma_wait3A_56 = tpu.memref_squeeze %dma_wait3A_55 : memref<1x128xi32, #tpu.memory_space<vmem>> -> memref<128xi32, #tpu.memory_space<vmem>>
      %dma_wait3A_57 = arith.constant 0 : i32
      %dma_wait3A_58 = arith.constant 0 : i32
      %dma_wait3A_59 = tpu.memref_slice %arg2[%dma_wait3A_57, %dma_wait3A_58] : memref<10240x128xf32, #tpu.memory_space<hbm>> -> memref<10240x128xf32, #tpu.memory_space<hbm>>
      tpu.wait_indirect_dma semaphore(%arg11 : memref<!tpu.dma_semaphore, #tpu.memory_space<semaphore_mem>>) src(%dma_wait3A_59 : memref<10240x128xf32, #tpu.memory_space<hbm>>) dst(%arg9 : memref<128x128xf32, #tpu.memory_space<vmem>>)
      %run_scoped3A_60 = arith.constant 39 : i32
      "tpu.region"() ({
        %run_scoped3A_61 = tpu.sem_alloc : memref<!tpu.dma_semaphore, #tpu.memory_space<semaphore_mem>>
        %dma_start3A_62 = arith.constant 0 : i32
        %dma_start3A_63 = tpu.memref_slice %arg7[%run_scoped3A_60, %dma_start3A_62] : memref<40x128xi32, #tpu.memory_space<vmem>> -> memref<1x128xi32, #tpu.memory_space<vmem>>
        %dma_start3A_64 = tpu.memref_squeeze %dma_start3A_63 : memref<1x128xi32, #tpu.memory_space<vmem>> -> memref<128xi32, #tpu.memory_space<vmem>>
        %dma_start3A_65 = arith.constant 0 : i32
        %dma_start3A_66 = arith.constant 0 : i32
        %dma_start3A_67 = tpu.memref_slice %arg14[%dma_start3A_65, %dma_start3A_66] : memref<10240x128xf32, #tpu.memory_space<vmem_shared>> -> memref<10240x128xf32, #tpu.memory_space<vmem_shared>>
        tpu.enqueue_indirect_dma source(%arg9 : memref<128x128xf32, #tpu.memory_space<vmem>>) target(%dma_start3A_67 : memref<10240x128xf32, #tpu.memory_space<vmem_shared>>) offsets(%dma_start3A_64 : memref<128xi32, #tpu.memory_space<vmem>>) semaphore(%run_scoped3A_61 : memref<!tpu.dma_semaphore, #tpu.memory_space<semaphore_mem>>) {add = true}
        %dma_wait3A_68 = arith.constant 0 : i32
        %dma_wait3A_69 = tpu.memref_slice %arg7[%run_scoped3A_60, %dma_wait3A_68] : memref<40x128xi32, #tpu.memory_space<vmem>> -> memref<1x128xi32, #tpu.memory_space<vmem>>
        %dma_wait3A_70 = tpu.memref_squeeze %dma_wait3A_69 : memref<1x128xi32, #tpu.memory_space<vmem>> -> memref<128xi32, #tpu.memory_space<vmem>>
        %dma_wait3A_71 = arith.constant 0 : i32
        %dma_wait3A_72 = arith.constant 0 : i32
        %dma_wait3A_73 = tpu.memref_slice %arg14[%dma_wait3A_71, %dma_wait3A_72] : memref<10240x128xf32, #tpu.memory_space<vmem_shared>> -> memref<10240x128xf32, #tpu.memory_space<vmem_shared>>
        tpu.wait_indirect_dma semaphore(%run_scoped3A_61 : memref<!tpu.dma_semaphore, #tpu.memory_space<semaphore_mem>>) src(%arg9 : memref<128x128xf32, #tpu.memory_space<vmem>>) dst(%dma_wait3A_73 : memref<10240x128xf32, #tpu.memory_space<vmem_shared>>)
        tpu.yield
      }) : () -> ()
    }
    %scan3A_14 = arith.constant 2 : i32
    %barrier3A_15 = arith.constant 0 : index
    tpu.barrier barrier_id(%barrier3A_15)
    %mul3A_16 = arith.constant 640 : i32
    %mul3A_17 = arith.muli %arg1, %mul3A_16 : i32
    %mul3A_18 = arith.constant 640 : i32
    %mul3A_19 = arith.muli %arg1, %mul3A_18 : i32
    "tpu.region"() ({
      %run_scoped3A = tpu.sem_alloc : memref<!tpu.dma_semaphore, #tpu.memory_space<semaphore_mem>>
      %dma_start3A = arith.constant 0 : i32
      %dma_start3A_20 = tpu.memref_slice %arg5[%arg0, %mul3A_19, %dma_start3A] : memref<2x10240x128xf32, #tpu.memory_space<hbm>> -> memref<1x640x128xf32, #tpu.memory_space<hbm>>
      %dma_start3A_21 = tpu.memref_squeeze %dma_start3A_20 : memref<1x640x128xf32, #tpu.memory_space<hbm>> -> memref<640x128xf32, #tpu.memory_space<hbm>>
      %dma_start3A_22 = arith.constant 0 : i32
      %dma_start3A_23 = tpu.memref_slice %arg14[%mul3A_17, %dma_start3A_22] : memref<10240x128xf32, #tpu.memory_space<vmem_shared>> -> memref<640x128xf32, #tpu.memory_space<vmem_shared>>
      tpu.enqueue_dma source(%dma_start3A_23 : memref<640x128xf32, #tpu.memory_space<vmem_shared>>) target(%dma_start3A_21 : memref<640x128xf32, #tpu.memory_space<hbm>>) target_semaphore(%run_scoped3A : memref<!tpu.dma_semaphore, #tpu.memory_space<semaphore_mem>>)
      %dma_wait3A = arith.constant 0 : i32
      %dma_wait3A_24 = tpu.memref_slice %arg5[%arg0, %mul3A_19, %dma_wait3A] : memref<2x10240x128xf32, #tpu.memory_space<hbm>> -> memref<1x640x128xf32, #tpu.memory_space<hbm>>
      %dma_wait3A_25 = tpu.memref_squeeze %dma_wait3A_24 : memref<1x640x128xf32, #tpu.memory_space<hbm>> -> memref<640x128xf32, #tpu.memory_space<hbm>>
      %dma_wait3A_26 = arith.constant 0 : i32
      %dma_wait3A_27 = tpu.memref_slice %arg14[%mul3A_17, %dma_wait3A_26] : memref<10240x128xf32, #tpu.memory_space<vmem_shared>> -> memref<640x128xf32, #tpu.memory_space<vmem_shared>>
      tpu.wait_dma2 semaphore(%run_scoped3A : memref<!tpu.dma_semaphore, #tpu.memory_space<semaphore_mem>>) src(%dma_wait3A_27 : memref<640x128xf32, #tpu.memory_space<vmem_shared>>) dst(%dma_wait3A_25 : memref<640x128xf32, #tpu.memory_space<hbm>>)
      tpu.yield
    }) : () -> ()
    return
  }
}

#map = affine_map<(d0, d1) -> (0, 0, 0)>
#map1 = affine_map<(d0, d1) -> (0, 0)>
module attributes {stable_mosaic.version = 14 : i64} {
  func.func @_deg_sc(%arg0: i32, %arg1: i32, %arg2: memref<32x80x128xi32, #tpu.memory_space<hbm>>, %arg3: memref<2x10240xf32, #tpu.memory_space<hbm>>, %arg4: memref<80x128xi32, #tpu.memory_space<vmem>>, %arg5: memref<10240xf32, #tpu.memory_space<vmem>>, %arg6: memref<16x640xf32, #tpu.memory_space<vmem>>, %arg7: memref<16x10240xf32, #tpu.memory_space<vmem_shared>>) attributes {dimension_semantics = [#tpu.dimension_semantics<core_parallel>, #tpu.dimension_semantics<subcore_parallel>], iteration_bounds = array<i64: 2, 16>, scalar_prefetch = 0 : i64, scratch_operands = 4 : i64, tpu.core_type = #tpu.core_type<sc_vector_subcore>, window_params = [{transform_indices = #map}, {transform_indices = #map1}]} {
    %mul3A = arith.constant 16 : i32
    %mul3A_0 = arith.muli %arg0, %mul3A : i32
    %add3A = arith.addi %mul3A_0, %arg1 : i32
    %broadcast_in_dim3A = arith.constant 0.000000e+00 : f32
    %broadcast_in_dim3A_1 = vector.broadcast %broadcast_in_dim3A : f32 to vector<16xf32>
    %scan3A = arith.constant 0 : i32
    %scan3A_2 = arith.constant 640 : i32
    %scan3A_3 = arith.addi %scan3A, %scan3A_2 : i32
    %scan3A_4 = arith.constant 1 : i32
    scf.for %scan3A_83 = %scan3A to %scan3A_3 step %scan3A_4  : i32 {
      %mul3A_84 = arith.constant 1 : i32
      %mul3A_85 = arith.muli %scan3A_83, %mul3A_84 : i32
      %add3A_86 = arith.constant 0 : i32
      %add3A_87 = arith.addi %add3A_86, %mul3A_85 : i32
      %mul3A_88 = arith.constant 16 : i32
      %mul3A_89 = arith.muli %add3A_87, %mul3A_88 : i32
      %swap3A = arith.index_cast %mul3A_89 : i32 to index
      %swap3A_90 = tpu.vector_load %arg5[%swap3A] {strides = array<i32>} : memref<10240xf32, #tpu.memory_space<vmem>>, vector<16xf32>,
      tpu.vector_store %arg5[%swap3A], %broadcast_in_dim3A_1 {strides = array<i32>} : memref<10240xf32, #tpu.memory_space<vmem>>, vector<16xf32>,
    }
    %scan3A_5 = arith.constant 640 : i32
    "tpu.region"() ({
      %run_scoped3A_83 = tpu.sem_alloc : memref<!tpu.dma_semaphore, #tpu.memory_space<semaphore_mem>>
      %dma_start3A = arith.constant 0 : i32
      %dma_start3A_84 = arith.constant 0 : i32
      %dma_start3A_85 = tpu.memref_slice %arg2[%add3A, %dma_start3A, %dma_start3A_84] : memref<32x80x128xi32, #tpu.memory_space<hbm>> -> memref<1x80x128xi32, #tpu.memory_space<hbm>>
      %dma_start3A_86 = tpu.memref_squeeze %dma_start3A_85 : memref<1x80x128xi32, #tpu.memory_space<hbm>> -> memref<80x128xi32, #tpu.memory_space<hbm>>
      %dma_start3A_87 = arith.constant 0 : i32
      %dma_start3A_88 = arith.constant 0 : i32
      %dma_start3A_89 = tpu.memref_slice %arg2[%add3A, %dma_start3A_87, %dma_start3A_88] : memref<32x80x128xi32, #tpu.memory_space<hbm>> -> memref<1x80x128xi32, #tpu.memory_space<hbm>>
      %dma_start3A_90 = tpu.memref_squeeze %dma_start3A_89 : memref<1x80x128xi32, #tpu.memory_space<hbm>> -> memref<80x128xi32, #tpu.memory_space<hbm>>
      tpu.enqueue_dma source(%dma_start3A_90 : memref<80x128xi32, #tpu.memory_space<hbm>>) target(%arg4 : memref<80x128xi32, #tpu.memory_space<vmem>>) target_semaphore(%run_scoped3A_83 : memref<!tpu.dma_semaphore, #tpu.memory_space<semaphore_mem>>)
      %dma_wait3A = arith.constant 0 : i32
      %dma_wait3A_91 = arith.constant 0 : i32
      %dma_wait3A_92 = tpu.memref_slice %arg2[%add3A, %dma_wait3A, %dma_wait3A_91] : memref<32x80x128xi32, #tpu.memory_space<hbm>> -> memref<1x80x128xi32, #tpu.memory_space<hbm>>
      %dma_wait3A_93 = tpu.memref_squeeze %dma_wait3A_92 : memref<1x80x128xi32, #tpu.memory_space<hbm>> -> memref<80x128xi32, #tpu.memory_space<hbm>>
      %dma_wait3A_94 = arith.constant 0 : i32
      %dma_wait3A_95 = arith.constant 0 : i32
      %dma_wait3A_96 = tpu.memref_slice %arg2[%add3A, %dma_wait3A_94, %dma_wait3A_95] : memref<32x80x128xi32, #tpu.memory_space<hbm>> -> memref<1x80x128xi32, #tpu.memory_space<hbm>>
      %dma_wait3A_97 = tpu.memref_squeeze %dma_wait3A_96 : memref<1x80x128xi32, #tpu.memory_space<hbm>> -> memref<80x128xi32, #tpu.memory_space<hbm>>
      tpu.wait_dma2 semaphore(%run_scoped3A_83 : memref<!tpu.dma_semaphore, #tpu.memory_space<semaphore_mem>>) src(%dma_wait3A_97 : memref<80x128xi32, #tpu.memory_space<hbm>>) dst(%arg4 : memref<80x128xi32, #tpu.memory_space<vmem>>)
      tpu.yield
    }) : () -> ()
    %broadcast_in_dim3A_6 = arith.constant 1.000000e+00 : f32
    %broadcast_in_dim3A_7 = vector.broadcast %broadcast_in_dim3A_6 : f32 to vector<16xf32>
    %scan3A_8 = arith.constant 0 : i32
    %scan3A_9 = arith.constant 80 : i32
    %scan3A_10 = arith.addi %scan3A_8, %scan3A_9 : i32
    %scan3A_11 = arith.constant 1 : i32
    scf.for %scan3A_83 = %scan3A_8 to %scan3A_10 step %scan3A_11  : i32 {
      %mul3A_84 = arith.constant 1 : i32
      %mul3A_85 = arith.muli %scan3A_83, %mul3A_84 : i32
      %add3A_86 = arith.constant 0 : i32
      %add3A_87 = arith.addi %add3A_86, %mul3A_85 : i32
      %scan3A_88 = arith.constant 0 : i32
      %scan3A_89 = arith.constant 8 : i32
      %scan3A_90 = arith.addi %scan3A_88, %scan3A_89 : i32
      %scan3A_91 = arith.constant 1 : i32
      scf.for %scan3A_93 = %scan3A_88 to %scan3A_90 step %scan3A_91  : i32 {
        %mul3A_94 = arith.constant 1 : i32
        %mul3A_95 = arith.muli %scan3A_93, %mul3A_94 : i32
        %add3A_96 = arith.constant 0 : i32
        %add3A_97 = arith.addi %add3A_96, %mul3A_95 : i32
        %mul3A_98 = arith.constant 16 : i32
        %mul3A_99 = arith.muli %add3A_97, %mul3A_98 : i32
        %get3A = arith.index_cast %add3A_87 : i32 to index
        %get3A_100 = arith.index_cast %mul3A_99 : i32 to index
        %get3A_101 = tpu.vector_load %arg4[%get3A, %get3A_100] {strides = array<i32>} : memref<80x128xi32, #tpu.memory_space<vmem>>, vector<16xi32>,
        tpu.vector_store_idx %arg5[%get3A_101], %broadcast_in_dim3A_7 {add = true} : memref<10240xf32, #tpu.memory_space<vmem>>[vector<16xi32>], vector<16xf32>,
      }
      %scan3A_92 = arith.constant 8 : i32
    }
    %scan3A_12 = arith.constant 80 : i32
    "tpu.region"() ({
      %run_scoped3A_83 = tpu.sem_alloc : memref<!tpu.dma_semaphore, #tpu.memory_space<semaphore_mem>>
      %dma_start3A = arith.constant 0 : i32
      %dma_start3A_84 = tpu.memref_slice %arg7[%arg1, %dma_start3A] : memref<16x10240xf32, #tpu.memory_space<vmem_shared>> -> memref<1x10240xf32, #tpu.memory_space<vmem_shared>>
      %dma_start3A_85 = tpu.memref_squeeze %dma_start3A_84 : memref<1x10240xf32, #tpu.memory_space<vmem_shared>> -> memref<10240xf32, #tpu.memory_space<vmem_shared>>
      %dma_start3A_86 = arith.constant 0 : i32
      %dma_start3A_87 = tpu.memref_slice %arg7[%arg1, %dma_start3A_86] : memref<16x10240xf32, #tpu.memory_space<vmem_shared>> -> memref<1x10240xf32, #tpu.memory_space<vmem_shared>>
      %dma_start3A_88 = tpu.memref_squeeze %dma_start3A_87 : memref<1x10240xf32, #tpu.memory_space<vmem_shared>> -> memref<10240xf32, #tpu.memory_space<vmem_shared>>
      tpu.enqueue_dma source(%arg5 : memref<10240xf32, #tpu.memory_space<vmem>>) target(%dma_start3A_88 : memref<10240xf32, #tpu.memory_space<vmem_shared>>) target_semaphore(%run_scoped3A_83 : memref<!tpu.dma_semaphore, #tpu.memory_space<semaphore_mem>>)
      %dma_wait3A = arith.constant 0 : i32
      %dma_wait3A_89 = tpu.memref_slice %arg7[%arg1, %dma_wait3A] : memref<16x10240xf32, #tpu.memory_space<vmem_shared>> -> memref<1x10240xf32, #tpu.memory_space<vmem_shared>>
      %dma_wait3A_90 = tpu.memref_squeeze %dma_wait3A_89 : memref<1x10240xf32, #tpu.memory_space<vmem_shared>> -> memref<10240xf32, #tpu.memory_space<vmem_shared>>
      %dma_wait3A_91 = arith.constant 0 : i32
      %dma_wait3A_92 = tpu.memref_slice %arg7[%arg1, %dma_wait3A_91] : memref<16x10240xf32, #tpu.memory_space<vmem_shared>> -> memref<1x10240xf32, #tpu.memory_space<vmem_shared>>
      %dma_wait3A_93 = tpu.memref_squeeze %dma_wait3A_92 : memref<1x10240xf32, #tpu.memory_space<vmem_shared>> -> memref<10240xf32, #tpu.memory_space<vmem_shared>>
      tpu.wait_dma2 semaphore(%run_scoped3A_83 : memref<!tpu.dma_semaphore, #tpu.memory_space<semaphore_mem>>) src(%arg5 : memref<10240xf32, #tpu.memory_space<vmem>>) dst(%dma_wait3A_93 : memref<10240xf32, #tpu.memory_space<vmem_shared>>)
      tpu.yield
    }) : () -> ()
    %barrier3A = arith.constant 0 : index
    tpu.barrier barrier_id(%barrier3A)
    %mul3A_13 = arith.constant 640 : i32
    %mul3A_14 = arith.muli %arg1, %mul3A_13 : i32
    %run_scoped3A = arith.constant 0 : i32
    %run_scoped3A_15 = arith.constant 0 : i32
    "tpu.region"() ({
      %run_scoped3A_83 = tpu.sem_alloc : memref<!tpu.dma_semaphore, #tpu.memory_space<semaphore_mem>>
      %dma_start3A = arith.constant 0 : i32
      %dma_start3A_84 = tpu.memref_slice %arg6[%run_scoped3A_15, %dma_start3A] : memref<16x640xf32, #tpu.memory_space<vmem>> -> memref<1x640xf32, #tpu.memory_space<vmem>>
      %dma_start3A_85 = tpu.memref_squeeze %dma_start3A_84 : memref<1x640xf32, #tpu.memory_space<vmem>> -> memref<640xf32, #tpu.memory_space<vmem>>
      %dma_start3A_86 = tpu.memref_slice %arg7[%run_scoped3A, %mul3A_14] : memref<16x10240xf32, #tpu.memory_space<vmem_shared>> -> memref<1x640xf32, #tpu.memory_space<vmem_shared>>
      %dma_start3A_87 = tpu.memref_squeeze %dma_start3A_86 : memref<1x640xf32, #tpu.memory_space<vmem_shared>> -> memref<640xf32, #tpu.memory_space<vmem_shared>>
      %dma_start3A_88 = arith.constant 0 : i32
      %dma_start3A_89 = tpu.memref_slice %arg6[%run_scoped3A_15, %dma_start3A_88] : memref<16x640xf32, #tpu.memory_space<vmem>> -> memref<1x640xf32, #tpu.memory_space<vmem>>
      %dma_start3A_90 = tpu.memref_squeeze %dma_start3A_89 : memref<1x640xf32, #tpu.memory_space<vmem>> -> memref<640xf32, #tpu.memory_space<vmem>>
      %dma_start3A_91 = tpu.memref_slice %arg7[%run_scoped3A, %mul3A_14] : memref<16x10240xf32, #tpu.memory_space<vmem_shared>> -> memref<1x640xf32, #tpu.memory_space<vmem_shared>>
      %dma_start3A_92 = tpu.memref_squeeze %dma_start3A_91 : memref<1x640xf32, #tpu.memory_space<vmem_shared>> -> memref<640xf32, #tpu.memory_space<vmem_shared>>
      tpu.enqueue_dma source(%dma_start3A_92 : memref<640xf32, #tpu.memory_space<vmem_shared>>) target(%dma_start3A_90 : memref<640xf32, #tpu.memory_space<vmem>>) target_semaphore(%run_scoped3A_83 : memref<!tpu.dma_semaphore, #tpu.memory_space<semaphore_mem>>)
      %dma_wait3A = arith.constant 0 : i32
      %dma_wait3A_93 = tpu.memref_slice %arg6[%run_scoped3A_15, %dma_wait3A] : memref<16x640xf32, #tpu.memory_space<vmem>> -> memref<1x640xf32, #tpu.memory_space<vmem>>
      %dma_wait3A_94 = tpu.memref_squeeze %dma_wait3A_93 : memref<1x640xf32, #tpu.memory_space<vmem>> -> memref<640xf32, #tpu.memory_space<vmem>>
      %dma_wait3A_95 = tpu.memref_slice %arg7[%run_scoped3A, %mul3A_14] : memref<16x10240xf32, #tpu.memory_space<vmem_shared>> -> memref<1x640xf32, #tpu.memory_space<vmem_shared>>
      %dma_wait3A_96 = tpu.memref_squeeze %dma_wait3A_95 : memref<1x640xf32, #tpu.memory_space<vmem_shared>> -> memref<640xf32, #tpu.memory_space<vmem_shared>>
      %dma_wait3A_97 = arith.constant 0 : i32
      %dma_wait3A_98 = tpu.memref_slice %arg6[%run_scoped3A_15, %dma_wait3A_97] : memref<16x640xf32, #tpu.memory_space<vmem>> -> memref<1x640xf32, #tpu.memory_space<vmem>>
      %dma_wait3A_99 = tpu.memref_squeeze %dma_wait3A_98 : memref<1x640xf32, #tpu.memory_space<vmem>> -> memref<640xf32, #tpu.memory_space<vmem>>
      %dma_wait3A_100 = tpu.memref_slice %arg7[%run_scoped3A, %mul3A_14] : memref<16x10240xf32, #tpu.memory_space<vmem_shared>> -> memref<1x640xf32, #tpu.memory_space<vmem_shared>>
      %dma_wait3A_101 = tpu.memref_squeeze %dma_wait3A_100 : memref<1x640xf32, #tpu.memory_space<vmem_shared>> -> memref<640xf32, #tpu.memory_space<vmem_shared>>
      tpu.wait_dma2 semaphore(%run_scoped3A_83 : memref<!tpu.dma_semaphore, #tpu.memory_space<semaphore_mem>>) src(%dma_wait3A_101 : memref<640xf32, #tpu.memory_space<vmem_shared>>) dst(%dma_wait3A_99 : memref<640xf32, #tpu.memory_space<vmem>>)
      tpu.yield
    }) : () -> ()
    %mul3A_16 = arith.constant 640 : i32
    %mul3A_17 = arith.muli %arg1, %mul3A_16 : i32
    %run_scoped3A_18 = arith.constant 1 : i32
    %run_scoped3A_19 = arith.constant 1 : i32
    "tpu.region"() ({
      %run_scoped3A_83 = tpu.sem_alloc : memref<!tpu.dma_semaphore, #tpu.memory_space<semaphore_mem>>
      %dma_start3A = arith.constant 0 : i32
      %dma_start3A_84 = tpu.memref_slice %arg6[%run_scoped3A_19, %dma_start3A] : memref<16x640xf32, #tpu.memory_space<vmem>> -> memref<1x640xf32, #tpu.memory_space<vmem>>
      %dma_start3A_85 = tpu.memref_squeeze %dma_start3A_84 : memref<1x640xf32, #tpu.memory_space<vmem>> -> memref<640xf32, #tpu.memory_space<vmem>>
      %dma_start3A_86 = tpu.memref_slice %arg7[%run_scoped3A_18, %mul3A_17] : memref<16x10240xf32, #tpu.memory_space<vmem_shared>> -> memref<1x640xf32, #tpu.memory_space<vmem_shared>>
      %dma_start3A_87 = tpu.memref_squeeze %dma_start3A_86 : memref<1x640xf32, #tpu.memory_space<vmem_shared>> -> memref<640xf32, #tpu.memory_space<vmem_shared>>
      %dma_start3A_88 = arith.constant 0 : i32
      %dma_start3A_89 = tpu.memref_slice %arg6[%run_scoped3A_19, %dma_start3A_88] : memref<16x640xf32, #tpu.memory_space<vmem>> -> memref<1x640xf32, #tpu.memory_space<vmem>>
      %dma_start3A_90 = tpu.memref_squeeze %dma_start3A_89 : memref<1x640xf32, #tpu.memory_space<vmem>> -> memref<640xf32, #tpu.memory_space<vmem>>
      %dma_start3A_91 = tpu.memref_slice %arg7[%run_scoped3A_18, %mul3A_17] : memref<16x10240xf32, #tpu.memory_space<vmem_shared>> -> memref<1x640xf32, #tpu.memory_space<vmem_shared>>
      %dma_start3A_92 = tpu.memref_squeeze %dma_start3A_91 : memref<1x640xf32, #tpu.memory_space<vmem_shared>> -> memref<640xf32, #tpu.memory_space<vmem_shared>>
      tpu.enqueue_dma source(%dma_start3A_92 : memref<640xf32, #tpu.memory_space<vmem_shared>>) target(%dma_start3A_90 : memref<640xf32, #tpu.memory_space<vmem>>) target_semaphore(%run_scoped3A_83 : memref<!tpu.dma_semaphore, #tpu.memory_space<semaphore_mem>>)
      %dma_wait3A = arith.constant 0 : i32
      %dma_wait3A_93 = tpu.memref_slice %arg6[%run_scoped3A_19, %dma_wait3A] : memref<16x640xf32, #tpu.memory_space<vmem>> -> memref<1x640xf32, #tpu.memory_space<vmem>>
      %dma_wait3A_94 = tpu.memref_squeeze %dma_wait3A_93 : memref<1x640xf32, #tpu.memory_space<vmem>> -> memref<640xf32, #tpu.memory_space<vmem>>
      %dma_wait3A_95 = tpu.memref_slice %arg7[%run_scoped3A_18, %mul3A_17] : memref<16x10240xf32, #tpu.memory_space<vmem_shared>> -> memref<1x640xf32, #tpu.memory_space<vmem_shared>>
      %dma_wait3A_96 = tpu.memref_squeeze %dma_wait3A_95 : memref<1x640xf32, #tpu.memory_space<vmem_shared>> -> memref<640xf32, #tpu.memory_space<vmem_shared>>
      %dma_wait3A_97 = arith.constant 0 : i32
      %dma_wait3A_98 = tpu.memref_slice %arg6[%run_scoped3A_19, %dma_wait3A_97] : memref<16x640xf32, #tpu.memory_space<vmem>> -> memref<1x640xf32, #tpu.memory_space<vmem>>
      %dma_wait3A_99 = tpu.memref_squeeze %dma_wait3A_98 : memref<1x640xf32, #tpu.memory_space<vmem>> -> memref<640xf32, #tpu.memory_space<vmem>>
      %dma_wait3A_100 = tpu.memref_slice %arg7[%run_scoped3A_18, %mul3A_17] : memref<16x10240xf32, #tpu.memory_space<vmem_shared>> -> memref<1x640xf32, #tpu.memory_space<vmem_shared>>
      %dma_wait3A_101 = tpu.memref_squeeze %dma_wait3A_100 : memref<1x640xf32, #tpu.memory_space<vmem_shared>> -> memref<640xf32, #tpu.memory_space<vmem_shared>>
      tpu.wait_dma2 semaphore(%run_scoped3A_83 : memref<!tpu.dma_semaphore, #tpu.memory_space<semaphore_mem>>) src(%dma_wait3A_101 : memref<640xf32, #tpu.memory_space<vmem_shared>>) dst(%dma_wait3A_99 : memref<640xf32, #tpu.memory_space<vmem>>)
      tpu.yield
    }) : () -> ()
    %mul3A_20 = arith.constant 640 : i32
    %mul3A_21 = arith.muli %arg1, %mul3A_20 : i32
    %run_scoped3A_22 = arith.constant 2 : i32
    %run_scoped3A_23 = arith.constant 2 : i32
    "tpu.region"() ({
      %run_scoped3A_83 = tpu.sem_alloc : memref<!tpu.dma_semaphore, #tpu.memory_space<semaphore_mem>>
      %dma_start3A = arith.constant 0 : i32
      %dma_start3A_84 = tpu.memref_slice %arg6[%run_scoped3A_23, %dma_start3A] : memref<16x640xf32, #tpu.memory_space<vmem>> -> memref<1x640xf32, #tpu.memory_space<vmem>>
      %dma_start3A_85 = tpu.memref_squeeze %dma_start3A_84 : memref<1x640xf32, #tpu.memory_space<vmem>> -> memref<640xf32, #tpu.memory_space<vmem>>
      %dma_start3A_86 = tpu.memref_slice %arg7[%run_scoped3A_22, %mul3A_21] : memref<16x10240xf32, #tpu.memory_space<vmem_shared>> -> memref<1x640xf32, #tpu.memory_space<vmem_shared>>
      %dma_start3A_87 = tpu.memref_squeeze %dma_start3A_86 : memref<1x640xf32, #tpu.memory_space<vmem_shared>> -> memref<640xf32, #tpu.memory_space<vmem_shared>>
      %dma_start3A_88 = arith.constant 0 : i32
      %dma_start3A_89 = tpu.memref_slice %arg6[%run_scoped3A_23, %dma_start3A_88] : memref<16x640xf32, #tpu.memory_space<vmem>> -> memref<1x640xf32, #tpu.memory_space<vmem>>
      %dma_start3A_90 = tpu.memref_squeeze %dma_start3A_89 : memref<1x640xf32, #tpu.memory_space<vmem>> -> memref<640xf32, #tpu.memory_space<vmem>>
      %dma_start3A_91 = tpu.memref_slice %arg7[%run_scoped3A_22, %mul3A_21] : memref<16x10240xf32, #tpu.memory_space<vmem_shared>> -> memref<1x640xf32, #tpu.memory_space<vmem_shared>>
      %dma_start3A_92 = tpu.memref_squeeze %dma_start3A_91 : memref<1x640xf32, #tpu.memory_space<vmem_shared>> -> memref<640xf32, #tpu.memory_space<vmem_shared>>
      tpu.enqueue_dma source(%dma_start3A_92 : memref<640xf32, #tpu.memory_space<vmem_shared>>) target(%dma_start3A_90 : memref<640xf32, #tpu.memory_space<vmem>>) target_semaphore(%run_scoped3A_83 : memref<!tpu.dma_semaphore, #tpu.memory_space<semaphore_mem>>)
      %dma_wait3A = arith.constant 0 : i32
      %dma_wait3A_93 = tpu.memref_slice %arg6[%run_scoped3A_23, %dma_wait3A] : memref<16x640xf32, #tpu.memory_space<vmem>> -> memref<1x640xf32, #tpu.memory_space<vmem>>
      %dma_wait3A_94 = tpu.memref_squeeze %dma_wait3A_93 : memref<1x640xf32, #tpu.memory_space<vmem>> -> memref<640xf32, #tpu.memory_space<vmem>>
      %dma_wait3A_95 = tpu.memref_slice %arg7[%run_scoped3A_22, %mul3A_21] : memref<16x10240xf32, #tpu.memory_space<vmem_shared>> -> memref<1x640xf32, #tpu.memory_space<vmem_shared>>
      %dma_wait3A_96 = tpu.memref_squeeze %dma_wait3A_95 : memref<1x640xf32, #tpu.memory_space<vmem_shared>> -> memref<640xf32, #tpu.memory_space<vmem_shared>>
      %dma_wait3A_97 = arith.constant 0 : i32
      %dma_wait3A_98 = tpu.memref_slice %arg6[%run_scoped3A_23, %dma_wait3A_97] : memref<16x640xf32, #tpu.memory_space<vmem>> -> memref<1x640xf32, #tpu.memory_space<vmem>>
      %dma_wait3A_99 = tpu.memref_squeeze %dma_wait3A_98 : memref<1x640xf32, #tpu.memory_space<vmem>> -> memref<640xf32, #tpu.memory_space<vmem>>
      %dma_wait3A_100 = tpu.memref_slice %arg7[%run_scoped3A_22, %mul3A_21] : memref<16x10240xf32, #tpu.memory_space<vmem_shared>> -> memref<1x640xf32, #tpu.memory_space<vmem_shared>>
      %dma_wait3A_101 = tpu.memref_squeeze %dma_wait3A_100 : memref<1x640xf32, #tpu.memory_space<vmem_shared>> -> memref<640xf32, #tpu.memory_space<vmem_shared>>
      tpu.wait_dma2 semaphore(%run_scoped3A_83 : memref<!tpu.dma_semaphore, #tpu.memory_space<semaphore_mem>>) src(%dma_wait3A_101 : memref<640xf32, #tpu.memory_space<vmem_shared>>) dst(%dma_wait3A_99 : memref<640xf32, #tpu.memory_space<vmem>>)
      tpu.yield
    }) : () -> ()
    %mul3A_24 = arith.constant 640 : i32
    %mul3A_25 = arith.muli %arg1, %mul3A_24 : i32
    %run_scoped3A_26 = arith.constant 3 : i32
    %run_scoped3A_27 = arith.constant 3 : i32
    "tpu.region"() ({
      %run_scoped3A_83 = tpu.sem_alloc : memref<!tpu.dma_semaphore, #tpu.memory_space<semaphore_mem>>
      %dma_start3A = arith.constant 0 : i32
      %dma_start3A_84 = tpu.memref_slice %arg6[%run_scoped3A_27, %dma_start3A] : memref<16x640xf32, #tpu.memory_space<vmem>> -> memref<1x640xf32, #tpu.memory_space<vmem>>
      %dma_start3A_85 = tpu.memref_squeeze %dma_start3A_84 : memref<1x640xf32, #tpu.memory_space<vmem>> -> memref<640xf32, #tpu.memory_space<vmem>>
      %dma_start3A_86 = tpu.memref_slice %arg7[%run_scoped3A_26, %mul3A_25] : memref<16x10240xf32, #tpu.memory_space<vmem_shared>> -> memref<1x640xf32, #tpu.memory_space<vmem_shared>>
      %dma_start3A_87 = tpu.memref_squeeze %dma_start3A_86 : memref<1x640xf32, #tpu.memory_space<vmem_shared>> -> memref<640xf32, #tpu.memory_space<vmem_shared>>
      %dma_start3A_88 = arith.constant 0 : i32
      %dma_start3A_89 = tpu.memref_slice %arg6[%run_scoped3A_27, %dma_start3A_88] : memref<16x640xf32, #tpu.memory_space<vmem>> -> memref<1x640xf32, #tpu.memory_space<vmem>>
      %dma_start3A_90 = tpu.memref_squeeze %dma_start3A_89 : memref<1x640xf32, #tpu.memory_space<vmem>> -> memref<640xf32, #tpu.memory_space<vmem>>
      %dma_start3A_91 = tpu.memref_slice %arg7[%run_scoped3A_26, %mul3A_25] : memref<16x10240xf32, #tpu.memory_space<vmem_shared>> -> memref<1x640xf32, #tpu.memory_space<vmem_shared>>
      %dma_start3A_92 = tpu.memref_squeeze %dma_start3A_91 : memref<1x640xf32, #tpu.memory_space<vmem_shared>> -> memref<640xf32, #tpu.memory_space<vmem_shared>>
      tpu.enqueue_dma source(%dma_start3A_92 : memref<640xf32, #tpu.memory_space<vmem_shared>>) target(%dma_start3A_90 : memref<640xf32, #tpu.memory_space<vmem>>) target_semaphore(%run_scoped3A_83 : memref<!tpu.dma_semaphore, #tpu.memory_space<semaphore_mem>>)
      %dma_wait3A = arith.constant 0 : i32
      %dma_wait3A_93 = tpu.memref_slice %arg6[%run_scoped3A_27, %dma_wait3A] : memref<16x640xf32, #tpu.memory_space<vmem>> -> memref<1x640xf32, #tpu.memory_space<vmem>>
      %dma_wait3A_94 = tpu.memref_squeeze %dma_wait3A_93 : memref<1x640xf32, #tpu.memory_space<vmem>> -> memref<640xf32, #tpu.memory_space<vmem>>
      %dma_wait3A_95 = tpu.memref_slice %arg7[%run_scoped3A_26, %mul3A_25] : memref<16x10240xf32, #tpu.memory_space<vmem_shared>> -> memref<1x640xf32, #tpu.memory_space<vmem_shared>>
      %dma_wait3A_96 = tpu.memref_squeeze %dma_wait3A_95 : memref<1x640xf32, #tpu.memory_space<vmem_shared>> -> memref<640xf32, #tpu.memory_space<vmem_shared>>
      %dma_wait3A_97 = arith.constant 0 : i32
      %dma_wait3A_98 = tpu.memref_slice %arg6[%run_scoped3A_27, %dma_wait3A_97] : memref<16x640xf32, #tpu.memory_space<vmem>> -> memref<1x640xf32, #tpu.memory_space<vmem>>
      %dma_wait3A_99 = tpu.memref_squeeze %dma_wait3A_98 : memref<1x640xf32, #tpu.memory_space<vmem>> -> memref<640xf32, #tpu.memory_space<vmem>>
      %dma_wait3A_100 = tpu.memref_slice %arg7[%run_scoped3A_26, %mul3A_25] : memref<16x10240xf32, #tpu.memory_space<vmem_shared>> -> memref<1x640xf32, #tpu.memory_space<vmem_shared>>
      %dma_wait3A_101 = tpu.memref_squeeze %dma_wait3A_100 : memref<1x640xf32, #tpu.memory_space<vmem_shared>> -> memref<640xf32, #tpu.memory_space<vmem_shared>>
      tpu.wait_dma2 semaphore(%run_scoped3A_83 : memref<!tpu.dma_semaphore, #tpu.memory_space<semaphore_mem>>) src(%dma_wait3A_101 : memref<640xf32, #tpu.memory_space<vmem_shared>>) dst(%dma_wait3A_99 : memref<640xf32, #tpu.memory_space<vmem>>)
      tpu.yield
    }) : () -> ()
    %mul3A_28 = arith.constant 640 : i32
    %mul3A_29 = arith.muli %arg1, %mul3A_28 : i32
    %run_scoped3A_30 = arith.constant 4 : i32
    %run_scoped3A_31 = arith.constant 4 : i32
    "tpu.region"() ({
      %run_scoped3A_83 = tpu.sem_alloc : memref<!tpu.dma_semaphore, #tpu.memory_space<semaphore_mem>>
      %dma_start3A = arith.constant 0 : i32
      %dma_start3A_84 = tpu.memref_slice %arg6[%run_scoped3A_31, %dma_start3A] : memref<16x640xf32, #tpu.memory_space<vmem>> -> memref<1x640xf32, #tpu.memory_space<vmem>>
      %dma_start3A_85 = tpu.memref_squeeze %dma_start3A_84 : memref<1x640xf32, #tpu.memory_space<vmem>> -> memref<640xf32, #tpu.memory_space<vmem>>
      %dma_start3A_86 = tpu.memref_slice %arg7[%run_scoped3A_30, %mul3A_29] : memref<16x10240xf32, #tpu.memory_space<vmem_shared>> -> memref<1x640xf32, #tpu.memory_space<vmem_shared>>
      %dma_start3A_87 = tpu.memref_squeeze %dma_start3A_86 : memref<1x640xf32, #tpu.memory_space<vmem_shared>> -> memref<640xf32, #tpu.memory_space<vmem_shared>>
      %dma_start3A_88 = arith.constant 0 : i32
      %dma_start3A_89 = tpu.memref_slice %arg6[%run_scoped3A_31, %dma_start3A_88] : memref<16x640xf32, #tpu.memory_space<vmem>> -> memref<1x640xf32, #tpu.memory_space<vmem>>
      %dma_start3A_90 = tpu.memref_squeeze %dma_start3A_89 : memref<1x640xf32, #tpu.memory_space<vmem>> -> memref<640xf32, #tpu.memory_space<vmem>>
      %dma_start3A_91 = tpu.memref_slice %arg7[%run_scoped3A_30, %mul3A_29] : memref<16x10240xf32, #tpu.memory_space<vmem_shared>> -> memref<1x640xf32, #tpu.memory_space<vmem_shared>>
      %dma_start3A_92 = tpu.memref_squeeze %dma_start3A_91 : memref<1x640xf32, #tpu.memory_space<vmem_shared>> -> memref<640xf32, #tpu.memory_space<vmem_shared>>
      tpu.enqueue_dma source(%dma_start3A_92 : memref<640xf32, #tpu.memory_space<vmem_shared>>) target(%dma_start3A_90 : memref<640xf32, #tpu.memory_space<vmem>>) target_semaphore(%run_scoped3A_83 : memref<!tpu.dma_semaphore, #tpu.memory_space<semaphore_mem>>)
      %dma_wait3A = arith.constant 0 : i32
      %dma_wait3A_93 = tpu.memref_slice %arg6[%run_scoped3A_31, %dma_wait3A] : memref<16x640xf32, #tpu.memory_space<vmem>> -> memref<1x640xf32, #tpu.memory_space<vmem>>
      %dma_wait3A_94 = tpu.memref_squeeze %dma_wait3A_93 : memref<1x640xf32, #tpu.memory_space<vmem>> -> memref<640xf32, #tpu.memory_space<vmem>>
      %dma_wait3A_95 = tpu.memref_slice %arg7[%run_scoped3A_30, %mul3A_29] : memref<16x10240xf32, #tpu.memory_space<vmem_shared>> -> memref<1x640xf32, #tpu.memory_space<vmem_shared>>
      %dma_wait3A_96 = tpu.memref_squeeze %dma_wait3A_95 : memref<1x640xf32, #tpu.memory_space<vmem_shared>> -> memref<640xf32, #tpu.memory_space<vmem_shared>>
      %dma_wait3A_97 = arith.constant 0 : i32
      %dma_wait3A_98 = tpu.memref_slice %arg6[%run_scoped3A_31, %dma_wait3A_97] : memref<16x640xf32, #tpu.memory_space<vmem>> -> memref<1x640xf32, #tpu.memory_space<vmem>>
      %dma_wait3A_99 = tpu.memref_squeeze %dma_wait3A_98 : memref<1x640xf32, #tpu.memory_space<vmem>> -> memref<640xf32, #tpu.memory_space<vmem>>
      %dma_wait3A_100 = tpu.memref_slice %arg7[%run_scoped3A_30, %mul3A_29] : memref<16x10240xf32, #tpu.memory_space<vmem_shared>> -> memref<1x640xf32, #tpu.memory_space<vmem_shared>>
      %dma_wait3A_101 = tpu.memref_squeeze %dma_wait3A_100 : memref<1x640xf32, #tpu.memory_space<vmem_shared>> -> memref<640xf32, #tpu.memory_space<vmem_shared>>
      tpu.wait_dma2 semaphore(%run_scoped3A_83 : memref<!tpu.dma_semaphore, #tpu.memory_space<semaphore_mem>>) src(%dma_wait3A_101 : memref<640xf32, #tpu.memory_space<vmem_shared>>) dst(%dma_wait3A_99 : memref<640xf32, #tpu.memory_space<vmem>>)
      tpu.yield
    }) : () -> ()
    %mul3A_32 = arith.constant 640 : i32
    %mul3A_33 = arith.muli %arg1, %mul3A_32 : i32
    %run_scoped3A_34 = arith.constant 5 : i32
    %run_scoped3A_35 = arith.constant 5 : i32
    "tpu.region"() ({
      %run_scoped3A_83 = tpu.sem_alloc : memref<!tpu.dma_semaphore, #tpu.memory_space<semaphore_mem>>
      %dma_start3A = arith.constant 0 : i32
      %dma_start3A_84 = tpu.memref_slice %arg6[%run_scoped3A_35, %dma_start3A] : memref<16x640xf32, #tpu.memory_space<vmem>> -> memref<1x640xf32, #tpu.memory_space<vmem>>
      %dma_start3A_85 = tpu.memref_squeeze %dma_start3A_84 : memref<1x640xf32, #tpu.memory_space<vmem>> -> memref<640xf32, #tpu.memory_space<vmem>>
      %dma_start3A_86 = tpu.memref_slice %arg7[%run_scoped3A_34, %mul3A_33] : memref<16x10240xf32, #tpu.memory_space<vmem_shared>> -> memref<1x640xf32, #tpu.memory_space<vmem_shared>>
      %dma_start3A_87 = tpu.memref_squeeze %dma_start3A_86 : memref<1x640xf32, #tpu.memory_space<vmem_shared>> -> memref<640xf32, #tpu.memory_space<vmem_shared>>
      %dma_start3A_88 = arith.constant 0 : i32
      %dma_start3A_89 = tpu.memref_slice %arg6[%run_scoped3A_35, %dma_start3A_88] : memref<16x640xf32, #tpu.memory_space<vmem>> -> memref<1x640xf32, #tpu.memory_space<vmem>>
      %dma_start3A_90 = tpu.memref_squeeze %dma_start3A_89 : memref<1x640xf32, #tpu.memory_space<vmem>> -> memref<640xf32, #tpu.memory_space<vmem>>
      %dma_start3A_91 = tpu.memref_slice %arg7[%run_scoped3A_34, %mul3A_33] : memref<16x10240xf32, #tpu.memory_space<vmem_shared>> -> memref<1x640xf32, #tpu.memory_space<vmem_shared>>
      %dma_start3A_92 = tpu.memref_squeeze %dma_start3A_91 : memref<1x640xf32, #tpu.memory_space<vmem_shared>> -> memref<640xf32, #tpu.memory_space<vmem_shared>>
      tpu.enqueue_dma source(%dma_start3A_92 : memref<640xf32, #tpu.memory_space<vmem_shared>>) target(%dma_start3A_90 : memref<640xf32, #tpu.memory_space<vmem>>) target_semaphore(%run_scoped3A_83 : memref<!tpu.dma_semaphore, #tpu.memory_space<semaphore_mem>>)
      %dma_wait3A = arith.constant 0 : i32
      %dma_wait3A_93 = tpu.memref_slice %arg6[%run_scoped3A_35, %dma_wait3A] : memref<16x640xf32, #tpu.memory_space<vmem>> -> memref<1x640xf32, #tpu.memory_space<vmem>>
      %dma_wait3A_94 = tpu.memref_squeeze %dma_wait3A_93 : memref<1x640xf32, #tpu.memory_space<vmem>> -> memref<640xf32, #tpu.memory_space<vmem>>
      %dma_wait3A_95 = tpu.memref_slice %arg7[%run_scoped3A_34, %mul3A_33] : memref<16x10240xf32, #tpu.memory_space<vmem_shared>> -> memref<1x640xf32, #tpu.memory_space<vmem_shared>>
      %dma_wait3A_96 = tpu.memref_squeeze %dma_wait3A_95 : memref<1x640xf32, #tpu.memory_space<vmem_shared>> -> memref<640xf32, #tpu.memory_space<vmem_shared>>
      %dma_wait3A_97 = arith.constant 0 : i32
      %dma_wait3A_98 = tpu.memref_slice %arg6[%run_scoped3A_35, %dma_wait3A_97] : memref<16x640xf32, #tpu.memory_space<vmem>> -> memref<1x640xf32, #tpu.memory_space<vmem>>
      %dma_wait3A_99 = tpu.memref_squeeze %dma_wait3A_98 : memref<1x640xf32, #tpu.memory_space<vmem>> -> memref<640xf32, #tpu.memory_space<vmem>>
      %dma_wait3A_100 = tpu.memref_slice %arg7[%run_scoped3A_34, %mul3A_33] : memref<16x10240xf32, #tpu.memory_space<vmem_shared>> -> memref<1x640xf32, #tpu.memory_space<vmem_shared>>
      %dma_wait3A_101 = tpu.memref_squeeze %dma_wait3A_100 : memref<1x640xf32, #tpu.memory_space<vmem_shared>> -> memref<640xf32, #tpu.memory_space<vmem_shared>>
      tpu.wait_dma2 semaphore(%run_scoped3A_83 : memref<!tpu.dma_semaphore, #tpu.memory_space<semaphore_mem>>) src(%dma_wait3A_101 : memref<640xf32, #tpu.memory_space<vmem_shared>>) dst(%dma_wait3A_99 : memref<640xf32, #tpu.memory_space<vmem>>)
      tpu.yield
    }) : () -> ()
    %mul3A_36 = arith.constant 640 : i32
    %mul3A_37 = arith.muli %arg1, %mul3A_36 : i32
    %run_scoped3A_38 = arith.constant 6 : i32
    %run_scoped3A_39 = arith.constant 6 : i32
    "tpu.region"() ({
      %run_scoped3A_83 = tpu.sem_alloc : memref<!tpu.dma_semaphore, #tpu.memory_space<semaphore_mem>>
      %dma_start3A = arith.constant 0 : i32
      %dma_start3A_84 = tpu.memref_slice %arg6[%run_scoped3A_39, %dma_start3A] : memref<16x640xf32, #tpu.memory_space<vmem>> -> memref<1x640xf32, #tpu.memory_space<vmem>>
      %dma_start3A_85 = tpu.memref_squeeze %dma_start3A_84 : memref<1x640xf32, #tpu.memory_space<vmem>> -> memref<640xf32, #tpu.memory_space<vmem>>
      %dma_start3A_86 = tpu.memref_slice %arg7[%run_scoped3A_38, %mul3A_37] : memref<16x10240xf32, #tpu.memory_space<vmem_shared>> -> memref<1x640xf32, #tpu.memory_space<vmem_shared>>
      %dma_start3A_87 = tpu.memref_squeeze %dma_start3A_86 : memref<1x640xf32, #tpu.memory_space<vmem_shared>> -> memref<640xf32, #tpu.memory_space<vmem_shared>>
      %dma_start3A_88 = arith.constant 0 : i32
      %dma_start3A_89 = tpu.memref_slice %arg6[%run_scoped3A_39, %dma_start3A_88] : memref<16x640xf32, #tpu.memory_space<vmem>> -> memref<1x640xf32, #tpu.memory_space<vmem>>
      %dma_start3A_90 = tpu.memref_squeeze %dma_start3A_89 : memref<1x640xf32, #tpu.memory_space<vmem>> -> memref<640xf32, #tpu.memory_space<vmem>>
      %dma_start3A_91 = tpu.memref_slice %arg7[%run_scoped3A_38, %mul3A_37] : memref<16x10240xf32, #tpu.memory_space<vmem_shared>> -> memref<1x640xf32, #tpu.memory_space<vmem_shared>>
      %dma_start3A_92 = tpu.memref_squeeze %dma_start3A_91 : memref<1x640xf32, #tpu.memory_space<vmem_shared>> -> memref<640xf32, #tpu.memory_space<vmem_shared>>
      tpu.enqueue_dma source(%dma_start3A_92 : memref<640xf32, #tpu.memory_space<vmem_shared>>) target(%dma_start3A_90 : memref<640xf32, #tpu.memory_space<vmem>>) target_semaphore(%run_scoped3A_83 : memref<!tpu.dma_semaphore, #tpu.memory_space<semaphore_mem>>)
      %dma_wait3A = arith.constant 0 : i32
      %dma_wait3A_93 = tpu.memref_slice %arg6[%run_scoped3A_39, %dma_wait3A] : memref<16x640xf32, #tpu.memory_space<vmem>> -> memref<1x640xf32, #tpu.memory_space<vmem>>
      %dma_wait3A_94 = tpu.memref_squeeze %dma_wait3A_93 : memref<1x640xf32, #tpu.memory_space<vmem>> -> memref<640xf32, #tpu.memory_space<vmem>>
      %dma_wait3A_95 = tpu.memref_slice %arg7[%run_scoped3A_38, %mul3A_37] : memref<16x10240xf32, #tpu.memory_space<vmem_shared>> -> memref<1x640xf32, #tpu.memory_space<vmem_shared>>
      %dma_wait3A_96 = tpu.memref_squeeze %dma_wait3A_95 : memref<1x640xf32, #tpu.memory_space<vmem_shared>> -> memref<640xf32, #tpu.memory_space<vmem_shared>>
      %dma_wait3A_97 = arith.constant 0 : i32
      %dma_wait3A_98 = tpu.memref_slice %arg6[%run_scoped3A_39, %dma_wait3A_97] : memref<16x640xf32, #tpu.memory_space<vmem>> -> memref<1x640xf32, #tpu.memory_space<vmem>>
      %dma_wait3A_99 = tpu.memref_squeeze %dma_wait3A_98 : memref<1x640xf32, #tpu.memory_space<vmem>> -> memref<640xf32, #tpu.memory_space<vmem>>
      %dma_wait3A_100 = tpu.memref_slice %arg7[%run_scoped3A_38, %mul3A_37] : memref<16x10240xf32, #tpu.memory_space<vmem_shared>> -> memref<1x640xf32, #tpu.memory_space<vmem_shared>>
      %dma_wait3A_101 = tpu.memref_squeeze %dma_wait3A_100 : memref<1x640xf32, #tpu.memory_space<vmem_shared>> -> memref<640xf32, #tpu.memory_space<vmem_shared>>
      tpu.wait_dma2 semaphore(%run_scoped3A_83 : memref<!tpu.dma_semaphore, #tpu.memory_space<semaphore_mem>>) src(%dma_wait3A_101 : memref<640xf32, #tpu.memory_space<vmem_shared>>) dst(%dma_wait3A_99 : memref<640xf32, #tpu.memory_space<vmem>>)
      tpu.yield
    }) : () -> ()
    %mul3A_40 = arith.constant 640 : i32
    %mul3A_41 = arith.muli %arg1, %mul3A_40 : i32
    %run_scoped3A_42 = arith.constant 7 : i32
    %run_scoped3A_43 = arith.constant 7 : i32
    "tpu.region"() ({
      %run_scoped3A_83 = tpu.sem_alloc : memref<!tpu.dma_semaphore, #tpu.memory_space<semaphore_mem>>
      %dma_start3A = arith.constant 0 : i32
      %dma_start3A_84 = tpu.memref_slice %arg6[%run_scoped3A_43, %dma_start3A] : memref<16x640xf32, #tpu.memory_space<vmem>> -> memref<1x640xf32, #tpu.memory_space<vmem>>
      %dma_start3A_85 = tpu.memref_squeeze %dma_start3A_84 : memref<1x640xf32, #tpu.memory_space<vmem>> -> memref<640xf32, #tpu.memory_space<vmem>>
      %dma_start3A_86 = tpu.memref_slice %arg7[%run_scoped3A_42, %mul3A_41] : memref<16x10240xf32, #tpu.memory_space<vmem_shared>> -> memref<1x640xf32, #tpu.memory_space<vmem_shared>>
      %dma_start3A_87 = tpu.memref_squeeze %dma_start3A_86 : memref<1x640xf32, #tpu.memory_space<vmem_shared>> -> memref<640xf32, #tpu.memory_space<vmem_shared>>
      %dma_start3A_88 = arith.constant 0 : i32
      %dma_start3A_89 = tpu.memref_slice %arg6[%run_scoped3A_43, %dma_start3A_88] : memref<16x640xf32, #tpu.memory_space<vmem>> -> memref<1x640xf32, #tpu.memory_space<vmem>>
      %dma_start3A_90 = tpu.memref_squeeze %dma_start3A_89 : memref<1x640xf32, #tpu.memory_space<vmem>> -> memref<640xf32, #tpu.memory_space<vmem>>
      %dma_start3A_91 = tpu.memref_slice %arg7[%run_scoped3A_42, %mul3A_41] : memref<16x10240xf32, #tpu.memory_space<vmem_shared>> -> memref<1x640xf32, #tpu.memory_space<vmem_shared>>
      %dma_start3A_92 = tpu.memref_squeeze %dma_start3A_91 : memref<1x640xf32, #tpu.memory_space<vmem_shared>> -> memref<640xf32, #tpu.memory_space<vmem_shared>>
      tpu.enqueue_dma source(%dma_start3A_92 : memref<640xf32, #tpu.memory_space<vmem_shared>>) target(%dma_start3A_90 : memref<640xf32, #tpu.memory_space<vmem>>) target_semaphore(%run_scoped3A_83 : memref<!tpu.dma_semaphore, #tpu.memory_space<semaphore_mem>>)
      %dma_wait3A = arith.constant 0 : i32
      %dma_wait3A_93 = tpu.memref_slice %arg6[%run_scoped3A_43, %dma_wait3A] : memref<16x640xf32, #tpu.memory_space<vmem>> -> memref<1x640xf32, #tpu.memory_space<vmem>>
      %dma_wait3A_94 = tpu.memref_squeeze %dma_wait3A_93 : memref<1x640xf32, #tpu.memory_space<vmem>> -> memref<640xf32, #tpu.memory_space<vmem>>
      %dma_wait3A_95 = tpu.memref_slice %arg7[%run_scoped3A_42, %mul3A_41] : memref<16x10240xf32, #tpu.memory_space<vmem_shared>> -> memref<1x640xf32, #tpu.memory_space<vmem_shared>>
      %dma_wait3A_96 = tpu.memref_squeeze %dma_wait3A_95 : memref<1x640xf32, #tpu.memory_space<vmem_shared>> -> memref<640xf32, #tpu.memory_space<vmem_shared>>
      %dma_wait3A_97 = arith.constant 0 : i32
      %dma_wait3A_98 = tpu.memref_slice %arg6[%run_scoped3A_43, %dma_wait3A_97] : memref<16x640xf32, #tpu.memory_space<vmem>> -> memref<1x640xf32, #tpu.memory_space<vmem>>
      %dma_wait3A_99 = tpu.memref_squeeze %dma_wait3A_98 : memref<1x640xf32, #tpu.memory_space<vmem>> -> memref<640xf32, #tpu.memory_space<vmem>>
      %dma_wait3A_100 = tpu.memref_slice %arg7[%run_scoped3A_42, %mul3A_41] : memref<16x10240xf32, #tpu.memory_space<vmem_shared>> -> memref<1x640xf32, #tpu.memory_space<vmem_shared>>
      %dma_wait3A_101 = tpu.memref_squeeze %dma_wait3A_100 : memref<1x640xf32, #tpu.memory_space<vmem_shared>> -> memref<640xf32, #tpu.memory_space<vmem_shared>>
      tpu.wait_dma2 semaphore(%run_scoped3A_83 : memref<!tpu.dma_semaphore, #tpu.memory_space<semaphore_mem>>) src(%dma_wait3A_101 : memref<640xf32, #tpu.memory_space<vmem_shared>>) dst(%dma_wait3A_99 : memref<640xf32, #tpu.memory_space<vmem>>)
      tpu.yield
    }) : () -> ()
    %mul3A_44 = arith.constant 640 : i32
    %mul3A_45 = arith.muli %arg1, %mul3A_44 : i32
    %run_scoped3A_46 = arith.constant 8 : i32
    %run_scoped3A_47 = arith.constant 8 : i32
    "tpu.region"() ({
      %run_scoped3A_83 = tpu.sem_alloc : memref<!tpu.dma_semaphore, #tpu.memory_space<semaphore_mem>>
      %dma_start3A = arith.constant 0 : i32
      %dma_start3A_84 = tpu.memref_slice %arg6[%run_scoped3A_47, %dma_start3A] : memref<16x640xf32, #tpu.memory_space<vmem>> -> memref<1x640xf32, #tpu.memory_space<vmem>>
      %dma_start3A_85 = tpu.memref_squeeze %dma_start3A_84 : memref<1x640xf32, #tpu.memory_space<vmem>> -> memref<640xf32, #tpu.memory_space<vmem>>
      %dma_start3A_86 = tpu.memref_slice %arg7[%run_scoped3A_46, %mul3A_45] : memref<16x10240xf32, #tpu.memory_space<vmem_shared>> -> memref<1x640xf32, #tpu.memory_space<vmem_shared>>
      %dma_start3A_87 = tpu.memref_squeeze %dma_start3A_86 : memref<1x640xf32, #tpu.memory_space<vmem_shared>> -> memref<640xf32, #tpu.memory_space<vmem_shared>>
      %dma_start3A_88 = arith.constant 0 : i32
      %dma_start3A_89 = tpu.memref_slice %arg6[%run_scoped3A_47, %dma_start3A_88] : memref<16x640xf32, #tpu.memory_space<vmem>> -> memref<1x640xf32, #tpu.memory_space<vmem>>
      %dma_start3A_90 = tpu.memref_squeeze %dma_start3A_89 : memref<1x640xf32, #tpu.memory_space<vmem>> -> memref<640xf32, #tpu.memory_space<vmem>>
      %dma_start3A_91 = tpu.memref_slice %arg7[%run_scoped3A_46, %mul3A_45] : memref<16x10240xf32, #tpu.memory_space<vmem_shared>> -> memref<1x640xf32, #tpu.memory_space<vmem_shared>>
      %dma_start3A_92 = tpu.memref_squeeze %dma_start3A_91 : memref<1x640xf32, #tpu.memory_space<vmem_shared>> -> memref<640xf32, #tpu.memory_space<vmem_shared>>
      tpu.enqueue_dma source(%dma_start3A_92 : memref<640xf32, #tpu.memory_space<vmem_shared>>) target(%dma_start3A_90 : memref<640xf32, #tpu.memory_space<vmem>>) target_semaphore(%run_scoped3A_83 : memref<!tpu.dma_semaphore, #tpu.memory_space<semaphore_mem>>)
      %dma_wait3A = arith.constant 0 : i32
      %dma_wait3A_93 = tpu.memref_slice %arg6[%run_scoped3A_47, %dma_wait3A] : memref<16x640xf32, #tpu.memory_space<vmem>> -> memref<1x640xf32, #tpu.memory_space<vmem>>
      %dma_wait3A_94 = tpu.memref_squeeze %dma_wait3A_93 : memref<1x640xf32, #tpu.memory_space<vmem>> -> memref<640xf32, #tpu.memory_space<vmem>>
      %dma_wait3A_95 = tpu.memref_slice %arg7[%run_scoped3A_46, %mul3A_45] : memref<16x10240xf32, #tpu.memory_space<vmem_shared>> -> memref<1x640xf32, #tpu.memory_space<vmem_shared>>
      %dma_wait3A_96 = tpu.memref_squeeze %dma_wait3A_95 : memref<1x640xf32, #tpu.memory_space<vmem_shared>> -> memref<640xf32, #tpu.memory_space<vmem_shared>>
      %dma_wait3A_97 = arith.constant 0 : i32
      %dma_wait3A_98 = tpu.memref_slice %arg6[%run_scoped3A_47, %dma_wait3A_97] : memref<16x640xf32, #tpu.memory_space<vmem>> -> memref<1x640xf32, #tpu.memory_space<vmem>>
      %dma_wait3A_99 = tpu.memref_squeeze %dma_wait3A_98 : memref<1x640xf32, #tpu.memory_space<vmem>> -> memref<640xf32, #tpu.memory_space<vmem>>
      %dma_wait3A_100 = tpu.memref_slice %arg7[%run_scoped3A_46, %mul3A_45] : memref<16x10240xf32, #tpu.memory_space<vmem_shared>> -> memref<1x640xf32, #tpu.memory_space<vmem_shared>>
      %dma_wait3A_101 = tpu.memref_squeeze %dma_wait3A_100 : memref<1x640xf32, #tpu.memory_space<vmem_shared>> -> memref<640xf32, #tpu.memory_space<vmem_shared>>
      tpu.wait_dma2 semaphore(%run_scoped3A_83 : memref<!tpu.dma_semaphore, #tpu.memory_space<semaphore_mem>>) src(%dma_wait3A_101 : memref<640xf32, #tpu.memory_space<vmem_shared>>) dst(%dma_wait3A_99 : memref<640xf32, #tpu.memory_space<vmem>>)
      tpu.yield
    }) : () -> ()
    %mul3A_48 = arith.constant 640 : i32
    %mul3A_49 = arith.muli %arg1, %mul3A_48 : i32
    %run_scoped3A_50 = arith.constant 9 : i32
    %run_scoped3A_51 = arith.constant 9 : i32
    "tpu.region"() ({
      %run_scoped3A_83 = tpu.sem_alloc : memref<!tpu.dma_semaphore, #tpu.memory_space<semaphore_mem>>
      %dma_start3A = arith.constant 0 : i32
      %dma_start3A_84 = tpu.memref_slice %arg6[%run_scoped3A_51, %dma_start3A] : memref<16x640xf32, #tpu.memory_space<vmem>> -> memref<1x640xf32, #tpu.memory_space<vmem>>
      %dma_start3A_85 = tpu.memref_squeeze %dma_start3A_84 : memref<1x640xf32, #tpu.memory_space<vmem>> -> memref<640xf32, #tpu.memory_space<vmem>>
      %dma_start3A_86 = tpu.memref_slice %arg7[%run_scoped3A_50, %mul3A_49] : memref<16x10240xf32, #tpu.memory_space<vmem_shared>> -> memref<1x640xf32, #tpu.memory_space<vmem_shared>>
      %dma_start3A_87 = tpu.memref_squeeze %dma_start3A_86 : memref<1x640xf32, #tpu.memory_space<vmem_shared>> -> memref<640xf32, #tpu.memory_space<vmem_shared>>
      %dma_start3A_88 = arith.constant 0 : i32
      %dma_start3A_89 = tpu.memref_slice %arg6[%run_scoped3A_51, %dma_start3A_88] : memref<16x640xf32, #tpu.memory_space<vmem>> -> memref<1x640xf32, #tpu.memory_space<vmem>>
      %dma_start3A_90 = tpu.memref_squeeze %dma_start3A_89 : memref<1x640xf32, #tpu.memory_space<vmem>> -> memref<640xf32, #tpu.memory_space<vmem>>
      %dma_start3A_91 = tpu.memref_slice %arg7[%run_scoped3A_50, %mul3A_49] : memref<16x10240xf32, #tpu.memory_space<vmem_shared>> -> memref<1x640xf32, #tpu.memory_space<vmem_shared>>
      %dma_start3A_92 = tpu.memref_squeeze %dma_start3A_91 : memref<1x640xf32, #tpu.memory_space<vmem_shared>> -> memref<640xf32, #tpu.memory_space<vmem_shared>>
      tpu.enqueue_dma source(%dma_start3A_92 : memref<640xf32, #tpu.memory_space<vmem_shared>>) target(%dma_start3A_90 : memref<640xf32, #tpu.memory_space<vmem>>) target_semaphore(%run_scoped3A_83 : memref<!tpu.dma_semaphore, #tpu.memory_space<semaphore_mem>>)
      %dma_wait3A = arith.constant 0 : i32
      %dma_wait3A_93 = tpu.memref_slice %arg6[%run_scoped3A_51, %dma_wait3A] : memref<16x640xf32, #tpu.memory_space<vmem>> -> memref<1x640xf32, #tpu.memory_space<vmem>>
      %dma_wait3A_94 = tpu.memref_squeeze %dma_wait3A_93 : memref<1x640xf32, #tpu.memory_space<vmem>> -> memref<640xf32, #tpu.memory_space<vmem>>
      %dma_wait3A_95 = tpu.memref_slice %arg7[%run_scoped3A_50, %mul3A_49] : memref<16x10240xf32, #tpu.memory_space<vmem_shared>> -> memref<1x640xf32, #tpu.memory_space<vmem_shared>>
      %dma_wait3A_96 = tpu.memref_squeeze %dma_wait3A_95 : memref<1x640xf32, #tpu.memory_space<vmem_shared>> -> memref<640xf32, #tpu.memory_space<vmem_shared>>
      %dma_wait3A_97 = arith.constant 0 : i32
      %dma_wait3A_98 = tpu.memref_slice %arg6[%run_scoped3A_51, %dma_wait3A_97] : memref<16x640xf32, #tpu.memory_space<vmem>> -> memref<1x640xf32, #tpu.memory_space<vmem>>
      %dma_wait3A_99 = tpu.memref_squeeze %dma_wait3A_98 : memref<1x640xf32, #tpu.memory_space<vmem>> -> memref<640xf32, #tpu.memory_space<vmem>>
      %dma_wait3A_100 = tpu.memref_slice %arg7[%run_scoped3A_50, %mul3A_49] : memref<16x10240xf32, #tpu.memory_space<vmem_shared>> -> memref<1x640xf32, #tpu.memory_space<vmem_shared>>
      %dma_wait3A_101 = tpu.memref_squeeze %dma_wait3A_100 : memref<1x640xf32, #tpu.memory_space<vmem_shared>> -> memref<640xf32, #tpu.memory_space<vmem_shared>>
      tpu.wait_dma2 semaphore(%run_scoped3A_83 : memref<!tpu.dma_semaphore, #tpu.memory_space<semaphore_mem>>) src(%dma_wait3A_101 : memref<640xf32, #tpu.memory_space<vmem_shared>>) dst(%dma_wait3A_99 : memref<640xf32, #tpu.memory_space<vmem>>)
      tpu.yield
    }) : () -> ()
    %mul3A_52 = arith.constant 640 : i32
    %mul3A_53 = arith.muli %arg1, %mul3A_52 : i32
    %run_scoped3A_54 = arith.constant 10 : i32
    %run_scoped3A_55 = arith.constant 10 : i32
    "tpu.region"() ({
      %run_scoped3A_83 = tpu.sem_alloc : memref<!tpu.dma_semaphore, #tpu.memory_space<semaphore_mem>>
      %dma_start3A = arith.constant 0 : i32
      %dma_start3A_84 = tpu.memref_slice %arg6[%run_scoped3A_55, %dma_start3A] : memref<16x640xf32, #tpu.memory_space<vmem>> -> memref<1x640xf32, #tpu.memory_space<vmem>>
      %dma_start3A_85 = tpu.memref_squeeze %dma_start3A_84 : memref<1x640xf32, #tpu.memory_space<vmem>> -> memref<640xf32, #tpu.memory_space<vmem>>
      %dma_start3A_86 = tpu.memref_slice %arg7[%run_scoped3A_54, %mul3A_53] : memref<16x10240xf32, #tpu.memory_space<vmem_shared>> -> memref<1x640xf32, #tpu.memory_space<vmem_shared>>
      %dma_start3A_87 = tpu.memref_squeeze %dma_start3A_86 : memref<1x640xf32, #tpu.memory_space<vmem_shared>> -> memref<640xf32, #tpu.memory_space<vmem_shared>>
      %dma_start3A_88 = arith.constant 0 : i32
      %dma_start3A_89 = tpu.memref_slice %arg6[%run_scoped3A_55, %dma_start3A_88] : memref<16x640xf32, #tpu.memory_space<vmem>> -> memref<1x640xf32, #tpu.memory_space<vmem>>
      %dma_start3A_90 = tpu.memref_squeeze %dma_start3A_89 : memref<1x640xf32, #tpu.memory_space<vmem>> -> memref<640xf32, #tpu.memory_space<vmem>>
      %dma_start3A_91 = tpu.memref_slice %arg7[%run_scoped3A_54, %mul3A_53] : memref<16x10240xf32, #tpu.memory_space<vmem_shared>> -> memref<1x640xf32, #tpu.memory_space<vmem_shared>>
      %dma_start3A_92 = tpu.memref_squeeze %dma_start3A_91 : memref<1x640xf32, #tpu.memory_space<vmem_shared>> -> memref<640xf32, #tpu.memory_space<vmem_shared>>
      tpu.enqueue_dma source(%dma_start3A_92 : memref<640xf32, #tpu.memory_space<vmem_shared>>) target(%dma_start3A_90 : memref<640xf32, #tpu.memory_space<vmem>>) target_semaphore(%run_scoped3A_83 : memref<!tpu.dma_semaphore, #tpu.memory_space<semaphore_mem>>)
      %dma_wait3A = arith.constant 0 : i32
      %dma_wait3A_93 = tpu.memref_slice %arg6[%run_scoped3A_55, %dma_wait3A] : memref<16x640xf32, #tpu.memory_space<vmem>> -> memref<1x640xf32, #tpu.memory_space<vmem>>
      %dma_wait3A_94 = tpu.memref_squeeze %dma_wait3A_93 : memref<1x640xf32, #tpu.memory_space<vmem>> -> memref<640xf32, #tpu.memory_space<vmem>>
      %dma_wait3A_95 = tpu.memref_slice %arg7[%run_scoped3A_54, %mul3A_53] : memref<16x10240xf32, #tpu.memory_space<vmem_shared>> -> memref<1x640xf32, #tpu.memory_space<vmem_shared>>
      %dma_wait3A_96 = tpu.memref_squeeze %dma_wait3A_95 : memref<1x640xf32, #tpu.memory_space<vmem_shared>> -> memref<640xf32, #tpu.memory_space<vmem_shared>>
      %dma_wait3A_97 = arith.constant 0 : i32
      %dma_wait3A_98 = tpu.memref_slice %arg6[%run_scoped3A_55, %dma_wait3A_97] : memref<16x640xf32, #tpu.memory_space<vmem>> -> memref<1x640xf32, #tpu.memory_space<vmem>>
      %dma_wait3A_99 = tpu.memref_squeeze %dma_wait3A_98 : memref<1x640xf32, #tpu.memory_space<vmem>> -> memref<640xf32, #tpu.memory_space<vmem>>
      %dma_wait3A_100 = tpu.memref_slice %arg7[%run_scoped3A_54, %mul3A_53] : memref<16x10240xf32, #tpu.memory_space<vmem_shared>> -> memref<1x640xf32, #tpu.memory_space<vmem_shared>>
      %dma_wait3A_101 = tpu.memref_squeeze %dma_wait3A_100 : memref<1x640xf32, #tpu.memory_space<vmem_shared>> -> memref<640xf32, #tpu.memory_space<vmem_shared>>
      tpu.wait_dma2 semaphore(%run_scoped3A_83 : memref<!tpu.dma_semaphore, #tpu.memory_space<semaphore_mem>>) src(%dma_wait3A_101 : memref<640xf32, #tpu.memory_space<vmem_shared>>) dst(%dma_wait3A_99 : memref<640xf32, #tpu.memory_space<vmem>>)
      tpu.yield
    }) : () -> ()
    %mul3A_56 = arith.constant 640 : i32
    %mul3A_57 = arith.muli %arg1, %mul3A_56 : i32
    %run_scoped3A_58 = arith.constant 11 : i32
    %run_scoped3A_59 = arith.constant 11 : i32
    "tpu.region"() ({
      %run_scoped3A_83 = tpu.sem_alloc : memref<!tpu.dma_semaphore, #tpu.memory_space<semaphore_mem>>
      %dma_start3A = arith.constant 0 : i32
      %dma_start3A_84 = tpu.memref_slice %arg6[%run_scoped3A_59, %dma_start3A] : memref<16x640xf32, #tpu.memory_space<vmem>> -> memref<1x640xf32, #tpu.memory_space<vmem>>
      %dma_start3A_85 = tpu.memref_squeeze %dma_start3A_84 : memref<1x640xf32, #tpu.memory_space<vmem>> -> memref<640xf32, #tpu.memory_space<vmem>>
      %dma_start3A_86 = tpu.memref_slice %arg7[%run_scoped3A_58, %mul3A_57] : memref<16x10240xf32, #tpu.memory_space<vmem_shared>> -> memref<1x640xf32, #tpu.memory_space<vmem_shared>>
      %dma_start3A_87 = tpu.memref_squeeze %dma_start3A_86 : memref<1x640xf32, #tpu.memory_space<vmem_shared>> -> memref<640xf32, #tpu.memory_space<vmem_shared>>
      %dma_start3A_88 = arith.constant 0 : i32
      %dma_start3A_89 = tpu.memref_slice %arg6[%run_scoped3A_59, %dma_start3A_88] : memref<16x640xf32, #tpu.memory_space<vmem>> -> memref<1x640xf32, #tpu.memory_space<vmem>>
      %dma_start3A_90 = tpu.memref_squeeze %dma_start3A_89 : memref<1x640xf32, #tpu.memory_space<vmem>> -> memref<640xf32, #tpu.memory_space<vmem>>
      %dma_start3A_91 = tpu.memref_slice %arg7[%run_scoped3A_58, %mul3A_57] : memref<16x10240xf32, #tpu.memory_space<vmem_shared>> -> memref<1x640xf32, #tpu.memory_space<vmem_shared>>
      %dma_start3A_92 = tpu.memref_squeeze %dma_start3A_91 : memref<1x640xf32, #tpu.memory_space<vmem_shared>> -> memref<640xf32, #tpu.memory_space<vmem_shared>>
      tpu.enqueue_dma source(%dma_start3A_92 : memref<640xf32, #tpu.memory_space<vmem_shared>>) target(%dma_start3A_90 : memref<640xf32, #tpu.memory_space<vmem>>) target_semaphore(%run_scoped3A_83 : memref<!tpu.dma_semaphore, #tpu.memory_space<semaphore_mem>>)
      %dma_wait3A = arith.constant 0 : i32
      %dma_wait3A_93 = tpu.memref_slice %arg6[%run_scoped3A_59, %dma_wait3A] : memref<16x640xf32, #tpu.memory_space<vmem>> -> memref<1x640xf32, #tpu.memory_space<vmem>>
      %dma_wait3A_94 = tpu.memref_squeeze %dma_wait3A_93 : memref<1x640xf32, #tpu.memory_space<vmem>> -> memref<640xf32, #tpu.memory_space<vmem>>
      %dma_wait3A_95 = tpu.memref_slice %arg7[%run_scoped3A_58, %mul3A_57] : memref<16x10240xf32, #tpu.memory_space<vmem_shared>> -> memref<1x640xf32, #tpu.memory_space<vmem_shared>>
      %dma_wait3A_96 = tpu.memref_squeeze %dma_wait3A_95 : memref<1x640xf32, #tpu.memory_space<vmem_shared>> -> memref<640xf32, #tpu.memory_space<vmem_shared>>
      %dma_wait3A_97 = arith.constant 0 : i32
      %dma_wait3A_98 = tpu.memref_slice %arg6[%run_scoped3A_59, %dma_wait3A_97] : memref<16x640xf32, #tpu.memory_space<vmem>> -> memref<1x640xf32, #tpu.memory_space<vmem>>
      %dma_wait3A_99 = tpu.memref_squeeze %dma_wait3A_98 : memref<1x640xf32, #tpu.memory_space<vmem>> -> memref<640xf32, #tpu.memory_space<vmem>>
      %dma_wait3A_100 = tpu.memref_slice %arg7[%run_scoped3A_58, %mul3A_57] : memref<16x10240xf32, #tpu.memory_space<vmem_shared>> -> memref<1x640xf32, #tpu.memory_space<vmem_shared>>
      %dma_wait3A_101 = tpu.memref_squeeze %dma_wait3A_100 : memref<1x640xf32, #tpu.memory_space<vmem_shared>> -> memref<640xf32, #tpu.memory_space<vmem_shared>>
      tpu.wait_dma2 semaphore(%run_scoped3A_83 : memref<!tpu.dma_semaphore, #tpu.memory_space<semaphore_mem>>) src(%dma_wait3A_101 : memref<640xf32, #tpu.memory_space<vmem_shared>>) dst(%dma_wait3A_99 : memref<640xf32, #tpu.memory_space<vmem>>)
      tpu.yield
    }) : () -> ()
    %mul3A_60 = arith.constant 640 : i32
    %mul3A_61 = arith.muli %arg1, %mul3A_60 : i32
    %run_scoped3A_62 = arith.constant 12 : i32
    %run_scoped3A_63 = arith.constant 12 : i32
    "tpu.region"() ({
      %run_scoped3A_83 = tpu.sem_alloc : memref<!tpu.dma_semaphore, #tpu.memory_space<semaphore_mem>>
      %dma_start3A = arith.constant 0 : i32
      %dma_start3A_84 = tpu.memref_slice %arg6[%run_scoped3A_63, %dma_start3A] : memref<16x640xf32, #tpu.memory_space<vmem>> -> memref<1x640xf32, #tpu.memory_space<vmem>>
      %dma_start3A_85 = tpu.memref_squeeze %dma_start3A_84 : memref<1x640xf32, #tpu.memory_space<vmem>> -> memref<640xf32, #tpu.memory_space<vmem>>
      %dma_start3A_86 = tpu.memref_slice %arg7[%run_scoped3A_62, %mul3A_61] : memref<16x10240xf32, #tpu.memory_space<vmem_shared>> -> memref<1x640xf32, #tpu.memory_space<vmem_shared>>
      %dma_start3A_87 = tpu.memref_squeeze %dma_start3A_86 : memref<1x640xf32, #tpu.memory_space<vmem_shared>> -> memref<640xf32, #tpu.memory_space<vmem_shared>>
      %dma_start3A_88 = arith.constant 0 : i32
      %dma_start3A_89 = tpu.memref_slice %arg6[%run_scoped3A_63, %dma_start3A_88] : memref<16x640xf32, #tpu.memory_space<vmem>> -> memref<1x640xf32, #tpu.memory_space<vmem>>
      %dma_start3A_90 = tpu.memref_squeeze %dma_start3A_89 : memref<1x640xf32, #tpu.memory_space<vmem>> -> memref<640xf32, #tpu.memory_space<vmem>>
      %dma_start3A_91 = tpu.memref_slice %arg7[%run_scoped3A_62, %mul3A_61] : memref<16x10240xf32, #tpu.memory_space<vmem_shared>> -> memref<1x640xf32, #tpu.memory_space<vmem_shared>>
      %dma_start3A_92 = tpu.memref_squeeze %dma_start3A_91 : memref<1x640xf32, #tpu.memory_space<vmem_shared>> -> memref<640xf32, #tpu.memory_space<vmem_shared>>
      tpu.enqueue_dma source(%dma_start3A_92 : memref<640xf32, #tpu.memory_space<vmem_shared>>) target(%dma_start3A_90 : memref<640xf32, #tpu.memory_space<vmem>>) target_semaphore(%run_scoped3A_83 : memref<!tpu.dma_semaphore, #tpu.memory_space<semaphore_mem>>)
      %dma_wait3A = arith.constant 0 : i32
      %dma_wait3A_93 = tpu.memref_slice %arg6[%run_scoped3A_63, %dma_wait3A] : memref<16x640xf32, #tpu.memory_space<vmem>> -> memref<1x640xf32, #tpu.memory_space<vmem>>
      %dma_wait3A_94 = tpu.memref_squeeze %dma_wait3A_93 : memref<1x640xf32, #tpu.memory_space<vmem>> -> memref<640xf32, #tpu.memory_space<vmem>>
      %dma_wait3A_95 = tpu.memref_slice %arg7[%run_scoped3A_62, %mul3A_61] : memref<16x10240xf32, #tpu.memory_space<vmem_shared>> -> memref<1x640xf32, #tpu.memory_space<vmem_shared>>
      %dma_wait3A_96 = tpu.memref_squeeze %dma_wait3A_95 : memref<1x640xf32, #tpu.memory_space<vmem_shared>> -> memref<640xf32, #tpu.memory_space<vmem_shared>>
      %dma_wait3A_97 = arith.constant 0 : i32
      %dma_wait3A_98 = tpu.memref_slice %arg6[%run_scoped3A_63, %dma_wait3A_97] : memref<16x640xf32, #tpu.memory_space<vmem>> -> memref<1x640xf32, #tpu.memory_space<vmem>>
      %dma_wait3A_99 = tpu.memref_squeeze %dma_wait3A_98 : memref<1x640xf32, #tpu.memory_space<vmem>> -> memref<640xf32, #tpu.memory_space<vmem>>
      %dma_wait3A_100 = tpu.memref_slice %arg7[%run_scoped3A_62, %mul3A_61] : memref<16x10240xf32, #tpu.memory_space<vmem_shared>> -> memref<1x640xf32, #tpu.memory_space<vmem_shared>>
      %dma_wait3A_101 = tpu.memref_squeeze %dma_wait3A_100 : memref<1x640xf32, #tpu.memory_space<vmem_shared>> -> memref<640xf32, #tpu.memory_space<vmem_shared>>
      tpu.wait_dma2 semaphore(%run_scoped3A_83 : memref<!tpu.dma_semaphore, #tpu.memory_space<semaphore_mem>>) src(%dma_wait3A_101 : memref<640xf32, #tpu.memory_space<vmem_shared>>) dst(%dma_wait3A_99 : memref<640xf32, #tpu.memory_space<vmem>>)
      tpu.yield
    }) : () -> ()
    %mul3A_64 = arith.constant 640 : i32
    %mul3A_65 = arith.muli %arg1, %mul3A_64 : i32
    %run_scoped3A_66 = arith.constant 13 : i32
    %run_scoped3A_67 = arith.constant 13 : i32
    "tpu.region"() ({
      %run_scoped3A_83 = tpu.sem_alloc : memref<!tpu.dma_semaphore, #tpu.memory_space<semaphore_mem>>
      %dma_start3A = arith.constant 0 : i32
      %dma_start3A_84 = tpu.memref_slice %arg6[%run_scoped3A_67, %dma_start3A] : memref<16x640xf32, #tpu.memory_space<vmem>> -> memref<1x640xf32, #tpu.memory_space<vmem>>
      %dma_start3A_85 = tpu.memref_squeeze %dma_start3A_84 : memref<1x640xf32, #tpu.memory_space<vmem>> -> memref<640xf32, #tpu.memory_space<vmem>>
      %dma_start3A_86 = tpu.memref_slice %arg7[%run_scoped3A_66, %mul3A_65] : memref<16x10240xf32, #tpu.memory_space<vmem_shared>> -> memref<1x640xf32, #tpu.memory_space<vmem_shared>>
      %dma_start3A_87 = tpu.memref_squeeze %dma_start3A_86 : memref<1x640xf32, #tpu.memory_space<vmem_shared>> -> memref<640xf32, #tpu.memory_space<vmem_shared>>
      %dma_start3A_88 = arith.constant 0 : i32
      %dma_start3A_89 = tpu.memref_slice %arg6[%run_scoped3A_67, %dma_start3A_88] : memref<16x640xf32, #tpu.memory_space<vmem>> -> memref<1x640xf32, #tpu.memory_space<vmem>>
      %dma_start3A_90 = tpu.memref_squeeze %dma_start3A_89 : memref<1x640xf32, #tpu.memory_space<vmem>> -> memref<640xf32, #tpu.memory_space<vmem>>
      %dma_start3A_91 = tpu.memref_slice %arg7[%run_scoped3A_66, %mul3A_65] : memref<16x10240xf32, #tpu.memory_space<vmem_shared>> -> memref<1x640xf32, #tpu.memory_space<vmem_shared>>
      %dma_start3A_92 = tpu.memref_squeeze %dma_start3A_91 : memref<1x640xf32, #tpu.memory_space<vmem_shared>> -> memref<640xf32, #tpu.memory_space<vmem_shared>>
      tpu.enqueue_dma source(%dma_start3A_92 : memref<640xf32, #tpu.memory_space<vmem_shared>>) target(%dma_start3A_90 : memref<640xf32, #tpu.memory_space<vmem>>) target_semaphore(%run_scoped3A_83 : memref<!tpu.dma_semaphore, #tpu.memory_space<semaphore_mem>>)
      %dma_wait3A = arith.constant 0 : i32
      %dma_wait3A_93 = tpu.memref_slice %arg6[%run_scoped3A_67, %dma_wait3A] : memref<16x640xf32, #tpu.memory_space<vmem>> -> memref<1x640xf32, #tpu.memory_space<vmem>>
      %dma_wait3A_94 = tpu.memref_squeeze %dma_wait3A_93 : memref<1x640xf32, #tpu.memory_space<vmem>> -> memref<640xf32, #tpu.memory_space<vmem>>
      %dma_wait3A_95 = tpu.memref_slice %arg7[%run_scoped3A_66, %mul3A_65] : memref<16x10240xf32, #tpu.memory_space<vmem_shared>> -> memref<1x640xf32, #tpu.memory_space<vmem_shared>>
      %dma_wait3A_96 = tpu.memref_squeeze %dma_wait3A_95 : memref<1x640xf32, #tpu.memory_space<vmem_shared>> -> memref<640xf32, #tpu.memory_space<vmem_shared>>
      %dma_wait3A_97 = arith.constant 0 : i32
      %dma_wait3A_98 = tpu.memref_slice %arg6[%run_scoped3A_67, %dma_wait3A_97] : memref<16x640xf32, #tpu.memory_space<vmem>> -> memref<1x640xf32, #tpu.memory_space<vmem>>
      %dma_wait3A_99 = tpu.memref_squeeze %dma_wait3A_98 : memref<1x640xf32, #tpu.memory_space<vmem>> -> memref<640xf32, #tpu.memory_space<vmem>>
      %dma_wait3A_100 = tpu.memref_slice %arg7[%run_scoped3A_66, %mul3A_65] : memref<16x10240xf32, #tpu.memory_space<vmem_shared>> -> memref<1x640xf32, #tpu.memory_space<vmem_shared>>
      %dma_wait3A_101 = tpu.memref_squeeze %dma_wait3A_100 : memref<1x640xf32, #tpu.memory_space<vmem_shared>> -> memref<640xf32, #tpu.memory_space<vmem_shared>>
      tpu.wait_dma2 semaphore(%run_scoped3A_83 : memref<!tpu.dma_semaphore, #tpu.memory_space<semaphore_mem>>) src(%dma_wait3A_101 : memref<640xf32, #tpu.memory_space<vmem_shared>>) dst(%dma_wait3A_99 : memref<640xf32, #tpu.memory_space<vmem>>)
      tpu.yield
    }) : () -> ()
    %mul3A_68 = arith.constant 640 : i32
    %mul3A_69 = arith.muli %arg1, %mul3A_68 : i32
    %run_scoped3A_70 = arith.constant 14 : i32
    %run_scoped3A_71 = arith.constant 14 : i32
    "tpu.region"() ({
      %run_scoped3A_83 = tpu.sem_alloc : memref<!tpu.dma_semaphore, #tpu.memory_space<semaphore_mem>>
      %dma_start3A = arith.constant 0 : i32
      %dma_start3A_84 = tpu.memref_slice %arg6[%run_scoped3A_71, %dma_start3A] : memref<16x640xf32, #tpu.memory_space<vmem>> -> memref<1x640xf32, #tpu.memory_space<vmem>>
      %dma_start3A_85 = tpu.memref_squeeze %dma_start3A_84 : memref<1x640xf32, #tpu.memory_space<vmem>> -> memref<640xf32, #tpu.memory_space<vmem>>
      %dma_start3A_86 = tpu.memref_slice %arg7[%run_scoped3A_70, %mul3A_69] : memref<16x10240xf32, #tpu.memory_space<vmem_shared>> -> memref<1x640xf32, #tpu.memory_space<vmem_shared>>
      %dma_start3A_87 = tpu.memref_squeeze %dma_start3A_86 : memref<1x640xf32, #tpu.memory_space<vmem_shared>> -> memref<640xf32, #tpu.memory_space<vmem_shared>>
      %dma_start3A_88 = arith.constant 0 : i32
      %dma_start3A_89 = tpu.memref_slice %arg6[%run_scoped3A_71, %dma_start3A_88] : memref<16x640xf32, #tpu.memory_space<vmem>> -> memref<1x640xf32, #tpu.memory_space<vmem>>
      %dma_start3A_90 = tpu.memref_squeeze %dma_start3A_89 : memref<1x640xf32, #tpu.memory_space<vmem>> -> memref<640xf32, #tpu.memory_space<vmem>>
      %dma_start3A_91 = tpu.memref_slice %arg7[%run_scoped3A_70, %mul3A_69] : memref<16x10240xf32, #tpu.memory_space<vmem_shared>> -> memref<1x640xf32, #tpu.memory_space<vmem_shared>>
      %dma_start3A_92 = tpu.memref_squeeze %dma_start3A_91 : memref<1x640xf32, #tpu.memory_space<vmem_shared>> -> memref<640xf32, #tpu.memory_space<vmem_shared>>
      tpu.enqueue_dma source(%dma_start3A_92 : memref<640xf32, #tpu.memory_space<vmem_shared>>) target(%dma_start3A_90 : memref<640xf32, #tpu.memory_space<vmem>>) target_semaphore(%run_scoped3A_83 : memref<!tpu.dma_semaphore, #tpu.memory_space<semaphore_mem>>)
      %dma_wait3A = arith.constant 0 : i32
      %dma_wait3A_93 = tpu.memref_slice %arg6[%run_scoped3A_71, %dma_wait3A] : memref<16x640xf32, #tpu.memory_space<vmem>> -> memref<1x640xf32, #tpu.memory_space<vmem>>
      %dma_wait3A_94 = tpu.memref_squeeze %dma_wait3A_93 : memref<1x640xf32, #tpu.memory_space<vmem>> -> memref<640xf32, #tpu.memory_space<vmem>>
      %dma_wait3A_95 = tpu.memref_slice %arg7[%run_scoped3A_70, %mul3A_69] : memref<16x10240xf32, #tpu.memory_space<vmem_shared>> -> memref<1x640xf32, #tpu.memory_space<vmem_shared>>
      %dma_wait3A_96 = tpu.memref_squeeze %dma_wait3A_95 : memref<1x640xf32, #tpu.memory_space<vmem_shared>> -> memref<640xf32, #tpu.memory_space<vmem_shared>>
      %dma_wait3A_97 = arith.constant 0 : i32
      %dma_wait3A_98 = tpu.memref_slice %arg6[%run_scoped3A_71, %dma_wait3A_97] : memref<16x640xf32, #tpu.memory_space<vmem>> -> memref<1x640xf32, #tpu.memory_space<vmem>>
      %dma_wait3A_99 = tpu.memref_squeeze %dma_wait3A_98 : memref<1x640xf32, #tpu.memory_space<vmem>> -> memref<640xf32, #tpu.memory_space<vmem>>
      %dma_wait3A_100 = tpu.memref_slice %arg7[%run_scoped3A_70, %mul3A_69] : memref<16x10240xf32, #tpu.memory_space<vmem_shared>> -> memref<1x640xf32, #tpu.memory_space<vmem_shared>>
      %dma_wait3A_101 = tpu.memref_squeeze %dma_wait3A_100 : memref<1x640xf32, #tpu.memory_space<vmem_shared>> -> memref<640xf32, #tpu.memory_space<vmem_shared>>
      tpu.wait_dma2 semaphore(%run_scoped3A_83 : memref<!tpu.dma_semaphore, #tpu.memory_space<semaphore_mem>>) src(%dma_wait3A_101 : memref<640xf32, #tpu.memory_space<vmem_shared>>) dst(%dma_wait3A_99 : memref<640xf32, #tpu.memory_space<vmem>>)
      tpu.yield
    }) : () -> ()
    %mul3A_72 = arith.constant 640 : i32
    %mul3A_73 = arith.muli %arg1, %mul3A_72 : i32
    %run_scoped3A_74 = arith.constant 15 : i32
    %run_scoped3A_75 = arith.constant 15 : i32
    "tpu.region"() ({
      %run_scoped3A_83 = tpu.sem_alloc : memref<!tpu.dma_semaphore, #tpu.memory_space<semaphore_mem>>
      %dma_start3A = arith.constant 0 : i32
      %dma_start3A_84 = tpu.memref_slice %arg6[%run_scoped3A_75, %dma_start3A] : memref<16x640xf32, #tpu.memory_space<vmem>> -> memref<1x640xf32, #tpu.memory_space<vmem>>
      %dma_start3A_85 = tpu.memref_squeeze %dma_start3A_84 : memref<1x640xf32, #tpu.memory_space<vmem>> -> memref<640xf32, #tpu.memory_space<vmem>>
      %dma_start3A_86 = tpu.memref_slice %arg7[%run_scoped3A_74, %mul3A_73] : memref<16x10240xf32, #tpu.memory_space<vmem_shared>> -> memref<1x640xf32, #tpu.memory_space<vmem_shared>>
      %dma_start3A_87 = tpu.memref_squeeze %dma_start3A_86 : memref<1x640xf32, #tpu.memory_space<vmem_shared>> -> memref<640xf32, #tpu.memory_space<vmem_shared>>
      %dma_start3A_88 = arith.constant 0 : i32
      %dma_start3A_89 = tpu.memref_slice %arg6[%run_scoped3A_75, %dma_start3A_88] : memref<16x640xf32, #tpu.memory_space<vmem>> -> memref<1x640xf32, #tpu.memory_space<vmem>>
      %dma_start3A_90 = tpu.memref_squeeze %dma_start3A_89 : memref<1x640xf32, #tpu.memory_space<vmem>> -> memref<640xf32, #tpu.memory_space<vmem>>
      %dma_start3A_91 = tpu.memref_slice %arg7[%run_scoped3A_74, %mul3A_73] : memref<16x10240xf32, #tpu.memory_space<vmem_shared>> -> memref<1x640xf32, #tpu.memory_space<vmem_shared>>
      %dma_start3A_92 = tpu.memref_squeeze %dma_start3A_91 : memref<1x640xf32, #tpu.memory_space<vmem_shared>> -> memref<640xf32, #tpu.memory_space<vmem_shared>>
      tpu.enqueue_dma source(%dma_start3A_92 : memref<640xf32, #tpu.memory_space<vmem_shared>>) target(%dma_start3A_90 : memref<640xf32, #tpu.memory_space<vmem>>) target_semaphore(%run_scoped3A_83 : memref<!tpu.dma_semaphore, #tpu.memory_space<semaphore_mem>>)
      %dma_wait3A = arith.constant 0 : i32
      %dma_wait3A_93 = tpu.memref_slice %arg6[%run_scoped3A_75, %dma_wait3A] : memref<16x640xf32, #tpu.memory_space<vmem>> -> memref<1x640xf32, #tpu.memory_space<vmem>>
      %dma_wait3A_94 = tpu.memref_squeeze %dma_wait3A_93 : memref<1x640xf32, #tpu.memory_space<vmem>> -> memref<640xf32, #tpu.memory_space<vmem>>
      %dma_wait3A_95 = tpu.memref_slice %arg7[%run_scoped3A_74, %mul3A_73] : memref<16x10240xf32, #tpu.memory_space<vmem_shared>> -> memref<1x640xf32, #tpu.memory_space<vmem_shared>>
      %dma_wait3A_96 = tpu.memref_squeeze %dma_wait3A_95 : memref<1x640xf32, #tpu.memory_space<vmem_shared>> -> memref<640xf32, #tpu.memory_space<vmem_shared>>
      %dma_wait3A_97 = arith.constant 0 : i32
      %dma_wait3A_98 = tpu.memref_slice %arg6[%run_scoped3A_75, %dma_wait3A_97] : memref<16x640xf32, #tpu.memory_space<vmem>> -> memref<1x640xf32, #tpu.memory_space<vmem>>
      %dma_wait3A_99 = tpu.memref_squeeze %dma_wait3A_98 : memref<1x640xf32, #tpu.memory_space<vmem>> -> memref<640xf32, #tpu.memory_space<vmem>>
      %dma_wait3A_100 = tpu.memref_slice %arg7[%run_scoped3A_74, %mul3A_73] : memref<16x10240xf32, #tpu.memory_space<vmem_shared>> -> memref<1x640xf32, #tpu.memory_space<vmem_shared>>
      %dma_wait3A_101 = tpu.memref_squeeze %dma_wait3A_100 : memref<1x640xf32, #tpu.memory_space<vmem_shared>> -> memref<640xf32, #tpu.memory_space<vmem_shared>>
      tpu.wait_dma2 semaphore(%run_scoped3A_83 : memref<!tpu.dma_semaphore, #tpu.memory_space<semaphore_mem>>) src(%dma_wait3A_101 : memref<640xf32, #tpu.memory_space<vmem_shared>>) dst(%dma_wait3A_99 : memref<640xf32, #tpu.memory_space<vmem>>)
      tpu.yield
    }) : () -> ()
    %scan3A_76 = arith.constant 0 : i32
    %scan3A_77 = arith.constant 40 : i32
    %scan3A_78 = arith.addi %scan3A_76, %scan3A_77 : i32
    %scan3A_79 = arith.constant 1 : i32
    scf.for %scan3A_83 = %scan3A_76 to %scan3A_78 step %scan3A_79  : i32 {
      %mul3A_84 = arith.constant 1 : i32
      %mul3A_85 = arith.muli %scan3A_83, %mul3A_84 : i32
      %add3A_86 = arith.constant 0 : i32
      %add3A_87 = arith.addi %add3A_86, %mul3A_85 : i32
      %mul3A_88 = arith.constant 16 : i32
      %mul3A_89 = arith.muli %add3A_87, %mul3A_88 : i32
      %get3A = arith.constant 0 : i32
      %get3A_90 = arith.index_cast %get3A : i32 to index
      %get3A_91 = arith.index_cast %mul3A_89 : i32 to index
      %get3A_92 = tpu.vector_load %arg6[%get3A_90, %get3A_91] {strides = array<i32>} : memref<16x640xf32, #tpu.memory_space<vmem>>, vector<16xf32>,
      %mul3A_93 = arith.constant 16 : i32
      %mul3A_94 = arith.muli %add3A_87, %mul3A_93 : i32
      %get3A_95 = arith.constant 1 : i32
      %get3A_96 = arith.index_cast %get3A_95 : i32 to index
      %get3A_97 = arith.index_cast %mul3A_94 : i32 to index
      %get3A_98 = tpu.vector_load %arg6[%get3A_96, %get3A_97] {strides = array<i32>} : memref<16x640xf32, #tpu.memory_space<vmem>>, vector<16xf32>,
      %add3A_99 = arith.addf %get3A_92, %get3A_98 : vector<16xf32>
      %mul3A_100 = arith.constant 16 : i32
      %mul3A_101 = arith.muli %add3A_87, %mul3A_100 : i32
      %get3A_102 = arith.constant 2 : i32
      %get3A_103 = arith.index_cast %get3A_102 : i32 to index
      %get3A_104 = arith.index_cast %mul3A_101 : i32 to index
      %get3A_105 = tpu.vector_load %arg6[%get3A_103, %get3A_104] {strides = array<i32>} : memref<16x640xf32, #tpu.memory_space<vmem>>, vector<16xf32>,
      %add3A_106 = arith.addf %add3A_99, %get3A_105 : vector<16xf32>
      %mul3A_107 = arith.constant 16 : i32
      %mul3A_108 = arith.muli %add3A_87, %mul3A_107 : i32
      %get3A_109 = arith.constant 3 : i32
      %get3A_110 = arith.index_cast %get3A_109 : i32 to index
      %get3A_111 = arith.index_cast %mul3A_108 : i32 to index
      %get3A_112 = tpu.vector_load %arg6[%get3A_110, %get3A_111] {strides = array<i32>} : memref<16x640xf32, #tpu.memory_space<vmem>>, vector<16xf32>,
      %add3A_113 = arith.addf %add3A_106, %get3A_112 : vector<16xf32>
      %mul3A_114 = arith.constant 16 : i32
      %mul3A_115 = arith.muli %add3A_87, %mul3A_114 : i32
      %get3A_116 = arith.constant 4 : i32
      %get3A_117 = arith.index_cast %get3A_116 : i32 to index
      %get3A_118 = arith.index_cast %mul3A_115 : i32 to index
      %get3A_119 = tpu.vector_load %arg6[%get3A_117, %get3A_118] {strides = array<i32>} : memref<16x640xf32, #tpu.memory_space<vmem>>, vector<16xf32>,
      %add3A_120 = arith.addf %add3A_113, %get3A_119 : vector<16xf32>
      %mul3A_121 = arith.constant 16 : i32
      %mul3A_122 = arith.muli %add3A_87, %mul3A_121 : i32
      %get3A_123 = arith.constant 5 : i32
      %get3A_124 = arith.index_cast %get3A_123 : i32 to index
      %get3A_125 = arith.index_cast %mul3A_122 : i32 to index
      %get3A_126 = tpu.vector_load %arg6[%get3A_124, %get3A_125] {strides = array<i32>} : memref<16x640xf32, #tpu.memory_space<vmem>>, vector<16xf32>,
      %add3A_127 = arith.addf %add3A_120, %get3A_126 : vector<16xf32>
      %mul3A_128 = arith.constant 16 : i32
      %mul3A_129 = arith.muli %add3A_87, %mul3A_128 : i32
      %get3A_130 = arith.constant 6 : i32
      %get3A_131 = arith.index_cast %get3A_130 : i32 to index
      %get3A_132 = arith.index_cast %mul3A_129 : i32 to index
      %get3A_133 = tpu.vector_load %arg6[%get3A_131, %get3A_132] {strides = array<i32>} : memref<16x640xf32, #tpu.memory_space<vmem>>, vector<16xf32>,
      %add3A_134 = arith.addf %add3A_127, %get3A_133 : vector<16xf32>
      %mul3A_135 = arith.constant 16 : i32
      %mul3A_136 = arith.muli %add3A_87, %mul3A_135 : i32
      %get3A_137 = arith.constant 7 : i32
      %get3A_138 = arith.index_cast %get3A_137 : i32 to index
      %get3A_139 = arith.index_cast %mul3A_136 : i32 to index
      %get3A_140 = tpu.vector_load %arg6[%get3A_138, %get3A_139] {strides = array<i32>} : memref<16x640xf32, #tpu.memory_space<vmem>>, vector<16xf32>,
      %add3A_141 = arith.addf %add3A_134, %get3A_140 : vector<16xf32>
      %mul3A_142 = arith.constant 16 : i32
      %mul3A_143 = arith.muli %add3A_87, %mul3A_142 : i32
      %get3A_144 = arith.constant 8 : i32
      %get3A_145 = arith.index_cast %get3A_144 : i32 to index
      %get3A_146 = arith.index_cast %mul3A_143 : i32 to index
      %get3A_147 = tpu.vector_load %arg6[%get3A_145, %get3A_146] {strides = array<i32>} : memref<16x640xf32, #tpu.memory_space<vmem>>, vector<16xf32>,
      %add3A_148 = arith.addf %add3A_141, %get3A_147 : vector<16xf32>
      %mul3A_149 = arith.constant 16 : i32
      %mul3A_150 = arith.muli %add3A_87, %mul3A_149 : i32
      %get3A_151 = arith.constant 9 : i32
      %get3A_152 = arith.index_cast %get3A_151 : i32 to index
      %get3A_153 = arith.index_cast %mul3A_150 : i32 to index
      %get3A_154 = tpu.vector_load %arg6[%get3A_152, %get3A_153] {strides = array<i32>} : memref<16x640xf32, #tpu.memory_space<vmem>>, vector<16xf32>,
      %add3A_155 = arith.addf %add3A_148, %get3A_154 : vector<16xf32>
      %mul3A_156 = arith.constant 16 : i32
      %mul3A_157 = arith.muli %add3A_87, %mul3A_156 : i32
      %get3A_158 = arith.constant 10 : i32
      %get3A_159 = arith.index_cast %get3A_158 : i32 to index
      %get3A_160 = arith.index_cast %mul3A_157 : i32 to index
      %get3A_161 = tpu.vector_load %arg6[%get3A_159, %get3A_160] {strides = array<i32>} : memref<16x640xf32, #tpu.memory_space<vmem>>, vector<16xf32>,
      %add3A_162 = arith.addf %add3A_155, %get3A_161 : vector<16xf32>
      %mul3A_163 = arith.constant 16 : i32
      %mul3A_164 = arith.muli %add3A_87, %mul3A_163 : i32
      %get3A_165 = arith.constant 11 : i32
      %get3A_166 = arith.index_cast %get3A_165 : i32 to index
      %get3A_167 = arith.index_cast %mul3A_164 : i32 to index
      %get3A_168 = tpu.vector_load %arg6[%get3A_166, %get3A_167] {strides = array<i32>} : memref<16x640xf32, #tpu.memory_space<vmem>>, vector<16xf32>,
      %add3A_169 = arith.addf %add3A_162, %get3A_168 : vector<16xf32>
      %mul3A_170 = arith.constant 16 : i32
      %mul3A_171 = arith.muli %add3A_87, %mul3A_170 : i32
      %get3A_172 = arith.constant 12 : i32
      %get3A_173 = arith.index_cast %get3A_172 : i32 to index
      %get3A_174 = arith.index_cast %mul3A_171 : i32 to index
      %get3A_175 = tpu.vector_load %arg6[%get3A_173, %get3A_174] {strides = array<i32>} : memref<16x640xf32, #tpu.memory_space<vmem>>, vector<16xf32>,
      %add3A_176 = arith.addf %add3A_169, %get3A_175 : vector<16xf32>
      %mul3A_177 = arith.constant 16 : i32
      %mul3A_178 = arith.muli %add3A_87, %mul3A_177 : i32
      %get3A_179 = arith.constant 13 : i32
      %get3A_180 = arith.index_cast %get3A_179 : i32 to index
      %get3A_181 = arith.index_cast %mul3A_178 : i32 to index
      %get3A_182 = tpu.vector_load %arg6[%get3A_180, %get3A_181] {strides = array<i32>} : memref<16x640xf32, #tpu.memory_space<vmem>>, vector<16xf32>,
      %add3A_183 = arith.addf %add3A_176, %get3A_182 : vector<16xf32>
      %mul3A_184 = arith.constant 16 : i32
      %mul3A_185 = arith.muli %add3A_87, %mul3A_184 : i32
      %get3A_186 = arith.constant 14 : i32
      %get3A_187 = arith.index_cast %get3A_186 : i32 to index
      %get3A_188 = arith.index_cast %mul3A_185 : i32 to index
      %get3A_189 = tpu.vector_load %arg6[%get3A_187, %get3A_188] {strides = array<i32>} : memref<16x640xf32, #tpu.memory_space<vmem>>, vector<16xf32>,
      %add3A_190 = arith.addf %add3A_183, %get3A_189 : vector<16xf32>
      %mul3A_191 = arith.constant 16 : i32
      %mul3A_192 = arith.muli %add3A_87, %mul3A_191 : i32
      %get3A_193 = arith.constant 15 : i32
      %get3A_194 = arith.index_cast %get3A_193 : i32 to index
      %get3A_195 = arith.index_cast %mul3A_192 : i32 to index
      %get3A_196 = tpu.vector_load %arg6[%get3A_194, %get3A_195] {strides = array<i32>} : memref<16x640xf32, #tpu.memory_space<vmem>>, vector<16xf32>,
      %add3A_197 = arith.addf %add3A_190, %get3A_196 : vector<16xf32>
      %mul3A_198 = arith.constant 16 : i32
      %mul3A_199 = arith.muli %add3A_87, %mul3A_198 : i32
      %swap3A = arith.index_cast %mul3A_199 : i32 to index
      %swap3A_200 = tpu.vector_load %arg5[%swap3A] {strides = array<i32>} : memref<10240xf32, #tpu.memory_space<vmem>>, vector<16xf32>,
      tpu.vector_store %arg5[%swap3A], %add3A_197 {strides = array<i32>} : memref<10240xf32, #tpu.memory_space<vmem>>, vector<16xf32>,
    }
    %scan3A_80 = arith.constant 40 : i32
    %mul3A_81 = arith.constant 640 : i32
    %mul3A_82 = arith.muli %arg1, %mul3A_81 : i32
    "tpu.region"() ({
      %run_scoped3A_83 = tpu.sem_alloc : memref<!tpu.dma_semaphore, #tpu.memory_space<semaphore_mem>>
      %dma_start3A = arith.constant 0 : i32
      %dma_start3A_84 = tpu.memref_slice %arg5[%dma_start3A] : memref<10240xf32, #tpu.memory_space<vmem>> -> memref<640xf32, #tpu.memory_space<vmem>>
      %dma_start3A_85 = tpu.memref_slice %arg3[%arg0, %mul3A_82] : memref<2x10240xf32, #tpu.memory_space<hbm>> -> memref<1x640xf32, #tpu.memory_space<hbm>>
      %dma_start3A_86 = tpu.memref_squeeze %dma_start3A_85 : memref<1x640xf32, #tpu.memory_space<hbm>> -> memref<640xf32, #tpu.memory_space<hbm>>
      %dma_start3A_87 = tpu.memref_slice %arg3[%arg0, %mul3A_82] : memref<2x10240xf32, #tpu.memory_space<hbm>> -> memref<1x640xf32, #tpu.memory_space<hbm>>
      %dma_start3A_88 = tpu.memref_squeeze %dma_start3A_87 : memref<1x640xf32, #tpu.memory_space<hbm>> -> memref<640xf32, #tpu.memory_space<hbm>>
      %dma_start3A_89 = arith.constant 0 : i32
      %dma_start3A_90 = tpu.memref_slice %arg5[%dma_start3A_89] : memref<10240xf32, #tpu.memory_space<vmem>> -> memref<640xf32, #tpu.memory_space<vmem>>
      tpu.enqueue_dma source(%dma_start3A_90 : memref<640xf32, #tpu.memory_space<vmem>>) target(%dma_start3A_88 : memref<640xf32, #tpu.memory_space<hbm>>) target_semaphore(%run_scoped3A_83 : memref<!tpu.dma_semaphore, #tpu.memory_space<semaphore_mem>>)
      %dma_wait3A = arith.constant 0 : i32
      %dma_wait3A_91 = tpu.memref_slice %arg5[%dma_wait3A] : memref<10240xf32, #tpu.memory_space<vmem>> -> memref<640xf32, #tpu.memory_space<vmem>>
      %dma_wait3A_92 = tpu.memref_slice %arg3[%arg0, %mul3A_82] : memref<2x10240xf32, #tpu.memory_space<hbm>> -> memref<1x640xf32, #tpu.memory_space<hbm>>
      %dma_wait3A_93 = tpu.memref_squeeze %dma_wait3A_92 : memref<1x640xf32, #tpu.memory_space<hbm>> -> memref<640xf32, #tpu.memory_space<hbm>>
      %dma_wait3A_94 = tpu.memref_slice %arg3[%arg0, %mul3A_82] : memref<2x10240xf32, #tpu.memory_space<hbm>> -> memref<1x640xf32, #tpu.memory_space<hbm>>
      %dma_wait3A_95 = tpu.memref_squeeze %dma_wait3A_94 : memref<1x640xf32, #tpu.memory_space<hbm>> -> memref<640xf32, #tpu.memory_space<hbm>>
      %dma_wait3A_96 = arith.constant 0 : i32
      %dma_wait3A_97 = tpu.memref_slice %arg5[%dma_wait3A_96] : memref<10240xf32, #tpu.memory_space<vmem>> -> memref<640xf32, #tpu.memory_space<vmem>>
      tpu.wait_dma2 semaphore(%run_scoped3A_83 : memref<!tpu.dma_semaphore, #tpu.memory_space<semaphore_mem>>) src(%dma_wait3A_97 : memref<640xf32, #tpu.memory_space<vmem>>) dst(%dma_wait3A_95 : memref<640xf32, #tpu.memory_space<hbm>>)
      tpu.yield
    }) : () -> ()
    return
  }
}

#map = affine_map<(d0, d1) -> (0, 0)>
#map1 = affine_map<(d0, d1) -> (0, 0, 0)>
module attributes {stable_mosaic.version = 14 : i64} {
  func.func @_hop_sc(%arg0: i32, %arg1: i32, %arg2: memref<10240x128xf32, #tpu.memory_space<hbm>>, %arg3: memref<32x80x128xi32, #tpu.memory_space<hbm>>, %arg4: memref<32x80x128xi32, #tpu.memory_space<hbm>>, %arg5: memref<2x10240x128xf32, #tpu.memory_space<hbm>>, %arg6: memref<40x128xi32, #tpu.memory_space<vmem>>, %arg7: memref<40x128xi32, #tpu.memory_space<vmem>>, %arg8: memref<128x128xf32, #tpu.memory_space<vmem>>, %arg9: memref<128x128xf32, #tpu.memory_space<vmem>>, %arg10: memref<!tpu.dma_semaphore, #tpu.memory_space<semaphore_mem>>, %arg11: memref<!tpu.dma_semaphore, #tpu.memory_space<semaphore_mem>>, %arg12: memref<!tpu.dma_semaphore, #tpu.memory_space<semaphore_mem>>, %arg13: memref<!tpu.dma_semaphore, #tpu.memory_space<semaphore_mem>>, %arg14: memref<10240x128xf32, #tpu.memory_space<vmem_shared>>) attributes {dimension_semantics = [#tpu.dimension_semantics<core_parallel>, #tpu.dimension_semantics<subcore_parallel>], iteration_bounds = array<i64: 2, 16>, scalar_prefetch = 0 : i64, scratch_operands = 9 : i64, tpu.core_type = #tpu.core_type<sc_vector_subcore>, window_params = [{transform_indices = #map}, {transform_indices = #map1}, {transform_indices = #map1}, {transform_indices = #map1}]} {
    %mul3A = arith.constant 16 : i32
    %mul3A_0 = arith.muli %arg0, %mul3A : i32
    %add3A = arith.addi %mul3A_0, %arg1 : i32
    %scan3A = arith.constant 0 : i32
    %scan3A_1 = arith.constant 128 : i32
    %scan3A_2 = arith.addi %scan3A, %scan3A_1 : i32
    %scan3A_3 = arith.constant 1 : i32
    scf.for %scan3A_20 = %scan3A to %scan3A_2 step %scan3A_3  : i32 {
      %mul3A_21 = arith.constant 1 : i32
      %mul3A_22 = arith.muli %scan3A_20, %mul3A_21 : i32
      %add3A_23 = arith.constant 0 : i32
      %add3A_24 = arith.addi %add3A_23, %mul3A_22 : i32
      %scan3A_25 = arith.constant 0 : i32
      %scan3A_26 = arith.constant 8 : i32
      %scan3A_27 = arith.addi %scan3A_25, %scan3A_26 : i32
      %scan3A_28 = arith.constant 1 : i32
      scf.for %scan3A_30 = %scan3A_25 to %scan3A_27 step %scan3A_28  : i32 {
        %mul3A_31 = arith.constant 1 : i32
        %mul3A_32 = arith.muli %scan3A_30, %mul3A_31 : i32
        %add3A_33 = arith.constant 0 : i32
        %add3A_34 = arith.addi %add3A_33, %mul3A_32 : i32
        %broadcast_in_dim3A = arith.constant 0.000000e+00 : f32
        %broadcast_in_dim3A_35 = vector.broadcast %broadcast_in_dim3A : f32 to vector<16xf32>
        %mul3A_36 = arith.constant 16 : i32
        %mul3A_37 = arith.muli %add3A_34, %mul3A_36 : i32
        %swap3A = arith.index_cast %add3A_24 : i32 to index
        %swap3A_38 = arith.index_cast %mul3A_37 : i32 to index
        %swap3A_39 = tpu.vector_load %arg8[%swap3A, %swap3A_38] {strides = array<i32>} : memref<128x128xf32, #tpu.memory_space<vmem>>, vector<1x16xf32>,
        %swap3A_40 = vector.shape_cast %swap3A_39 : vector<1x16xf32> to vector<16xf32>
        %swap3A_41 = vector.shape_cast %broadcast_in_dim3A_35 : vector<16xf32> to vector<1x16xf32>
        tpu.vector_store %arg8[%swap3A, %swap3A_38], %swap3A_41 {strides = array<i32>} : memref<128x128xf32, #tpu.memory_space<vmem>>, vector<1x16xf32>,
      }
      %scan3A_29 = arith.constant 8 : i32
    }
    %scan3A_4 = arith.constant 128 : i32
    %scan3A_5 = arith.constant 0 : i32
    %scan3A_6 = arith.constant 5 : i32
    %scan3A_7 = arith.addi %scan3A_5, %scan3A_6 : i32
    %scan3A_8 = arith.constant 1 : i32
    scf.for %scan3A_20 = %scan3A_5 to %scan3A_7 step %scan3A_8  : i32 {
      %mul3A_21 = arith.constant 1 : i32
      %mul3A_22 = arith.muli %scan3A_20, %mul3A_21 : i32
      %add3A_23 = arith.constant 0 : i32
      %add3A_24 = arith.addi %add3A_23, %mul3A_22 : i32
      %mul3A_25 = arith.constant 640 : i32
      %mul3A_26 = arith.muli %arg1, %mul3A_25 : i32
      %mul3A_27 = arith.constant 128 : i32
      %mul3A_28 = arith.muli %add3A_24, %mul3A_27 : i32
      %add3A_29 = arith.addi %mul3A_26, %mul3A_28 : i32
      "tpu.region"() ({
        %run_scoped3A = tpu.sem_alloc : memref<!tpu.dma_semaphore, #tpu.memory_space<semaphore_mem>>
        %dma_start3A = arith.constant 0 : i32
        %dma_start3A_30 = tpu.memref_slice %arg14[%add3A_29, %dma_start3A] : memref<10240x128xf32, #tpu.memory_space<vmem_shared>> -> memref<128x128xf32, #tpu.memory_space<vmem_shared>>
        %dma_start3A_31 = arith.constant 0 : i32
        %dma_start3A_32 = tpu.memref_slice %arg14[%add3A_29, %dma_start3A_31] : memref<10240x128xf32, #tpu.memory_space<vmem_shared>> -> memref<128x128xf32, #tpu.memory_space<vmem_shared>>
        tpu.enqueue_dma source(%arg8 : memref<128x128xf32, #tpu.memory_space<vmem>>) target(%dma_start3A_32 : memref<128x128xf32, #tpu.memory_space<vmem_shared>>) target_semaphore(%run_scoped3A : memref<!tpu.dma_semaphore, #tpu.memory_space<semaphore_mem>>)
        %dma_wait3A = arith.constant 0 : i32
        %dma_wait3A_33 = tpu.memref_slice %arg14[%add3A_29, %dma_wait3A] : memref<10240x128xf32, #tpu.memory_space<vmem_shared>> -> memref<128x128xf32, #tpu.memory_space<vmem_shared>>
        %dma_wait3A_34 = arith.constant 0 : i32
        %dma_wait3A_35 = tpu.memref_slice %arg14[%add3A_29, %dma_wait3A_34] : memref<10240x128xf32, #tpu.memory_space<vmem_shared>> -> memref<128x128xf32, #tpu.memory_space<vmem_shared>>
        tpu.wait_dma2 semaphore(%run_scoped3A : memref<!tpu.dma_semaphore, #tpu.memory_space<semaphore_mem>>) src(%arg8 : memref<128x128xf32, #tpu.memory_space<vmem>>) dst(%dma_wait3A_35 : memref<128x128xf32, #tpu.memory_space<vmem_shared>>)
        tpu.yield
      }) : () -> ()
    }
    %scan3A_9 = arith.constant 5 : i32
    %barrier3A = arith.constant 0 : index
    tpu.barrier barrier_id(%barrier3A)
    %scan3A_10 = arith.constant 0 : i32
    %scan3A_11 = arith.constant 2 : i32
    %scan3A_12 = arith.addi %scan3A_10, %scan3A_11 : i32
    %scan3A_13 = arith.constant 1 : i32
    scf.for %scan3A_20 = %scan3A_10 to %scan3A_12 step %scan3A_13  : i32 {
      %mul3A_21 = arith.constant 1 : i32
      %mul3A_22 = arith.muli %scan3A_20, %mul3A_21 : i32
      %add3A_23 = arith.constant 0 : i32
      %add3A_24 = arith.addi %add3A_23, %mul3A_22 : i32
      %mul3A_25 = arith.constant 40 : i32
      %mul3A_26 = arith.muli %add3A_24, %mul3A_25 : i32
      "tpu.region"() ({
        %run_scoped3A_61 = tpu.sem_alloc : memref<!tpu.dma_semaphore, #tpu.memory_space<semaphore_mem>>
        %dma_start3A_62 = arith.constant 0 : i32
        %dma_start3A_63 = tpu.memref_slice %arg3[%add3A, %mul3A_26, %dma_start3A_62] : memref<32x80x128xi32, #tpu.memory_space<hbm>> -> memref<1x40x128xi32, #tpu.memory_space<hbm>>
        %dma_start3A_64 = tpu.memref_squeeze %dma_start3A_63 : memref<1x40x128xi32, #tpu.memory_space<hbm>> -> memref<40x128xi32, #tpu.memory_space<hbm>>
        %dma_start3A_65 = arith.constant 0 : i32
        %dma_start3A_66 = tpu.memref_slice %arg3[%add3A, %mul3A_26, %dma_start3A_65] : memref<32x80x128xi32, #tpu.memory_space<hbm>> -> memref<1x40x128xi32, #tpu.memory_space<hbm>>
        %dma_start3A_67 = tpu.memref_squeeze %dma_start3A_66 : memref<1x40x128xi32, #tpu.memory_space<hbm>> -> memref<40x128xi32, #tpu.memory_space<hbm>>
        tpu.enqueue_dma source(%dma_start3A_67 : memref<40x128xi32, #tpu.memory_space<hbm>>) target(%arg6 : memref<40x128xi32, #tpu.memory_space<vmem>>) target_semaphore(%run_scoped3A_61 : memref<!tpu.dma_semaphore, #tpu.memory_space<semaphore_mem>>)
        %dma_wait3A_68 = arith.constant 0 : i32
        %dma_wait3A_69 = tpu.memref_slice %arg3[%add3A, %mul3A_26, %dma_wait3A_68] : memref<32x80x128xi32, #tpu.memory_space<hbm>> -> memref<1x40x128xi32, #tpu.memory_space<hbm>>
        %dma_wait3A_70 = tpu.memref_squeeze %dma_wait3A_69 : memref<1x40x128xi32, #tpu.memory_space<hbm>> -> memref<40x128xi32, #tpu.memory_space<hbm>>
        %dma_wait3A_71 = arith.constant 0 : i32
        %dma_wait3A_72 = tpu.memref_slice %arg3[%add3A, %mul3A_26, %dma_wait3A_71] : memref<32x80x128xi32, #tpu.memory_space<hbm>> -> memref<1x40x128xi32, #tpu.memory_space<hbm>>
        %dma_wait3A_73 = tpu.memref_squeeze %dma_wait3A_72 : memref<1x40x128xi32, #tpu.memory_space<hbm>> -> memref<40x128xi32, #tpu.memory_space<hbm>>
        tpu.wait_dma2 semaphore(%run_scoped3A_61 : memref<!tpu.dma_semaphore, #tpu.memory_space<semaphore_mem>>) src(%dma_wait3A_73 : memref<40x128xi32, #tpu.memory_space<hbm>>) dst(%arg6 : memref<40x128xi32, #tpu.memory_space<vmem>>)
        tpu.yield
      }) : () -> ()
      %mul3A_27 = arith.constant 40 : i32
      %mul3A_28 = arith.muli %add3A_24, %mul3A_27 : i32
      "tpu.region"() ({
        %run_scoped3A_61 = tpu.sem_alloc : memref<!tpu.dma_semaphore, #tpu.memory_space<semaphore_mem>>
        %dma_start3A_62 = arith.constant 0 : i32
        %dma_start3A_63 = tpu.memref_slice %arg4[%add3A, %mul3A_28, %dma_start3A_62] : memref<32x80x128xi32, #tpu.memory_space<hbm>> -> memref<1x40x128xi32, #tpu.memory_space<hbm>>
        %dma_start3A_64 = tpu.memref_squeeze %dma_start3A_63 : memref<1x40x128xi32, #tpu.memory_space<hbm>> -> memref<40x128xi32, #tpu.memory_space<hbm>>
        %dma_start3A_65 = arith.constant 0 : i32
        %dma_start3A_66 = tpu.memref_slice %arg4[%add3A, %mul3A_28, %dma_start3A_65] : memref<32x80x128xi32, #tpu.memory_space<hbm>> -> memref<1x40x128xi32, #tpu.memory_space<hbm>>
        %dma_start3A_67 = tpu.memref_squeeze %dma_start3A_66 : memref<1x40x128xi32, #tpu.memory_space<hbm>> -> memref<40x128xi32, #tpu.memory_space<hbm>>
        tpu.enqueue_dma source(%dma_start3A_67 : memref<40x128xi32, #tpu.memory_space<hbm>>) target(%arg7 : memref<40x128xi32, #tpu.memory_space<vmem>>) target_semaphore(%run_scoped3A_61 : memref<!tpu.dma_semaphore, #tpu.memory_space<semaphore_mem>>)
        %dma_wait3A_68 = arith.constant 0 : i32
        %dma_wait3A_69 = tpu.memref_slice %arg4[%add3A, %mul3A_28, %dma_wait3A_68] : memref<32x80x128xi32, #tpu.memory_space<hbm>> -> memref<1x40x128xi32, #tpu.memory_space<hbm>>
        %dma_wait3A_70 = tpu.memref_squeeze %dma_wait3A_69 : memref<1x40x128xi32, #tpu.memory_space<hbm>> -> memref<40x128xi32, #tpu.memory_space<hbm>>
        %dma_wait3A_71 = arith.constant 0 : i32
        %dma_wait3A_72 = tpu.memref_slice %arg4[%add3A, %mul3A_28, %dma_wait3A_71] : memref<32x80x128xi32, #tpu.memory_space<hbm>> -> memref<1x40x128xi32, #tpu.memory_space<hbm>>
        %dma_wait3A_73 = tpu.memref_squeeze %dma_wait3A_72 : memref<1x40x128xi32, #tpu.memory_space<hbm>> -> memref<40x128xi32, #tpu.memory_space<hbm>>
        tpu.wait_dma2 semaphore(%run_scoped3A_61 : memref<!tpu.dma_semaphore, #tpu.memory_space<semaphore_mem>>) src(%dma_wait3A_73 : memref<40x128xi32, #tpu.memory_space<hbm>>) dst(%arg7 : memref<40x128xi32, #tpu.memory_space<vmem>>)
        tpu.yield
      }) : () -> ()
      %dma_start3A = arith.constant 0 : i32
      %dma_start3A_29 = arith.constant 0 : i32
      %dma_start3A_30 = tpu.memref_slice %arg6[%dma_start3A, %dma_start3A_29] : memref<40x128xi32, #tpu.memory_space<vmem>> -> memref<1x128xi32, #tpu.memory_space<vmem>>
      %dma_start3A_31 = tpu.memref_squeeze %dma_start3A_30 : memref<1x128xi32, #tpu.memory_space<vmem>> -> memref<128xi32, #tpu.memory_space<vmem>>
      %dma_start3A_32 = arith.constant 0 : i32
      %dma_start3A_33 = arith.constant 0 : i32
      %dma_start3A_34 = tpu.memref_slice %arg2[%dma_start3A_32, %dma_start3A_33] : memref<10240x128xf32, #tpu.memory_space<hbm>> -> memref<10240x128xf32, #tpu.memory_space<hbm>>
      tpu.enqueue_indirect_dma source(%dma_start3A_34 : memref<10240x128xf32, #tpu.memory_space<hbm>>) target(%arg8 : memref<128x128xf32, #tpu.memory_space<vmem>>) offsets(%dma_start3A_31 : memref<128xi32, #tpu.memory_space<vmem>>) semaphore(%arg10 : memref<!tpu.dma_semaphore, #tpu.memory_space<semaphore_mem>>)
      %dma_start3A_35 = arith.constant 1 : i32
      %dma_start3A_36 = arith.constant 0 : i32
      %dma_start3A_37 = tpu.memref_slice %arg6[%dma_start3A_35, %dma_start3A_36] : memref<40x128xi32, #tpu.memory_space<vmem>> -> memref<1x128xi32, #tpu.memory_space<vmem>>
      %dma_start3A_38 = tpu.memref_squeeze %dma_start3A_37 : memref<1x128xi32, #tpu.memory_space<vmem>> -> memref<128xi32, #tpu.memory_space<vmem>>
      %dma_start3A_39 = arith.constant 0 : i32
      %dma_start3A_40 = arith.constant 0 : i32
      %dma_start3A_41 = tpu.memref_slice %arg2[%dma_start3A_39, %dma_start3A_40] : memref<10240x128xf32, #tpu.memory_space<hbm>> -> memref<10240x128xf32, #tpu.memory_space<hbm>>
      tpu.enqueue_indirect_dma source(%dma_start3A_41 : memref<10240x128xf32, #tpu.memory_space<hbm>>) target(%arg9 : memref<128x128xf32, #tpu.memory_space<vmem>>) offsets(%dma_start3A_38 : memref<128xi32, #tpu.memory_space<vmem>>) semaphore(%arg11 : memref<!tpu.dma_semaphore, #tpu.memory_space<semaphore_mem>>)
      %scan3A_42 = arith.constant 0 : i32
      %scan3A_43 = arith.constant 19 : i32
      %scan3A_44 = arith.addi %scan3A_42, %scan3A_43 : i32
      %scan3A_45 = arith.constant 1 : i32
      scf.for %scan3A_61 = %scan3A_42 to %scan3A_44 step %scan3A_45  : i32 {
        %mul3A_62 = arith.constant 2 : i32
        %mul3A_63 = arith.muli %scan3A_61, %mul3A_62 : i32
        %add3A_64 = arith.constant 0 : i32
        %add3A_65 = arith.addi %add3A_64, %mul3A_63 : i32
        %dma_wait3A_66 = arith.constant 0 : i32
        %dma_wait3A_67 = tpu.memref_slice %arg6[%add3A_65, %dma_wait3A_66] : memref<40x128xi32, #tpu.memory_space<vmem>> -> memref<1x128xi32, #tpu.memory_space<vmem>>
        %dma_wait3A_68 = tpu.memref_squeeze %dma_wait3A_67 : memref<1x128xi32, #tpu.memory_space<vmem>> -> memref<128xi32, #tpu.memory_space<vmem>>
        %dma_wait3A_69 = arith.constant 0 : i32
        %dma_wait3A_70 = arith.constant 0 : i32
        %dma_wait3A_71 = tpu.memref_slice %arg2[%dma_wait3A_69, %dma_wait3A_70] : memref<10240x128xf32, #tpu.memory_space<hbm>> -> memref<10240x128xf32, #tpu.memory_space<hbm>>
        tpu.wait_indirect_dma semaphore(%arg10 : memref<!tpu.dma_semaphore, #tpu.memory_space<semaphore_mem>>) src(%dma_wait3A_71 : memref<10240x128xf32, #tpu.memory_space<hbm>>) dst(%arg8 : memref<128x128xf32, #tpu.memory_space<vmem>>)
        %dma_start3A_72 = arith.constant 0 : i32
        %dma_start3A_73 = tpu.memref_slice %arg7[%add3A_65, %dma_start3A_72] : memref<40x128xi32, #tpu.memory_space<vmem>> -> memref<1x128xi32, #tpu.memory_space<vmem>>
        %dma_start3A_74 = tpu.memref_squeeze %dma_start3A_73 : memref<1x128xi32, #tpu.memory_space<vmem>> -> memref<128xi32, #tpu.memory_space<vmem>>
        %dma_start3A_75 = arith.constant 0 : i32
        %dma_start3A_76 = arith.constant 0 : i32
        %dma_start3A_77 = tpu.memref_slice %arg14[%dma_start3A_75, %dma_start3A_76] : memref<10240x128xf32, #tpu.memory_space<vmem_shared>> -> memref<10240x128xf32, #tpu.memory_space<vmem_shared>>
        tpu.enqueue_indirect_dma source(%arg8 : memref<128x128xf32, #tpu.memory_space<vmem>>) target(%dma_start3A_77 : memref<10240x128xf32, #tpu.memory_space<vmem_shared>>) offsets(%dma_start3A_74 : memref<128xi32, #tpu.memory_space<vmem>>) semaphore(%arg12 : memref<!tpu.dma_semaphore, #tpu.memory_space<semaphore_mem>>) {add = true}
        %add3A_78 = arith.constant 1 : i32
        %add3A_79 = arith.addi %add3A_65, %add3A_78 : i32
        %dma_wait3A_80 = arith.constant 0 : i32
        %dma_wait3A_81 = tpu.memref_slice %arg6[%add3A_79, %dma_wait3A_80] : memref<40x128xi32, #tpu.memory_space<vmem>> -> memref<1x128xi32, #tpu.memory_space<vmem>>
        %dma_wait3A_82 = tpu.memref_squeeze %dma_wait3A_81 : memref<1x128xi32, #tpu.memory_space<vmem>> -> memref<128xi32, #tpu.memory_space<vmem>>
        %dma_wait3A_83 = arith.constant 0 : i32
        %dma_wait3A_84 = arith.constant 0 : i32
        %dma_wait3A_85 = tpu.memref_slice %arg2[%dma_wait3A_83, %dma_wait3A_84] : memref<10240x128xf32, #tpu.memory_space<hbm>> -> memref<10240x128xf32, #tpu.memory_space<hbm>>
        tpu.wait_indirect_dma semaphore(%arg11 : memref<!tpu.dma_semaphore, #tpu.memory_space<semaphore_mem>>) src(%dma_wait3A_85 : memref<10240x128xf32, #tpu.memory_space<hbm>>) dst(%arg9 : memref<128x128xf32, #tpu.memory_space<vmem>>)
        %add3A_86 = arith.constant 1 : i32
        %add3A_87 = arith.addi %add3A_65, %add3A_86 : i32
        %dma_start3A_88 = arith.constant 0 : i32
        %dma_start3A_89 = tpu.memref_slice %arg7[%add3A_87, %dma_start3A_88] : memref<40x128xi32, #tpu.memory_space<vmem>> -> memref<1x128xi32, #tpu.memory_space<vmem>>
        %dma_start3A_90 = tpu.memref_squeeze %dma_start3A_89 : memref<1x128xi32, #tpu.memory_space<vmem>> -> memref<128xi32, #tpu.memory_space<vmem>>
        %dma_start3A_91 = arith.constant 0 : i32
        %dma_start3A_92 = arith.constant 0 : i32
        %dma_start3A_93 = tpu.memref_slice %arg14[%dma_start3A_91, %dma_start3A_92] : memref<10240x128xf32, #tpu.memory_space<vmem_shared>> -> memref<10240x128xf32, #tpu.memory_space<vmem_shared>>
        tpu.enqueue_indirect_dma source(%arg9 : memref<128x128xf32, #tpu.memory_space<vmem>>) target(%dma_start3A_93 : memref<10240x128xf32, #tpu.memory_space<vmem_shared>>) offsets(%dma_start3A_90 : memref<128xi32, #tpu.memory_space<vmem>>) semaphore(%arg13 : memref<!tpu.dma_semaphore, #tpu.memory_space<semaphore_mem>>) {add = true}
        %dma_wait3A_94 = arith.constant 0 : i32
        %dma_wait3A_95 = tpu.memref_slice %arg7[%add3A_65, %dma_wait3A_94] : memref<40x128xi32, #tpu.memory_space<vmem>> -> memref<1x128xi32, #tpu.memory_space<vmem>>
        %dma_wait3A_96 = tpu.memref_squeeze %dma_wait3A_95 : memref<1x128xi32, #tpu.memory_space<vmem>> -> memref<128xi32, #tpu.memory_space<vmem>>
        %dma_wait3A_97 = arith.constant 0 : i32
        %dma_wait3A_98 = arith.constant 0 : i32
        %dma_wait3A_99 = tpu.memref_slice %arg14[%dma_wait3A_97, %dma_wait3A_98] : memref<10240x128xf32, #tpu.memory_space<vmem_shared>> -> memref<10240x128xf32, #tpu.memory_space<vmem_shared>>
        tpu.wait_indirect_dma semaphore(%arg12 : memref<!tpu.dma_semaphore, #tpu.memory_space<semaphore_mem>>) src(%arg8 : memref<128x128xf32, #tpu.memory_space<vmem>>) dst(%dma_wait3A_99 : memref<10240x128xf32, #tpu.memory_space<vmem_shared>>)
        %add3A_100 = arith.constant 2 : i32
        %add3A_101 = arith.addi %add3A_65, %add3A_100 : i32
        %dma_start3A_102 = arith.constant 0 : i32
        %dma_start3A_103 = tpu.memref_slice %arg6[%add3A_101, %dma_start3A_102] : memref<40x128xi32, #tpu.memory_space<vmem>> -> memref<1x128xi32, #tpu.memory_space<vmem>>
        %dma_start3A_104 = tpu.memref_squeeze %dma_start3A_103 : memref<1x128xi32, #tpu.memory_space<vmem>> -> memref<128xi32, #tpu.memory_space<vmem>>
        %dma_start3A_105 = arith.constant 0 : i32
        %dma_start3A_106 = arith.constant 0 : i32
        %dma_start3A_107 = tpu.memref_slice %arg2[%dma_start3A_105, %dma_start3A_106] : memref<10240x128xf32, #tpu.memory_space<hbm>> -> memref<10240x128xf32, #tpu.memory_space<hbm>>
        tpu.enqueue_indirect_dma source(%dma_start3A_107 : memref<10240x128xf32, #tpu.memory_space<hbm>>) target(%arg8 : memref<128x128xf32, #tpu.memory_space<vmem>>) offsets(%dma_start3A_104 : memref<128xi32, #tpu.memory_space<vmem>>) semaphore(%arg10 : memref<!tpu.dma_semaphore, #tpu.memory_space<semaphore_mem>>)
        %add3A_108 = arith.constant 1 : i32
        %add3A_109 = arith.addi %add3A_65, %add3A_108 : i32
        %dma_wait3A_110 = arith.constant 0 : i32
        %dma_wait3A_111 = tpu.memref_slice %arg7[%add3A_109, %dma_wait3A_110] : memref<40x128xi32, #tpu.memory_space<vmem>> -> memref<1x128xi32, #tpu.memory_space<vmem>>
        %dma_wait3A_112 = tpu.memref_squeeze %dma_wait3A_111 : memref<1x128xi32, #tpu.memory_space<vmem>> -> memref<128xi32, #tpu.memory_space<vmem>>
        %dma_wait3A_113 = arith.constant 0 : i32
        %dma_wait3A_114 = arith.constant 0 : i32
        %dma_wait3A_115 = tpu.memref_slice %arg14[%dma_wait3A_113, %dma_wait3A_114] : memref<10240x128xf32, #tpu.memory_space<vmem_shared>> -> memref<10240x128xf32, #tpu.memory_space<vmem_shared>>
        tpu.wait_indirect_dma semaphore(%arg13 : memref<!tpu.dma_semaphore, #tpu.memory_space<semaphore_mem>>) src(%arg9 : memref<128x128xf32, #tpu.memory_space<vmem>>) dst(%dma_wait3A_115 : memref<10240x128xf32, #tpu.memory_space<vmem_shared>>)
        %add3A_116 = arith.constant 3 : i32
        %add3A_117 = arith.addi %add3A_65, %add3A_116 : i32
        %dma_start3A_118 = arith.constant 0 : i32
        %dma_start3A_119 = tpu.memref_slice %arg6[%add3A_117, %dma_start3A_118] : memref<40x128xi32, #tpu.memory_space<vmem>> -> memref<1x128xi32, #tpu.memory_space<vmem>>
        %dma_start3A_120 = tpu.memref_squeeze %dma_start3A_119 : memref<1x128xi32, #tpu.memory_space<vmem>> -> memref<128xi32, #tpu.memory_space<vmem>>
        %dma_start3A_121 = arith.constant 0 : i32
        %dma_start3A_122 = arith.constant 0 : i32
        %dma_start3A_123 = tpu.memref_slice %arg2[%dma_start3A_121, %dma_start3A_122] : memref<10240x128xf32, #tpu.memory_space<hbm>> -> memref<10240x128xf32, #tpu.memory_space<hbm>>
        tpu.enqueue_indirect_dma source(%dma_start3A_123 : memref<10240x128xf32, #tpu.memory_space<hbm>>) target(%arg9 : memref<128x128xf32, #tpu.memory_space<vmem>>) offsets(%dma_start3A_120 : memref<128xi32, #tpu.memory_space<vmem>>) semaphore(%arg11 : memref<!tpu.dma_semaphore, #tpu.memory_space<semaphore_mem>>)
      }
      %scan3A_46 = arith.constant 19 : i32
      %dma_wait3A = arith.constant 38 : i32
      %dma_wait3A_47 = arith.constant 0 : i32
      %dma_wait3A_48 = tpu.memref_slice %arg6[%dma_wait3A, %dma_wait3A_47] : memref<40x128xi32, #tpu.memory_space<vmem>> -> memref<1x128xi32, #tpu.memory_space<vmem>>
      %dma_wait3A_49 = tpu.memref_squeeze %dma_wait3A_48 : memref<1x128xi32, #tpu.memory_space<vmem>> -> memref<128xi32, #tpu.memory_space<vmem>>
      %dma_wait3A_50 = arith.constant 0 : i32
      %dma_wait3A_51 = arith.constant 0 : i32
      %dma_wait3A_52 = tpu.memref_slice %arg2[%dma_wait3A_50, %dma_wait3A_51] : memref<10240x128xf32, #tpu.memory_space<hbm>> -> memref<10240x128xf32, #tpu.memory_space<hbm>>
      tpu.wait_indirect_dma semaphore(%arg10 : memref<!tpu.dma_semaphore, #tpu.memory_space<semaphore_mem>>) src(%dma_wait3A_52 : memref<10240x128xf32, #tpu.memory_space<hbm>>) dst(%arg8 : memref<128x128xf32, #tpu.memory_space<vmem>>)
      %run_scoped3A = arith.constant 38 : i32
      "tpu.region"() ({
        %run_scoped3A_61 = tpu.sem_alloc : memref<!tpu.dma_semaphore, #tpu.memory_space<semaphore_mem>>
        %dma_start3A_62 = arith.constant 0 : i32
        %dma_start3A_63 = tpu.memref_slice %arg7[%run_scoped3A, %dma_start3A_62] : memref<40x128xi32, #tpu.memory_space<vmem>> -> memref<1x128xi32, #tpu.memory_space<vmem>>
        %dma_start3A_64 = tpu.memref_squeeze %dma_start3A_63 : memref<1x128xi32, #tpu.memory_space<vmem>> -> memref<128xi32, #tpu.memory_space<vmem>>
        %dma_start3A_65 = arith.constant 0 : i32
        %dma_start3A_66 = arith.constant 0 : i32
        %dma_start3A_67 = tpu.memref_slice %arg14[%dma_start3A_65, %dma_start3A_66] : memref<10240x128xf32, #tpu.memory_space<vmem_shared>> -> memref<10240x128xf32, #tpu.memory_space<vmem_shared>>
        tpu.enqueue_indirect_dma source(%arg8 : memref<128x128xf32, #tpu.memory_space<vmem>>) target(%dma_start3A_67 : memref<10240x128xf32, #tpu.memory_space<vmem_shared>>) offsets(%dma_start3A_64 : memref<128xi32, #tpu.memory_space<vmem>>) semaphore(%run_scoped3A_61 : memref<!tpu.dma_semaphore, #tpu.memory_space<semaphore_mem>>) {add = true}
        %dma_wait3A_68 = arith.constant 0 : i32
        %dma_wait3A_69 = tpu.memref_slice %arg7[%run_scoped3A, %dma_wait3A_68] : memref<40x128xi32, #tpu.memory_space<vmem>> -> memref<1x128xi32, #tpu.memory_space<vmem>>
        %dma_wait3A_70 = tpu.memref_squeeze %dma_wait3A_69 : memref<1x128xi32, #tpu.memory_space<vmem>> -> memref<128xi32, #tpu.memory_space<vmem>>
        %dma_wait3A_71 = arith.constant 0 : i32
        %dma_wait3A_72 = arith.constant 0 : i32
        %dma_wait3A_73 = tpu.memref_slice %arg14[%dma_wait3A_71, %dma_wait3A_72] : memref<10240x128xf32, #tpu.memory_space<vmem_shared>> -> memref<10240x128xf32, #tpu.memory_space<vmem_shared>>
        tpu.wait_indirect_dma semaphore(%run_scoped3A_61 : memref<!tpu.dma_semaphore, #tpu.memory_space<semaphore_mem>>) src(%arg8 : memref<128x128xf32, #tpu.memory_space<vmem>>) dst(%dma_wait3A_73 : memref<10240x128xf32, #tpu.memory_space<vmem_shared>>)
        tpu.yield
      }) : () -> ()
      %dma_wait3A_53 = arith.constant 39 : i32
      %dma_wait3A_54 = arith.constant 0 : i32
      %dma_wait3A_55 = tpu.memref_slice %arg6[%dma_wait3A_53, %dma_wait3A_54] : memref<40x128xi32, #tpu.memory_space<vmem>> -> memref<1x128xi32, #tpu.memory_space<vmem>>
      %dma_wait3A_56 = tpu.memref_squeeze %dma_wait3A_55 : memref<1x128xi32, #tpu.memory_space<vmem>> -> memref<128xi32, #tpu.memory_space<vmem>>
      %dma_wait3A_57 = arith.constant 0 : i32
      %dma_wait3A_58 = arith.constant 0 : i32
      %dma_wait3A_59 = tpu.memref_slice %arg2[%dma_wait3A_57, %dma_wait3A_58] : memref<10240x128xf32, #tpu.memory_space<hbm>> -> memref<10240x128xf32, #tpu.memory_space<hbm>>
      tpu.wait_indirect_dma semaphore(%arg11 : memref<!tpu.dma_semaphore, #tpu.memory_space<semaphore_mem>>) src(%dma_wait3A_59 : memref<10240x128xf32, #tpu.memory_space<hbm>>) dst(%arg9 : memref<128x128xf32, #tpu.memory_space<vmem>>)
      %run_scoped3A_60 = arith.constant 39 : i32
      "tpu.region"() ({
        %run_scoped3A_61 = tpu.sem_alloc : memref<!tpu.dma_semaphore, #tpu.memory_space<semaphore_mem>>
        %dma_start3A_62 = arith.constant 0 : i32
        %dma_start3A_63 = tpu.memref_slice %arg7[%run_scoped3A_60, %dma_start3A_62] : memref<40x128xi32, #tpu.memory_space<vmem>> -> memref<1x128xi32, #tpu.memory_space<vmem>>
        %dma_start3A_64 = tpu.memref_squeeze %dma_start3A_63 : memref<1x128xi32, #tpu.memory_space<vmem>> -> memref<128xi32, #tpu.memory_space<vmem>>
        %dma_start3A_65 = arith.constant 0 : i32
        %dma_start3A_66 = arith.constant 0 : i32
        %dma_start3A_67 = tpu.memref_slice %arg14[%dma_start3A_65, %dma_start3A_66] : memref<10240x128xf32, #tpu.memory_space<vmem_shared>> -> memref<10240x128xf32, #tpu.memory_space<vmem_shared>>
        tpu.enqueue_indirect_dma source(%arg9 : memref<128x128xf32, #tpu.memory_space<vmem>>) target(%dma_start3A_67 : memref<10240x128xf32, #tpu.memory_space<vmem_shared>>) offsets(%dma_start3A_64 : memref<128xi32, #tpu.memory_space<vmem>>) semaphore(%run_scoped3A_61 : memref<!tpu.dma_semaphore, #tpu.memory_space<semaphore_mem>>) {add = true}
        %dma_wait3A_68 = arith.constant 0 : i32
        %dma_wait3A_69 = tpu.memref_slice %arg7[%run_scoped3A_60, %dma_wait3A_68] : memref<40x128xi32, #tpu.memory_space<vmem>> -> memref<1x128xi32, #tpu.memory_space<vmem>>
        %dma_wait3A_70 = tpu.memref_squeeze %dma_wait3A_69 : memref<1x128xi32, #tpu.memory_space<vmem>> -> memref<128xi32, #tpu.memory_space<vmem>>
        %dma_wait3A_71 = arith.constant 0 : i32
        %dma_wait3A_72 = arith.constant 0 : i32
        %dma_wait3A_73 = tpu.memref_slice %arg14[%dma_wait3A_71, %dma_wait3A_72] : memref<10240x128xf32, #tpu.memory_space<vmem_shared>> -> memref<10240x128xf32, #tpu.memory_space<vmem_shared>>
        tpu.wait_indirect_dma semaphore(%run_scoped3A_61 : memref<!tpu.dma_semaphore, #tpu.memory_space<semaphore_mem>>) src(%arg9 : memref<128x128xf32, #tpu.memory_space<vmem>>) dst(%dma_wait3A_73 : memref<10240x128xf32, #tpu.memory_space<vmem_shared>>)
        tpu.yield
      }) : () -> ()
    }
    %scan3A_14 = arith.constant 2 : i32
    %barrier3A_15 = arith.constant 0 : index
    tpu.barrier barrier_id(%barrier3A_15)
    %mul3A_16 = arith.constant 640 : i32
    %mul3A_17 = arith.muli %arg1, %mul3A_16 : i32
    %mul3A_18 = arith.constant 640 : i32
    %mul3A_19 = arith.muli %arg1, %mul3A_18 : i32
    "tpu.region"() ({
      %run_scoped3A = tpu.sem_alloc : memref<!tpu.dma_semaphore, #tpu.memory_space<semaphore_mem>>
      %dma_start3A = arith.constant 0 : i32
      %dma_start3A_20 = tpu.memref_slice %arg5[%arg0, %mul3A_19, %dma_start3A] : memref<2x10240x128xf32, #tpu.memory_space<hbm>> -> memref<1x640x128xf32, #tpu.memory_space<hbm>>
      %dma_start3A_21 = tpu.memref_squeeze %dma_start3A_20 : memref<1x640x128xf32, #tpu.memory_space<hbm>> -> memref<640x128xf32, #tpu.memory_space<hbm>>
      %dma_start3A_22 = arith.constant 0 : i32
      %dma_start3A_23 = tpu.memref_slice %arg14[%mul3A_17, %dma_start3A_22] : memref<10240x128xf32, #tpu.memory_space<vmem_shared>> -> memref<640x128xf32, #tpu.memory_space<vmem_shared>>
      tpu.enqueue_dma source(%dma_start3A_23 : memref<640x128xf32, #tpu.memory_space<vmem_shared>>) target(%dma_start3A_21 : memref<640x128xf32, #tpu.memory_space<hbm>>) target_semaphore(%run_scoped3A : memref<!tpu.dma_semaphore, #tpu.memory_space<semaphore_mem>>)
      %dma_wait3A = arith.constant 0 : i32
      %dma_wait3A_24 = tpu.memref_slice %arg5[%arg0, %mul3A_19, %dma_wait3A] : memref<2x10240x128xf32, #tpu.memory_space<hbm>> -> memref<1x640x128xf32, #tpu.memory_space<hbm>>
      %dma_wait3A_25 = tpu.memref_squeeze %dma_wait3A_24 : memref<1x640x128xf32, #tpu.memory_space<hbm>> -> memref<640x128xf32, #tpu.memory_space<hbm>>
      %dma_wait3A_26 = arith.constant 0 : i32
      %dma_wait3A_27 = tpu.memref_slice %arg14[%mul3A_17, %dma_wait3A_26] : memref<10240x128xf32, #tpu.memory_space<vmem_shared>> -> memref<640x128xf32, #tpu.memory_space<vmem_shared>>
      tpu.wait_dma2 semaphore(%run_scoped3A : memref<!tpu.dma_semaphore, #tpu.memory_space<semaphore_mem>>) src(%dma_wait3A_27 : memref<640x128xf32, #tpu.memory_space<vmem_shared>>) dst(%dma_wait3A_25 : memref<640x128xf32, #tpu.memory_space<hbm>>)
      tpu.yield
    }) : () -> ()
    return
  }
}

module attributes {stable_mosaic.version = 14 : i64} {
  func.func @_scale_body(%arg0: i32, %arg1: memref<2x1280xf32, #tpu.memory_space<vmem>>, %arg2: memref<1280x128xf32, #tpu.memory_space<vmem>>, %arg3: memref<1280x128xf32, #tpu.memory_space<vmem>>) attributes {dimension_semantics = [#tpu.dimension_semantics<arbitrary>], iteration_bounds = array<i64: 8>, scalar_prefetch = 0 : i64, scratch_operands = 0 : i64, tpu.core_type = #tpu.core_type<tc>, window_params = [{transform_indices = @transform_0, window_bounds = array<i64: 2, 1280>}, {transform_indices = @transform_1, window_bounds = array<i64: 1280, 128>}, {transform_indices = @transform_2, window_bounds = array<i64: 1280, 128>}]} {
    %get3A = arith.constant 0 : index
    %get3A_0 = arith.constant 0 : index
    %get3A_1 = vector.load %arg2[%get3A, %get3A_0] : memref<1280x128xf32, #tpu.memory_space<vmem>>, vector<1280x128xf32>
    %get3A_2 = arith.constant 0 : index
    %get3A_3 = arith.constant 0 : index
    %get3A_4 = vector.load %arg1[%get3A_2, %get3A_3] : memref<2x1280xf32, #tpu.memory_space<vmem>>, vector<1x1280xf32>
    %get3A_5 = vector.shape_cast %get3A_4 : vector<1x1280xf32> to vector<1280xf32>
    %get3A_6 = arith.constant 1 : index
    %get3A_7 = arith.constant 0 : index
    %get3A_8 = vector.load %arg1[%get3A_6, %get3A_7] : memref<2x1280xf32, #tpu.memory_space<vmem>>, vector<1x1280xf32>
    %get3A_9 = vector.shape_cast %get3A_8 : vector<1x1280xf32> to vector<1280xf32>
    %add3A = arith.addf %get3A_5, %get3A_9 : vector<1280xf32>
    %broadcast_in_dim3A = vector.shape_cast %add3A : vector<1280xf32> to vector<1280x1xf32>
    %max3A = arith.constant 1.000000e+00 : f32
    %max3A_10 = vector.broadcast %max3A : f32 to vector<1280x1xf32>
    %max3A_11 = arith.maximumf %broadcast_in_dim3A, %max3A_10 : vector<1280x1xf32>
    %rsqrt3A = math.rsqrt %max3A_11 : vector<1280x1xf32>
    %mul3A = vector.broadcast %rsqrt3A : vector<1280x1xf32> to vector<1280x128xf32>
    %mul3A_12 = arith.mulf %get3A_1, %mul3A : vector<1280x128xf32>
    %swap3A = arith.constant 0 : index
    %swap3A_13 = arith.constant 0 : index
    %swap3A_14 = vector.load %arg3[%swap3A, %swap3A_13] : memref<1280x128xf32, #tpu.memory_space<vmem>>, vector<1280x128xf32>
    tpu.vector_store %arg3[%swap3A, %swap3A_13], %mul3A_12 {strides = array<i32>} : memref<1280x128xf32, #tpu.memory_space<vmem>>, vector<1280x128xf32>,
    return
  }
  func.func @transform_0(%arg0: i32) -> (i32, i32) {
    %c0_i32 = arith.constant 0 : i32
    %c0_i32_0 = arith.constant 0 : i32
    return %c0_i32, %arg0 : i32, i32
  }
  func.func @transform_1(%arg0: i32) -> (i32, i32) {
    %c0_i32 = arith.constant 0 : i32
    %c0_i32_0 = arith.constant 0 : i32
    return %arg0, %c0_i32 : i32, i32
  }
  func.func @transform_2(%arg0: i32) -> (i32, i32) {
    %c0_i32 = arith.constant 0 : i32
    %c0_i32_0 = arith.constant 0 : i32
    return %arg0, %c0_i32 : i32, i32
  }
}

module attributes {stable_mosaic.version = 14 : i64} {
  func.func @_comb_body(%arg0: i32, %arg1: memref<2x1280xf32, #tpu.memory_space<vmem>>, %arg2: memref<2x1280x128xf32, #tpu.memory_space<vmem>>, %arg3: memref<1280x128xf32, #tpu.memory_space<vmem>>) attributes {dimension_semantics = [#tpu.dimension_semantics<arbitrary>], iteration_bounds = array<i64: 8>, scalar_prefetch = 0 : i64, scratch_operands = 0 : i64, tpu.core_type = #tpu.core_type<tc>, window_params = [{transform_indices = @transform_0, window_bounds = array<i64: 2, 1280>}, {transform_indices = @transform_1, window_bounds = array<i64: 2, 1280, 128>}, {transform_indices = @transform_2, window_bounds = array<i64: 1280, 128>}]} {
    %get3A = arith.constant 0 : index
    %get3A_0 = arith.constant 0 : index
    %get3A_1 = vector.load %arg1[%get3A, %get3A_0] : memref<2x1280xf32, #tpu.memory_space<vmem>>, vector<1x1280xf32>
    %get3A_2 = vector.shape_cast %get3A_1 : vector<1x1280xf32> to vector<1280xf32>
    %get3A_3 = arith.constant 1 : index
    %get3A_4 = arith.constant 0 : index
    %get3A_5 = vector.load %arg1[%get3A_3, %get3A_4] : memref<2x1280xf32, #tpu.memory_space<vmem>>, vector<1x1280xf32>
    %get3A_6 = vector.shape_cast %get3A_5 : vector<1x1280xf32> to vector<1280xf32>
    %add3A = arith.addf %get3A_2, %get3A_6 : vector<1280xf32>
    %broadcast_in_dim3A = vector.shape_cast %add3A : vector<1280xf32> to vector<1280x1xf32>
    %get3A_7 = arith.constant 0 : index
    %get3A_8 = arith.constant 0 : index
    %get3A_9 = arith.constant 0 : index
    %get3A_10 = vector.load %arg2[%get3A_7, %get3A_8, %get3A_9] : memref<2x1280x128xf32, #tpu.memory_space<vmem>>, vector<1x1280x128xf32>
    %get3A_11 = vector.shape_cast %get3A_10 : vector<1x1280x128xf32> to vector<1280x128xf32>
    %get3A_12 = arith.constant 1 : index
    %get3A_13 = arith.constant 0 : index
    %get3A_14 = arith.constant 0 : index
    %get3A_15 = vector.load %arg2[%get3A_12, %get3A_13, %get3A_14] : memref<2x1280x128xf32, #tpu.memory_space<vmem>>, vector<1x1280x128xf32>
    %get3A_16 = vector.shape_cast %get3A_15 : vector<1x1280x128xf32> to vector<1280x128xf32>
    %add3A_17 = arith.addf %get3A_11, %get3A_16 : vector<1280x128xf32>
    %max3A = arith.constant 1.000000e+00 : f32
    %max3A_18 = vector.broadcast %max3A : f32 to vector<1280x1xf32>
    %max3A_19 = arith.maximumf %broadcast_in_dim3A, %max3A_18 : vector<1280x1xf32>
    %div3A = vector.broadcast %max3A_19 : vector<1280x1xf32> to vector<1280x128xf32>
    %div3A_20 = arith.divf %add3A_17, %div3A : vector<1280x128xf32>
    %swap3A = arith.constant 0 : index
    %swap3A_21 = arith.constant 0 : index
    %swap3A_22 = vector.load %arg3[%swap3A, %swap3A_21] : memref<1280x128xf32, #tpu.memory_space<vmem>>, vector<1280x128xf32>
    tpu.vector_store %arg3[%swap3A, %swap3A_21], %div3A_20 {strides = array<i32>} : memref<1280x128xf32, #tpu.memory_space<vmem>>, vector<1280x128xf32>,
    return
  }
  func.func @transform_0(%arg0: i32) -> (i32, i32) {
    %c0_i32 = arith.constant 0 : i32
    %c0_i32_0 = arith.constant 0 : i32
    return %c0_i32, %arg0 : i32, i32
  }
  func.func @transform_1(%arg0: i32) -> (i32, i32, i32) {
    %c0_i32 = arith.constant 0 : i32
    %c0_i32_0 = arith.constant 0 : i32
    %c0_i32_1 = arith.constant 0 : i32
    return %c0_i32, %arg0, %c0_i32_0 : i32, i32, i32
  }
  func.func @transform_2(%arg0: i32) -> (i32, i32) {
    %c0_i32 = arith.constant 0 : i32
    %c0_i32_0 = arith.constant 0 : i32
    return %arg0, %c0_i32 : i32, i32
  }
}

module attributes {stable_mosaic.version = 14 : i64} {
  func.func @_final_body(%arg0: i32, %arg1: memref<2x1280xf32, #tpu.memory_space<vmem>>, %arg2: memref<2x1280x128xf32, #tpu.memory_space<vmem>>, %arg3: memref<128x128xf32, #tpu.memory_space<vmem>>, %arg4: memref<1x128xf32, #tpu.memory_space<vmem>>, %arg5: memref<1280x128xf32, #tpu.memory_space<vmem>>) attributes {dimension_semantics = [#tpu.dimension_semantics<arbitrary>], iteration_bounds = array<i64: 8>, scalar_prefetch = 0 : i64, scratch_operands = 0 : i64, tpu.core_type = #tpu.core_type<tc>, window_params = [{transform_indices = @transform_0, window_bounds = array<i64: 2, 1280>}, {transform_indices = @transform_1, window_bounds = array<i64: 2, 1280, 128>}, {pipeline_mode = #tpu.pipeline_mode<synchronous>, transform_indices = @transform_2, window_bounds = array<i64: 128, 128>}, {pipeline_mode = #tpu.pipeline_mode<synchronous>, transform_indices = @transform_3, window_bounds = array<i64: 1, 128>}, {transform_indices = @transform_4, window_bounds = array<i64: 1280, 128>}]} {
    %get3A = arith.constant 0 : index
    %get3A_0 = arith.constant 0 : index
    %get3A_1 = arith.constant 0 : index
    %get3A_2 = vector.load %arg2[%get3A, %get3A_0, %get3A_1] : memref<2x1280x128xf32, #tpu.memory_space<vmem>>, vector<1x1280x128xf32>
    %get3A_3 = vector.shape_cast %get3A_2 : vector<1x1280x128xf32> to vector<1280x128xf32>
    %get3A_4 = arith.constant 1 : index
    %get3A_5 = arith.constant 0 : index
    %get3A_6 = arith.constant 0 : index
    %get3A_7 = vector.load %arg2[%get3A_4, %get3A_5, %get3A_6] : memref<2x1280x128xf32, #tpu.memory_space<vmem>>, vector<1x1280x128xf32>
    %get3A_8 = vector.shape_cast %get3A_7 : vector<1x1280x128xf32> to vector<1280x128xf32>
    %add3A = arith.addf %get3A_3, %get3A_8 : vector<1280x128xf32>
    %get3A_9 = arith.constant 0 : index
    %get3A_10 = arith.constant 0 : index
    %get3A_11 = vector.load %arg1[%get3A_9, %get3A_10] : memref<2x1280xf32, #tpu.memory_space<vmem>>, vector<1x1280xf32>
    %get3A_12 = vector.shape_cast %get3A_11 : vector<1x1280xf32> to vector<1280xf32>
    %get3A_13 = arith.constant 1 : index
    %get3A_14 = arith.constant 0 : index
    %get3A_15 = vector.load %arg1[%get3A_13, %get3A_14] : memref<2x1280xf32, #tpu.memory_space<vmem>>, vector<1x1280xf32>
    %get3A_16 = vector.shape_cast %get3A_15 : vector<1x1280xf32> to vector<1280xf32>
    %add3A_17 = arith.addf %get3A_12, %get3A_16 : vector<1280xf32>
    %broadcast_in_dim3A = vector.shape_cast %add3A_17 : vector<1280xf32> to vector<1280x1xf32>
    %max3A = arith.constant 1.000000e+00 : f32
    %max3A_18 = vector.broadcast %max3A : f32 to vector<1280x1xf32>
    %max3A_19 = arith.maximumf %broadcast_in_dim3A, %max3A_18 : vector<1280x1xf32>
    %rsqrt3A = math.rsqrt %max3A_19 : vector<1280x1xf32>
    %mul3A = vector.broadcast %rsqrt3A : vector<1280x1xf32> to vector<1280x128xf32>
    %mul3A_20 = arith.mulf %add3A, %mul3A : vector<1280x128xf32>
    %get3A_21 = arith.constant 0 : index
    %get3A_22 = arith.constant 0 : index
    %get3A_23 = vector.load %arg3[%get3A_21, %get3A_22] : memref<128x128xf32, #tpu.memory_space<vmem>>, vector<128x128xf32>
    %dot_general3A = arith.constant dense<0.000000e+00> : vector<1280x128xf32>
    %dot_general3A_24 = tpu.matmul %mul3A_20, %get3A_23, %dot_general3A {dimension_numbers = #tpu.dot_dimension_numbers<[1], [1], [0], [0], [0, 0, 1, 0], [], []>, transpose_lhs_hint = false} : vector<1280x128xf32>, vector<128x128xf32>, vector<1280x128xf32> -> vector<1280x128xf32>
    %get3A_25 = arith.constant 0 : index
    %get3A_26 = arith.constant 0 : index
    %get3A_27 = vector.load %arg4[%get3A_25, %get3A_26] : memref<1x128xf32, #tpu.memory_space<vmem>>, vector<1x128xf32>
    %add3A_28 = vector.broadcast %get3A_27 : vector<1x128xf32> to vector<1280x128xf32>
    %add3A_29 = arith.addf %dot_general3A_24, %add3A_28 : vector<1280x128xf32>
    %swap3A = arith.constant 0 : index
    %swap3A_30 = arith.constant 0 : index
    %swap3A_31 = vector.load %arg5[%swap3A, %swap3A_30] : memref<1280x128xf32, #tpu.memory_space<vmem>>, vector<1280x128xf32>
    tpu.vector_store %arg5[%swap3A, %swap3A_30], %add3A_29 {strides = array<i32>} : memref<1280x128xf32, #tpu.memory_space<vmem>>, vector<1280x128xf32>,
    return
  }
  func.func @transform_0(%arg0: i32) -> (i32, i32) {
    %c0_i32 = arith.constant 0 : i32
    %c0_i32_0 = arith.constant 0 : i32
    return %c0_i32, %arg0 : i32, i32
  }
  func.func @transform_1(%arg0: i32) -> (i32, i32, i32) {
    %c0_i32 = arith.constant 0 : i32
    %c0_i32_0 = arith.constant 0 : i32
    %c0_i32_1 = arith.constant 0 : i32
    return %c0_i32, %arg0, %c0_i32_0 : i32, i32, i32
  }
  func.func @transform_2(%arg0: i32) -> (i32, i32) {
    %c0_i32 = arith.constant 0 : i32
    %c0_i32_0 = arith.constant 0 : i32
    %c0_i32_1 = arith.constant 0 : i32
    return %c0_i32, %c0_i32_0 : i32, i32
  }
  func.func @transform_3(%arg0: i32) -> (i32, i32) {
    %c0_i32 = arith.constant 0 : i32
    %c0_i32_0 = arith.constant 0 : i32
    %c0_i32_1 = arith.constant 0 : i32
    return %c0_i32, %c0_i32_0 : i32, i32
  }
  func.func @transform_4(%arg0: i32) -> (i32, i32) {
    %c0_i32 = arith.constant 0 : i32
    %c0_i32_0 = arith.constant 0 : i32
    return %arg0, %c0_i32 : i32, i32
  }
}

</mosaic_0001>

<sc_bundles>
// kernel: kernel.11.cloned.1.call-start
scs
__scs_entry_jumppad:
0x0: {  	(pc) =	sbr.rel $0x88, $3  }
0x1: {  	(tag) =	ssettag $0x0;
	lr =	simm.s32 $0x1  }
0x2: {  	[smem:$0x3F9D] =	sst lr;
	_ =	strace $0xD0000000  }
0x3: {  	_ = 	snop  }
0x4: {  	_ = 	snop  }
0x5: {  	_ = 	snop  }
0x6: {  	_ = 	snop  }
0x7: {  	_ = 	snop  }
__scs_overlays_trampoline_lowered:
0x8: {  	[smem:$0x3FAC] =	sst s0  }
0x9: {  	[smem:$0x3FAD] =	sst s1  }
0xa: {  	[smem:$0x3FAE] =	sst s2  }
0xb: {  	[smem:$0x3FAF] =	sst s3  }
0xc: {  	[smem:$0x3FB0] =	sst s4  }
0xd: {  	[smem:$0x3FB1] =	sst s5  }
0xe: {  	[smem:$0x3FB2] =	sst s6  }
0xf: {  	[smem:$0x3FB3] =	sst s7  }
0x10: {  	[smem:$0x3FB4] =	sst s8  }
0x11: {  	[smem:$0x3FB5] =	sst s9;
	s0 =	simm.s32 @!p0 $0x0  }
0x12: {  	s1 =	sld [smem:$0x3F9B];
	s0 =	simm.s32 @p0 $0x1  }
0x13: {  	[smem:$0x3FB6] =	sst s0;
	s0 =	simm.s32 @!p1 $0x0  }
0x14: {  	s2 =	sld [smem:$0x3F9A];
	s0 =	simm.s32 @p1 $0x1  }
0x15: {  	[smem:$0x3FB7] =	sst s0;
	s0 =	simm.s32 @!p2 $0x0  }
0x16: {  	s3 =	sld [smem:$0x3FDB];
	s0 =	simm.s32 @p2 $0x1  }
0x17: {  	s4 =	simm.s32 $0x1BF5;
	[smem:$0x3FB9] =	sst s0  }
0x18: {  	s0 =	sld [smem:$0x3F9C];
	_ =	swait.ge [sflag:s4], $0x0  }
0x19: {  	s7 =	sld [smem:$0x3F9D]  }
0x1a: {  	s8 =	sadd.s32 $0xFFFFE003, lr  }
0x1b: {  	s9 =	sadd.s32 $0xFFFFFEF7, lr;
	s5 =	simm.s32 $0xFFFFFFFF;
	p2 =	slt.u32 s8, $0xFFFFF086  }
0x1c: {  	p1 =	slt.u32 s9, $0xF7A;
	s5 =	simm.s32 @!p2 $0x0  }
0x1d: {  	s5 =	simm.s32 @p1 $0x1;
	p0 =	seq.s32 s7, s2  }
0x1e: {  	s7 =	smul.u32 @!p0 $0xF7A, s2;
	p2 =	seq.s32 @!p0 s5, $0x0  }
0x1f: {  	s9 =	smul.u32 $0xF7A, s1;
	s8 =	simm.s32 @!p0 $0x1BF5;
	p2 =	por !p2, p0  }
0x20: {  	[sflag:s8] =	ssyncset.s32 @!p0 $0xFFFFF086;
	s6 =	sadd.s32 @!p0 s3, s7;
	s7 =	simm.s32 @!p0 $0x108  }
0x21: {  	s3 =	sadd.s32 s3, s9;
	s6 =	sadd.s32 @!p0 $0x88, s6;
	s7 =	simm.s32 @p2 $0x1082  }
0x22: {  	[simem:s7], [sflag:s8] =	dma.local @!p0 [hbm:s6], $0xF7A  }
0x23: {  	s9 =	sor.u32 $0xD0000000, s2;
	s6 =	simm.s32 $0x108;
	_ =	swait.ge @!p0 [sflag:s8], $0x0  }
0x24: {  	s3 =	sadd.s32 $0x88, s3;
	s6 =	simm.s32 @!p1 $0x1082;
	[sflag:s4] =	ssyncset.s32 $0xFFFFF086  }
0x25: {  	[simem:s6], [sflag:s4] =	dma.local [hbm:s3], $0xF7A  }
0x26: {  	[smem:$0x3F9D] =	sst s1;
	(tag) =	ssettag s2;
	_ =	strace s9  }
0x27: {  	s1 =	sld [smem:$0x3FAD]  }
0x28: {  	s2 =	sld [smem:$0x3FAE]  }
0x29: {  	s4 =	sld [smem:$0x3FB0]  }
0x2a: {  	p0 =	seq.s32 s5, $0x0;
	s5 =	sld [smem:$0x3FB1]  }
0x2b: {  	s6 =	sld [smem:$0x3FB2]  }
0x2c: {  	s7 =	sld [smem:$0x3FB3]  }
0x2d: {  	s3 =	simm.s32 $0x108;
	s8 =	sld [smem:$0x3FB4]  }
0x2e: {  	s3 =	simm.s32 @!p0 $0x1082;
	s9 =	sld [smem:$0x3FB5]  }
0x2f: {  	lr =	sadd.s32 s0, s3;
	s0 =	sld [smem:$0x3FAC]  }
0x30: {  	s3 =	sld [smem:$0x3FAF]  }
0x31: {  	[smem:$0x3FB8] =	sst s10  }
0x32: {  	s10 =	sld [smem:$0x3FB6];
	_ =	sdelay $0x3  }
0x33: {  	p0 =	seq.s32 s10, $0x1;
	s10 =	sld [smem:$0x3FB8];
	_ =	sdelay $0x3  }
0x34: {  	[smem:$0x3FB8] =	sst s10  }
0x35: {  	s10 =	sld [smem:$0x3FB7];
	_ =	sdelay $0x3  }
0x36: {  	p1 =	seq.s32 s10, $0x1;
	s10 =	sld [smem:$0x3FB8];
	_ =	sdelay $0x3  }
0x37: {  	[smem:$0x3FB8] =	sst s10  }
0x38: {  	s10 =	sld [smem:$0x3FB9]  }
0x39: {  	_ = 	snop;
	(pc) =	sbr.ind lr, $3  }
0x3a: {  	_ = 	snop  }
0x3b: {  	_ = 	snop  }
0x3c: {  	p2 =	seq.s32 s10, $0x1;
	s10 =	sld [smem:$0x3FB8]  }
0x3d: {  	_ =	shalt  }
0x3e: {  	_ =	shalt  }
0x3f: {  	_ =	shalt  }
0x40: {  	_ =	shalt  }
0x41: {  	_ =	shalt  }
0x42: {  	_ =	shalt  }
0x43: {  	_ =	shalt  }
0x44: {  	_ =	shalt  }
0x45: {  	_ =	shalt  }
0x46: {  	_ =	shalt  }
0x47: {  	_ =	shalt  }
0x48: {  	_ =	shalt  }
0x49: {  	_ =	shalt  }
0x4a: {  	_ =	shalt  }
0x4b: {  	_ =	shalt  }
0x4c: {  	_ =	shalt  }
0x4d: {  	_ =	shalt  }
0x4e: {  	_ =	shalt  }
0x4f: {  	_ =	shalt  }
0x50: {  	_ =	shalt  }
0x51: {  	_ =	shalt  }
0x52: {  	_ =	shalt  }
0x53: {  	_ =	shalt  }
0x54: {  	_ =	shalt  }
0x55: {  	_ =	shalt  }
0x56: {  	_ =	shalt  }
0x57: {  	_ =	shalt  }
0x58: {  	_ =	shalt  }
0x59: {  	_ =	shalt  }
0x5a: {  	_ =	shalt  }
0x5b: {  	_ =	shalt  }
0x5c: {  	_ =	shalt  }
0x5d: {  	_ =	shalt  }
0x5e: {  	_ =	shalt  }
0x5f: {  	_ =	shalt  }
0x60: {  	_ =	shalt  }
0x61: {  	_ =	shalt  }
0x62: {  	_ =	shalt  }
0x63: {  	_ =	shalt  }
0x64: {  	_ =	shalt  }
0x65: {  	_ =	shalt  }
0x66: {  	_ =	shalt  }
0x67: {  	_ =	shalt  }
0x68: {  	_ =	shalt  }
0x69: {  	_ =	shalt  }
0x6a: {  	_ =	shalt  }
0x6b: {  	_ =	shalt  }
0x6c: {  	_ =	shalt  }
0x6d: {  	_ =	shalt  }
0x6e: {  	_ =	shalt  }
0x6f: {  	_ =	shalt  }
0x70: {  	_ =	shalt  }
0x71: {  	_ =	shalt  }
0x72: {  	_ =	shalt  }
0x73: {  	_ =	shalt  }
0x74: {  	_ =	shalt  }
0x75: {  	_ =	shalt  }
0x76: {  	_ =	shalt  }
0x77: {  	_ =	shalt  }
0x78: {  	_ =	shalt  }
0x79: {  	_ =	shalt  }
0x7a: {  	_ =	shalt  }
0x7b: {  	_ =	shalt  }
0x7c: {  	_ =	shalt  }
0x7d: {  	_ =	shalt  }
0x7e: {  	_ =	shalt  }
0x7f: {  	_ =	shalt  }
0x80: {  	_ =	shalt  }
0x81: {  	_ =	shalt  }
0x82: {  	_ =	shalt  }
0x83: {  	_ =	shalt  }
0x84: {  	_ =	shalt  }
0x85: {  	_ =	shalt  }
0x86: {  	_ =	shalt  }
0x87: {  	_ =	shalt  }
.Lfunc_end0:
.L_simem_size_0:
called_computation.1_lowered:
.L_overlay_start_0:
0x88: {  	s2 =	sld [smem:$0x3FD9]  }
0x89: {  	s3 =	sld [smem:$0x3FFE];
	_ =	sdelay $0x1  }
0x8a: {  	s1 =	srdreg.scid  }
0x8b: {  	s0 =	sand.u32 $0x1, s1  }
0x8c: {  	s17 =	sshll.u32 s0, $0xA;
	s2 =	sadd.s32 s3, s2  }
0x8d: {  	s2 =	sadd.s32 s2, s17  }
0x8e: {  	[smem:$0x3FC4] =	sst s2  }
0x8f: {  	_ = 	snop  }
0x90: {  	s2 =	sld [smem:$0x3FD0];
	(tm) =	ssettm $0x1  }
0x91: {  	s18 =	sld [smem:$0x3FFB];
	_ =	sdelay $0x3  }
0x92: {  	_ =	strace s18  }
0x93: {  	s3 =	sld [smem:$0x3FFC];
	_ =	sdelay $0x3  }
0x94: {  	_ =	strace s3  }
0x95: {  	s3 =	sld [smem:$0x3FFD];
	_ =	sdelay $0x3  }
0x96: {  	_ =	strace s3  }
0x97: {  	_ =	strace $0x8FFFFFFF  }
0x98: {  	s19 =	sld [smem:$0x3FDB];
	_ =	sdelay $0x1  }
0x99: {  	s4 =	simm.s32 $_scs_section_size  }
0x9a: {  	s5 =	simm.s32 $_size__tile_overlayer_lowered;
	s6 =	simm.s32 $_tile_overlayer_lowered  }
0x9b: {  	s22 =	simm.s32 $0x1BFF;
	s21 =	sshll.u32 s6, $0x1;
	s3 =	sadd.s32 s4, s19  }
0x9c: {  	s7 =	simm.s32 $0x0;
	s20 =	sshll.u32 s5, $0x1;
	s5 =	sadd.s32 s21, s3  }
0x9d: {  	[timem:s7], [sflag:s22] =	dma.local [hbm:s5], s20  }
0x9e: {  	_ =	swait.ge [sflag:s22], s20  }
0x9f: {  	s4 =	ssub.s32 $0x0, s20;
	[sflag:s22] =	ssyncset.done $0x0  }
0xa0: {  	[sflag:s22] =	ssyncadd.s32 s4;
	_ =	sdelay $0x1  }
0xa1: {  	s23 =	simm.s32 $0x1B8B  }
0xa2: {  	_ =	swait.ge [sflag:s23], $0x1  }
0xa3: {  	[sflag:s23] =	ssyncset.done $0x0  }
0xa4: {  	s25 =	simm.s32 $0x1B8E;
	s24 =	sld [smem:$0x3FFE];
	[sflag:s23] =	ssyncadd.s32 $0xFFFFFFFF  }
0xa5: {  	s26 =	simm.s32 $execute0_lowered;
	[smem:$0x3FD2] =	sst s25  }
0xa6: {  	s5 =	sshll.u32 s26, $0x1;
	_ =	strace $0x80000049;
	[dreg:$0x1] =	wrdreg $0xFFFFFFFF  }
0xa7: {  	s28 =	simm.s32 $_size_execute0_lowered;
	s3 =	sadd.s32 s3, s5;
	[dreg:$0x0] =	wrdreg $0x0  }
0xa8: {  	s5 =	sshll.u32 s28, $0x1;
	[dreg:$0x2] =	wrdreg s3  }
0xa9: {  	[dreg:$0x3] =	wrdreg s5  }
0xaa: {  	[dreg:$0x4] =	wrdreg $0xC0  }
0xab: {  	_ =	task [dreg:s7], $0x5FFFF  }
0xac: {  	[dreg:$0x1] =	wrdreg $0xFFFFFFFF  }
0xad: {  	[dreg:$0x0] =	wrdreg $0x60  }
0xae: {  	[dreg:$0x2] =	wrdreg s24  }
0xaf: {  	[dreg:$0x3] =	wrdreg s2  }
0xb0: {  	[dreg:$0x4] =	wrdreg $0xA8000  }
0xb1: {  	[dreg:$0x5] =	wrdreg $0x9  }
0xb2: {  	_ =	task.clear_ibuf [dreg:s7], $0x6FFFF;
	_ =	strace $0x90000049  }
0xb3: {  	s29 =	simm.s32 $0x9;
	_ =	strace $0x8000004B  }
0xb4: {  	_ =	swait.ge [sflag:s29], $0x1  }
0xb5: {  	[sflag:s29] =	ssyncadd.s32 $0xFFFFFFFF  }
0xb6: {  	_ =	strace $0x9000004B  }
0xb7: {  	_ =	sfence  }
0xb8: {  	s30 =	sld [smem:$0x0];
	_ =	sdelay $0x2  }
0xb9: {  	s31 =	sshll.u32 s1, $0xD;
	s1 =	sshrl.u32 s1, $0x2  }
0xba: {  	s3 =	sand.u32 $0x4000, s31;
	s1 =	sadd.s32 s1, s30  }
0xbb: {  	s0 =	sor.u32 s3, s0;
	s1 =	sshll.u32 s1, $0x11  }
0xbc: {  	s0 =	sor.u32 s1, s0  }
0xbd: {  	s0 =	sadd.s32 $0x8F2B, s0  }
0xbe: {  	[sflag:s0] =	ssyncadd.remote.s32 $0x1  }
0xbf: {  	_ =	sfence.sel $0xFFFF  }
0xc0: {  	[dreg:$0x0] =	wrdreg $0xFFFFFFFF;
	(pc) =	sbr.abs _section_cstart, $3  }
0xc1: {  	[dreg:$0x1] =	wrdreg $0xFFFFFFFF  }
0xc2: {  	_ =	task.clear_ibuf [dreg:s7], $0x2FFFF;
	_ =	strace $0x9FFFFFFF  }
0xc3: {  	(tm) =	ssettm $0x7FFFFFFF  }
tec
execute0_lowered:
.L_overlay_start_1:
0x0: {  	(tag) =	ssettag $0x1  }
0x1: {  	s5 =	rddreg [dreg:$0x0]  }
0x2: {  	s15 =	rddreg [dreg:$0x1]  }
0x3: {  	s0 =	srdreg.scid;
	s2 =	rddreg [dreg:$0x2]  }
0x4: {  	s1 =	stileid.u32;
	s3 =	simm.s32 $0x0;
	s17 =	simm.s32 $0x5  }
0x5: {  	s18 =	simm.s32 $0x1400;
	s19 =	simm.s32 $0x80;
	s20 =	simm.s32 $0x6800  }
0x6: {  	s21 =	simm.s32 $0x1;
	s22 =	simm.s32 $0x2;
	s23 =	simm.s32 $0x3  }
0x7: {  	s24 =	simm.s32 $0x4;
	s25 =	simm.s32 $0x2700;
	s26 =	simm.s32 $0x2780  }
0x8: {  	s6 =	sand.u32 $0x1, s0;
	s0 =	rddreg [dreg:$0x3];
	s7 =	smul.u32 $0x14000, s1  }
0x9: {  	[smem:$0x7FF] =	sst s3;
	s14 =	sadd.s32 $0x2400, s5;
	s9 =	smul.u32 $0x50000, s1  }
0xa: {  	s4 =	smul.u32 $0x140000, s6;
	s8 =	ssub.s32 $0x2, s6;
	s6 =	sshll.u32 s6, $0x4  }
0xb: {  	_ =	strace $0x8000004A;
	s30 =	sshrl.u32 s8, $0x1;
	s6 =	sor.u32 s1, s6  }
0xc: {  	s31 =	sshrl.u32 s9, $0x2;
	s7 =	sadd.s32 s7, s4;
	s10 =	smul.u32 $0x2800, s6  }
0xd: {  	s4 =	sadd.s32 $0xC400, s5;
	s8 =	ssub.s32 s8, s30;
	s7 =	sshrl.u32 s7, $0x3  }
0xe: {  	s7 =	sadd.s32 s7, s5;
	s5 =	sadd.s32 s31, s2;
	s13 =	sshrl.u32 s10, $0x3  }
0xf: {  	s6 =	sadd.s32 $0x34400, s7;
	s7 =	smax.u32 s8, $0x1;
	s8 =	sadd.s32 $0x4000, s5  }
0x10: {  	s9 =	sadd.s32 $0x8000, s5;
	s10 =	sadd.s32 $0xC000, s5;
	s11 =	sadd.s32 $0x10000, s5  }
0x11: {  	s16 =	sadd.s32 $0x280, s13;
	s12 =	sadd.s32 s14, s13;
	s13 =	sadd.s32 s15, s13  }
0x12: {  	v0 =	vimm.f32 $0.0e+00;
	s14 =	sadd.s32 s14, s16;
	s15 =	sadd.s32 s15, s16;
	s16 =	simm.s32 $0x2800  }
.LBB2_1:
0x13: {  	s28 =	simm.s32 $0x0;
	s29 =	simm.s32 $0x200  }
.LBB2_2:
0x14: {  	p0 =	sne.s32 s29, $0xFE00;
	[tilespmem:s28+$0x2870] =	vst v0  }
0x15: {  	[tilespmem:s28+$0x2800] =	vst v0  }
0x16: {  	[tilespmem:s28+$0x2810] =	vst v0  }
.Ltmp0:
0x17: {  	[tilespmem:s28+$0x2820] =	vst v0;
	(pc) =	sbr.rel @p0 .LBB2_2-.Ltmp0, $4  }
0x18: {  	[tilespmem:s28+$0x2830] =	vst v0  }
0x19: {  	[tilespmem:s28+$0x2840] =	vst v0  }
0x1a: {  	[tilespmem:s28+$0x2850] =	vst v0  }
0x1b: {  	[tilespmem:s28+$0x2860] =	vst v0;
	s28 =	sshra.s32 s29, $0x2;
	s29 =	sadd.s32 $0x200, s29  }
0x1c: {  	[tilespmem:s28+$0x2870] =	vst v0  }
0x1d: {  	[tilespmem:s28+$0x2800] =	vst v0  }
0x1e: {  	[tilespmem:s28+$0x2810] =	vst v0  }
0x1f: {  	[tilespmem:s28+$0x2820] =	vst v0  }
0x20: {  	[tilespmem:s28+$0x2830] =	vst v0  }
0x21: {  	[tilespmem:s28+$0x2840] =	vst v0  }
0x22: {  	[tilespmem:s28+$0x2850] =	vst v0  }
0x23: {  	[tilespmem:s28+$0x2860] =	vst v0  }
0x24: {  	[spmem:s5] =	stream.linear.scatter [tilespmem:s16], [sflag:$0x5], $0x4000, $0x38;
	[tilespmem:$0x1E800] =	vst v63  }
0x25: {  	_ =	swait.ge [sflag:s17], $0x4000  }
0x26: {  	[sflag:s17] =	ssyncset.done $0x0  }
0x27: {  	[sflag:s17] =	ssyncadd.s32 $0xFFFFC000  }
0x28: {  	[spmem:s8] =	stream.linear.scatter [tilespmem:s16], [sflag:$0x5], $0x4000, $0x38;
	[tilespmem:$0x1E800] =	vst v63  }
0x29: {  	_ =	swait.ge [sflag:s17], $0x4000  }
0x2a: {  	[sflag:s17] =	ssyncset.done $0x0  }
0x2b: {  	[sflag:s17] =	ssyncadd.s32 $0xFFFFC000  }
0x2c: {  	[spmem:s9] =	stream.linear.scatter [tilespmem:s16], [sflag:$0x5], $0x4000, $0x38;
	[tilespmem:$0x1E800] =	vst v63  }
0x2d: {  	_ =	swait.ge [sflag:s17], $0x4000  }
0x2e: {  	[sflag:s17] =	ssyncset.done $0x0  }
0x2f: {  	[sflag:s17] =	ssyncadd.s32 $0xFFFFC000  }
0x30: {  	[spmem:s10] =	stream.linear.scatter [tilespmem:s16], [sflag:$0x5], $0x4000, $0x38;
	[tilespmem:$0x1E800] =	vst v63  }
0x31: {  	_ =	swait.ge [sflag:s17], $0x4000  }
0x32: {  	[sflag:s17] =	ssyncset.done $0x0  }
0x33: {  	[sflag:s17] =	ssyncadd.s32 $0xFFFFC000  }
0x34: {  	[spmem:s11] =	stream.linear.scatter [tilespmem:s16], [sflag:$0x5], $0x4000, $0x38;
	[tilespmem:$0x1E800] =	vst v63  }
0x35: {  	_ =	swait.ge [sflag:s17], $0x4000  }
0x36: {  	[sflag:s17] =	ssyncset.done $0x0  }
0x37: {  	[sflag:s17] =	ssyncadd.s32 $0xFFFFC000  }
0x38: {  	s28 =	simm.s32 $0x0;
	[bflag:$0x0] =	sbarrier.arrive $0xFFFF  }
0x39: {  	[tilespmem:s28], [sflag:$0x5] =	stream.linear.gather [hbm4b:s12+s28], $0x1400, $0x38;
	[tilespmem:$0x1E800] =	vst v63  }
0x3a: {  	_ =	swait.ge [sflag:s17], $0x1400  }
0x3b: {  	[sflag:s17] =	ssyncset.done $0x0  }
0x3c: {  	[sflag:s17] =	ssyncadd.s32 $0xFFFFEC00  }
0x3d: {  	[tilespmem:s18], [sflag:$0x5] =	stream.linear.gather [hbm4b:s13+s28], $0x1400, $0x38;
	[tilespmem:$0x1E800] =	vst v63  }
0x3e: {  	_ =	swait.ge [sflag:s17], $0x1400  }
0x3f: {  	[sflag:s17] =	ssyncset.done $0x0  }
0x40: {  	[sflag:s17] =	ssyncadd.s32 $0xFFFFEC00  }
0x41: {  	[tilespmem:s16], [sflag:$0x1] =	stream.indirect.gather [hbm4b:s4+s19], $0x80, s28, s19, $0xb8;
	[tilespmem:$0x1E800] =	vst v63  }
0x42: {  	_ = 	snop  }
0x43: {  	[tilespmem:s20], [sflag:$0x2] =	stream.indirect.gather [hbm4b:s4+s19], $0x80, s19, s19, $0xb8;
	[tilespmem:$0x1E800] =	vst v63  }
0x44: {  	_ =	swait.ge [sflag:s21], $0x4000  }
0x45: {  	[sflag:s21] =	ssyncset.done $0x0  }
0x46: {  	s28 =	simm.s32 $0x1400;
	[sflag:s21] =	ssyncadd.s32 $0xFFFFC000  }
0x47: {  	[spmem:s2] =	stream.indirect.scatter.add.f32 [tilespmem:s16], [sflag:$0x3], $0x80, s28, s19, $0xb8;
	[tilespmem:$0x1E800] =	vst v63  }
0x48: {  	_ =	swait.ge [sflag:s22], $0x4000  }
0x49: {  	[sflag:s22] =	ssyncset.done $0x0  }
0x4a: {  	s28 =	simm.s32 $0x1480;
	[sflag:s22] =	ssyncadd.s32 $0xFFFFC000  }
0x4b: {  	[spmem:s2] =	stream.indirect.scatter.add.f32 [tilespmem:s20], [sflag:$0x4], $0x80, s28, s19, $0xb8;
	[tilespmem:$0x1E800] =	vst v63  }
0x4c: {  	_ =	swait.ge [sflag:s23], $0x4000  }
0x4d: {  	[sflag:s23] =	ssyncset.done $0x0  }
0x4e: {  	s28 =	simm.s32 $0x100;
	[sflag:s23] =	ssyncadd.s32 $0xFFFFC000  }
0x4f: {  	[tilespmem:s16], [sflag:$0x1] =	stream.indirect.gather [hbm4b:s4+s19], $0x80, s28, s19, $0xb8;
	[tilespmem:$0x1E800] =	vst v63  }
0x50: {  	_ =	swait.ge [sflag:s24], $0x4000  }
0x51: {  	[sflag:s24] =	ssyncset.done $0x0  }
0x52: {  	s29 =	simm.s32 $0x180;
	s28 =	simm.s32 $0x400;
	[sflag:s24] =	ssyncadd.s32 $0xFFFFC000  }
.LBB2_4:
0x53: {  	[tilespmem:s20], [sflag:$0x2] =	stream.indirect.gather [hbm4b:s4+s19], $0x80, s29, s19, $0xb8;
	[tilespmem:$0x1E800] =	vst v63  }
0x54: {  	s29 =	smov.u32 s28  }
0x55: {  	p0 =	sne.s32 s28, $0x4800;
	s28 =	sadd.s32 $0x400, s28;
	_ =	swait.ge [sflag:s21], $0x4000  }
0x56: {  	s29 =	sshra.s32 s29, $0x2;
	[sflag:s21] =	ssyncset.done $0x0  }
0x57: {  	s30 =	sadd.s32 $0x1400, s29;
	[sflag:s21] =	ssyncadd.s32 $0xFFFFC000  }
0x58: {  	[spmem:s2] =	stream.indirect.scatter.add.f32 [tilespmem:s16], [sflag:$0x3], $0x80, s30, s19, $0xb8;
	[tilespmem:$0x1E800] =	vst v63  }
0x59: {  	_ =	swait.ge [sflag:s22], $0x4000  }
0x5a: {  	[sflag:s22] =	ssyncset.done $0x0  }
0x5b: {  	s30 =	sadd.s32 $0x1480, s29;
	[sflag:s22] =	ssyncadd.s32 $0xFFFFC000  }
0x5c: {  	[spmem:s2] =	stream.indirect.scatter.add.f32 [tilespmem:s20], [sflag:$0x4], $0x80, s30, s19, $0xb8;
	[tilespmem:$0x1E800] =	vst v63  }
0x5d: {  	_ =	swait.ge [sflag:s23], $0x4000  }
0x5e: {  	[sflag:s23] =	ssyncset.done $0x0  }
.Ltmp1:
0x5f: {  	s30 =	sadd.s32 $0x100, s29;
	[sflag:s23] =	ssyncadd.s32 $0xFFFFC000;
	(pc) =	sbr.rel @p0 .LBB2_4-.Ltmp1, $4  }
0x60: {  	[tilespmem:s16], [sflag:$0x1] =	stream.indirect.gather [hbm4b:s4+s19], $0x80, s30, s19, $0xb8;
	[tilespmem:$0x1E800] =	vst v63  }
0x61: {  	_ =	swait.ge [sflag:s24], $0x4000  }
0x62: {  	[sflag:s24] =	ssyncset.done $0x0  }
0x63: {  	s29 =	sadd.s32 $0x180, s29;
	[sflag:s24] =	ssyncadd.s32 $0xFFFFC000  }
0x64: {  	[tilespmem:s20], [sflag:$0x2] =	stream.indirect.gather [hbm4b:s4+s19], $0x80, s29, s19, $0xb8;
	[tilespmem:$0x1E800] =	vst v63  }
0x65: {  	_ =	swait.ge [sflag:s21], $0x4000  }
0x66: {  	[sflag:s21] =	ssyncset.done $0x0  }
0x67: {  	[sflag:s21] =	ssyncadd.s32 $0xFFFFC000  }
0x68: {  	[spmem:s2] =	stream.indirect.scatter.add.f32 [tilespmem:s16], [sflag:$0x5], $0x80, s25, s19, $0xb8;
	[tilespmem:$0x1E800] =	vst v63  }
0x69: {  	_ =	swait.ge [sflag:s17], $0x4000  }
0x6a: {  	[sflag:s17] =	ssyncset.done $0x0  }
0x6b: {  	[sflag:s17] =	ssyncadd.s32 $0xFFFFC000  }
0x6c: {  	_ =	swait.ge [sflag:s22], $0x4000  }
0x6d: {  	[sflag:s22] =	ssyncset.done $0x0  }
0x6e: {  	[sflag:s22] =	ssyncadd.s32 $0xFFFFC000  }
0x6f: {  	[spmem:s2] =	stream.indirect.scatter.add.f32 [tilespmem:s20], [sflag:$0x5], $0x80, s26, s19, $0xb8;
	[tilespmem:$0x1E800] =	vst v63  }
0x70: {  	_ =	swait.ge [sflag:s17], $0x4000  }
0x71: {  	[sflag:s17] =	ssyncset.done $0x0  }
0x72: {  	s28 =	simm.s32 $0x0;
	[sflag:s17] =	ssyncadd.s32 $0xFFFFC000  }
0x73: {  	[tilespmem:s28], [sflag:$0x5] =	stream.linear.gather [hbm4b:s14+s28], $0x1400, $0x38;
	[tilespmem:$0x1E800] =	vst v63  }
0x74: {  	_ =	swait.ge [sflag:s17], $0x1400  }
0x75: {  	[sflag:s17] =	ssyncset.done $0x0  }
0x76: {  	[sflag:s17] =	ssyncadd.s32 $0xFFFFEC00  }
0x77: {  	[tilespmem:s18], [sflag:$0x5] =	stream.linear.gather [hbm4b:s15+s28], $0x1400, $0x38;
	[tilespmem:$0x1E800] =	vst v63  }
0x78: {  	_ =	swait.ge [sflag:s17], $0x1400  }
0x79: {  	[sflag:s17] =	ssyncset.done $0x0  }
0x7a: {  	[sflag:s17] =	ssyncadd.s32 $0xFFFFEC00  }
0x7b: {  	[tilespmem:s16], [sflag:$0x1] =	stream.indirect.gather [hbm4b:s4+s19], $0x80, s28, s19, $0xb8;
	[tilespmem:$0x1E800] =	vst v63  }
0x7c: {  	_ = 	snop  }
0x7d: {  	[tilespmem:s20], [sflag:$0x2] =	stream.indirect.gather [hbm4b:s4+s19], $0x80, s19, s19, $0xb8;
	[tilespmem:$0x1E800] =	vst v63  }
0x7e: {  	_ =	swait.ge [sflag:s21], $0x4000  }
0x7f: {  	[sflag:s21] =	ssyncset.done $0x0  }
0x80: {  	s28 =	simm.s32 $0x1400;
	[sflag:s21] =	ssyncadd.s32 $0xFFFFC000  }
0x81: {  	[spmem:s2] =	stream.indirect.scatter.add.f32 [tilespmem:s16], [sflag:$0x3], $0x80, s28, s19, $0xb8;
	[tilespmem:$0x1E800] =	vst v63  }
0x82: {  	_ =	swait.ge [sflag:s22], $0x4000  }
0x83: {  	[sflag:s22] =	ssyncset.done $0x0  }
0x84: {  	s28 =	simm.s32 $0x1480;
	[sflag:s22] =	ssyncadd.s32 $0xFFFFC000  }
0x85: {  	[spmem:s2] =	stream.indirect.scatter.add.f32 [tilespmem:s20], [sflag:$0x4], $0x80, s28, s19, $0xb8;
	[tilespmem:$0x1E800] =	vst v63  }
0x86: {  	_ =	swait.ge [sflag:s23], $0x4000  }
0x87: {  	[sflag:s23] =	ssyncset.done $0x0  }
0x88: {  	s28 =	simm.s32 $0x100;
	[sflag:s23] =	ssyncadd.s32 $0xFFFFC000  }
0x89: {  	[tilespmem:s16], [sflag:$0x1] =	stream.indirect.gather [hbm4b:s4+s19], $0x80, s28, s19, $0xb8;
	[tilespmem:$0x1E800] =	vst v63  }
0x8a: {  	_ =	swait.ge [sflag:s24], $0x4000  }
0x8b: {  	[sflag:s24] =	ssyncset.done $0x0  }
0x8c: {  	s29 =	simm.s32 $0x180;
	s28 =	simm.s32 $0x400;
	[sflag:s24] =	ssyncadd.s32 $0xFFFFC000  }
.LBB2_6:
0x8d: {  	[tilespmem:s20], [sflag:$0x2] =	stream.indirect.gather [hbm4b:s4+s19], $0x80, s29, s19, $0xb8;
	[tilespmem:$0x1E800] =	vst v63  }
0x8e: {  	s29 =	smov.u32 s28  }
0x8f: {  	p0 =	sne.s32 s28, $0x4800;
	s28 =	sadd.s32 $0x400, s28;
	_ =	swait.ge [sflag:s21], $0x4000  }
0x90: {  	s29 =	sshra.s32 s29, $0x2;
	[sflag:s21] =	ssyncset.done $0x0  }
0x91: {  	s30 =	sadd.s32 $0x1400, s29;
	[sflag:s21] =	ssyncadd.s32 $0xFFFFC000  }
0x92: {  	[spmem:s2] =	stream.indirect.scatter.add.f32 [tilespmem:s16], [sflag:$0x3], $0x80, s30, s19, $0xb8;
	[tilespmem:$0x1E800] =	vst v63  }
0x93: {  	_ =	swait.ge [sflag:s22], $0x4000  }
0x94: {  	[sflag:s22] =	ssyncset.done $0x0  }
0x95: {  	s30 =	sadd.s32 $0x1480, s29;
	[sflag:s22] =	ssyncadd.s32 $0xFFFFC000  }
0x96: {  	[spmem:s2] =	stream.indirect.scatter.add.f32 [tilespmem:s20], [sflag:$0x4], $0x80, s30, s19, $0xb8;
	[tilespmem:$0x1E800] =	vst v63  }
0x97: {  	_ =	swait.ge [sflag:s23], $0x4000  }
0x98: {  	[sflag:s23] =	ssyncset.done $0x0  }
.Ltmp2:
0x99: {  	s30 =	sadd.s32 $0x100, s29;
	[sflag:s23] =	ssyncadd.s32 $0xFFFFC000;
	(pc) =	sbr.rel @p0 .LBB2_6-.Ltmp2, $4  }
0x9a: {  	[tilespmem:s16], [sflag:$0x1] =	stream.indirect.gather [hbm4b:s4+s19], $0x80, s30, s19, $0xb8;
	[tilespmem:$0x1E800] =	vst v63  }
0x9b: {  	_ =	swait.ge [sflag:s24], $0x4000  }
0x9c: {  	[sflag:s24] =	ssyncset.done $0x0  }
0x9d: {  	s29 =	sadd.s32 $0x180, s29;
	[sflag:s24] =	ssyncadd.s32 $0xFFFFC000  }
0x9e: {  	[tilespmem:s20], [sflag:$0x2] =	stream.indirect.gather [hbm4b:s4+s19], $0x80, s29, s19, $0xb8;
	[tilespmem:$0x1E800] =	vst v63  }
0x9f: {  	_ =	swait.ge [sflag:s21], $0x4000  }
0xa0: {  	[sflag:s21] =	ssyncset.done $0x0  }
0xa1: {  	[sflag:s21] =	ssyncadd.s32 $0xFFFFC000  }
0xa2: {  	[spmem:s2] =	stream.indirect.scatter.add.f32 [tilespmem:s16], [sflag:$0x5], $0x80, s25, s19, $0xb8;
	[tilespmem:$0x1E800] =	vst v63  }
0xa3: {  	_ =	swait.ge [sflag:s17], $0x4000  }
0xa4: {  	[sflag:s17] =	ssyncset.done $0x0  }
0xa5: {  	[sflag:s17] =	ssyncadd.s32 $0xFFFFC000  }
0xa6: {  	_ =	swait.ge [sflag:s22], $0x4000  }
0xa7: {  	[sflag:s22] =	ssyncset.done $0x0  }
0xa8: {  	[sflag:s22] =	ssyncadd.s32 $0xFFFFC000  }
0xa9: {  	[spmem:s2] =	stream.indirect.scatter.add.f32 [tilespmem:s20], [sflag:$0x5], $0x80, s26, s19, $0xb8;
	[tilespmem:$0x1E800] =	vst v63  }
0xaa: {  	_ =	swait.ge [sflag:s17], $0x4000  }
0xab: {  	s28 =	sshll.u32 s1, $0x6;
	s3 =	sadd.s32 $0x1, s3;
	[sflag:s17] =	ssyncset.done $0x0  }
0xac: {  	s31 =	sshrl.u32 s5, $0x3;
	p0 =	sne.s32 s3, s7;
	[sflag:s17] =	ssyncadd.s32 $0xFFFFC000  }
.Ltmp3:
0xad: {  	s28 =	sor.u32 $0x1C05, s28;
	[bflag:$0x0] =	sbarrier.arrive $0xFFFF;
	(pc) =	sbr.rel @p0 .LBB2_1-.Ltmp3, $4  }
0xae: {  	[hbm:s6], [sflag:s28] =	dma.local [spmem:s31], $0x2800  }
0xaf: {  	_ =	swait.ge [sflag:s17], $0x2800  }
0xb0: {  	[sflag:s17] =	ssyncset.done $0x0  }
0xb1: {  	[sflag:s17] =	ssyncadd.s32 $0xFFFFD800  }
0xb2: {  	_ =	sfence.sel $0x180000  }
0xb3: {  	[bflag:$0x0] =	sbarrier.arrive $0xFFFF  }
0xb4: {  	p0 =	sne.s32 s1, $0x0;
	_ =	strace $0x9000004A  }
0xb5: {  	s0 =	sadd.s32 @!p0 $0x100000, s0;
	[bflag:$0x2] =	sbarrier.arrive $0xFFFF  }
0xb6: {  	[sflag:s0] =	ssyncadd.tile.s32 @!p0 $0x1;
	_ =	shalt  }
.Lfunc_end2:
_tile_overlayer_lowered:
.L_overlay_start_2:
0xb7: {  	(tag) =	ssettag $0x2  }
0xb8: {  	s0 =	rddreg [dreg:$0x0];
	s2 =	stileid.u32  }
0xb9: {  	s1 =	rddreg [dreg:$0x1];
	p0 =	sne.s32 s2, $0x0  }
0xba: {  	s3 =	rddreg [dreg:$0x2];
	[bflag:$0x3] =	sbarrier.arrive $0xFFFF;
	s2 =	simm.s32 @!p0 $0x1C05  }
0xbb: {  	[timem:s3], [sflag:s2] =	dma.local @!p0 [hbm:s0], s1  }
0xbc: {  	s0 =	simm.s32 @!p0 $0x5  }
0xbd: {  	_ =	swait.ge @!p0 [sflag:s0], s1  }
0xbe: {  	s1 =	ssub.s32 @!p0 $0x0, s1;
	[sflag:s0] =	ssyncset.done @!p0 $0x0  }
0xbf: {  	[sflag:s0] =	ssyncadd.s32 @!p0 s1  }
0xc0: {  	[bflag:$0x3] =	sbarrier.arrive $0xFFFF  }
0xc1: {  	_ =	shalt  }

// kernel: kernel.14.cloned.1.call-start
scs
__scs_entry_jumppad:
0x0: {  	(pc) =	sbr.rel $0x88, $3  }
0x1: {  	(tag) =	ssettag $0x0;
	lr =	simm.s32 $0x1  }
0x2: {  	[smem:$0x3F9D] =	sst lr;
	_ =	strace $0xD0000000  }
0x3: {  	_ = 	snop  }
0x4: {  	_ = 	snop  }
0x5: {  	_ = 	snop  }
0x6: {  	_ = 	snop  }
0x7: {  	_ = 	snop  }
__scs_overlays_trampoline_lowered:
0x8: {  	[smem:$0x3FAC] =	sst s0  }
0x9: {  	[smem:$0x3FAD] =	sst s1  }
0xa: {  	[smem:$0x3FAE] =	sst s2  }
0xb: {  	[smem:$0x3FAF] =	sst s3  }
0xc: {  	[smem:$0x3FB0] =	sst s4  }
0xd: {  	[smem:$0x3FB1] =	sst s5  }
0xe: {  	[smem:$0x3FB2] =	sst s6  }
0xf: {  	[smem:$0x3FB3] =	sst s7  }
0x10: {  	[smem:$0x3FB4] =	sst s8  }
0x11: {  	[smem:$0x3FB5] =	sst s9;
	s0 =	simm.s32 @!p0 $0x0  }
0x12: {  	s1 =	sld [smem:$0x3F9B];
	s0 =	simm.s32 @p0 $0x1  }
0x13: {  	[smem:$0x3FB6] =	sst s0;
	s0 =	simm.s32 @!p1 $0x0  }
0x14: {  	s2 =	sld [smem:$0x3F9A];
	s0 =	simm.s32 @p1 $0x1  }
0x15: {  	[smem:$0x3FB7] =	sst s0;
	s0 =	simm.s32 @!p2 $0x0  }
0x16: {  	s3 =	sld [smem:$0x3FDB];
	s0 =	simm.s32 @p2 $0x1  }
0x17: {  	s4 =	simm.s32 $0x1BF5;
	[smem:$0x3FB9] =	sst s0  }
0x18: {  	s0 =	sld [smem:$0x3F9C];
	_ =	swait.ge [sflag:s4], $0x0  }
0x19: {  	s7 =	sld [smem:$0x3F9D]  }
0x1a: {  	s8 =	sadd.s32 $0xFFFFE003, lr  }
0x1b: {  	s9 =	sadd.s32 $0xFFFFFEF7, lr;
	s5 =	simm.s32 $0xFFFFFFFF;
	p2 =	slt.u32 s8, $0xFFFFF086  }
0x1c: {  	p1 =	slt.u32 s9, $0xF7A;
	s5 =	simm.s32 @!p2 $0x0  }
0x1d: {  	s5 =	simm.s32 @p1 $0x1;
	p0 =	seq.s32 s7, s2  }
0x1e: {  	s7 =	smul.u32 @!p0 $0xF7A, s2;
	p2 =	seq.s32 @!p0 s5, $0x0  }
0x1f: {  	s9 =	smul.u32 $0xF7A, s1;
	s8 =	simm.s32 @!p0 $0x1BF5;
	p2 =	por !p2, p0  }
0x20: {  	[sflag:s8] =	ssyncset.s32 @!p0 $0xFFFFF086;
	s6 =	sadd.s32 @!p0 s3, s7;
	s7 =	simm.s32 @!p0 $0x108  }
0x21: {  	s3 =	sadd.s32 s3, s9;
	s6 =	sadd.s32 @!p0 $0x88, s6;
	s7 =	simm.s32 @p2 $0x1082  }
0x22: {  	[simem:s7], [sflag:s8] =	dma.local @!p0 [hbm:s6], $0xF7A  }
0x23: {  	s9 =	sor.u32 $0xD0000000, s2;
	s6 =	simm.s32 $0x108;
	_ =	swait.ge @!p0 [sflag:s8], $0x0  }
0x24: {  	s3 =	sadd.s32 $0x88, s3;
	s6 =	simm.s32 @!p1 $0x1082;
	[sflag:s4] =	ssyncset.s32 $0xFFFFF086  }
0x25: {  	[simem:s6], [sflag:s4] =	dma.local [hbm:s3], $0xF7A  }
0x26: {  	[smem:$0x3F9D] =	sst s1;
	(tag) =	ssettag s2;
	_ =	strace s9  }
0x27: {  	s1 =	sld [smem:$0x3FAD]  }
0x28: {  	s2 =	sld [smem:$0x3FAE]  }
0x29: {  	s4 =	sld [smem:$0x3FB0]  }
0x2a: {  	p0 =	seq.s32 s5, $0x0;
	s5 =	sld [smem:$0x3FB1]  }
0x2b: {  	s6 =	sld [smem:$0x3FB2]  }
0x2c: {  	s7 =	sld [smem:$0x3FB3]  }
0x2d: {  	s3 =	simm.s32 $0x108;
	s8 =	sld [smem:$0x3FB4]  }
0x2e: {  	s3 =	simm.s32 @!p0 $0x1082;
	s9 =	sld [smem:$0x3FB5]  }
0x2f: {  	lr =	sadd.s32 s0, s3;
	s0 =	sld [smem:$0x3FAC]  }
0x30: {  	s3 =	sld [smem:$0x3FAF]  }
0x31: {  	[smem:$0x3FB8] =	sst s10  }
0x32: {  	s10 =	sld [smem:$0x3FB6];
	_ =	sdelay $0x3  }
0x33: {  	p0 =	seq.s32 s10, $0x1;
	s10 =	sld [smem:$0x3FB8];
	_ =	sdelay $0x3  }
0x34: {  	[smem:$0x3FB8] =	sst s10  }
0x35: {  	s10 =	sld [smem:$0x3FB7];
	_ =	sdelay $0x3  }
0x36: {  	p1 =	seq.s32 s10, $0x1;
	s10 =	sld [smem:$0x3FB8];
	_ =	sdelay $0x3  }
0x37: {  	[smem:$0x3FB8] =	sst s10  }
0x38: {  	s10 =	sld [smem:$0x3FB9]  }
0x39: {  	_ = 	snop;
	(pc) =	sbr.ind lr, $3  }
0x3a: {  	_ = 	snop  }
0x3b: {  	_ = 	snop  }
0x3c: {  	p2 =	seq.s32 s10, $0x1;
	s10 =	sld [smem:$0x3FB8]  }
0x3d: {  	_ =	shalt  }
0x3e: {  	_ =	shalt  }
0x3f: {  	_ =	shalt  }
0x40: {  	_ =	shalt  }
0x41: {  	_ =	shalt  }
0x42: {  	_ =	shalt  }
0x43: {  	_ =	shalt  }
0x44: {  	_ =	shalt  }
0x45: {  	_ =	shalt  }
0x46: {  	_ =	shalt  }
0x47: {  	_ =	shalt  }
0x48: {  	_ =	shalt  }
0x49: {  	_ =	shalt  }
0x4a: {  	_ =	shalt  }
0x4b: {  	_ =	shalt  }
0x4c: {  	_ =	shalt  }
0x4d: {  	_ =	shalt  }
0x4e: {  	_ =	shalt  }
0x4f: {  	_ =	shalt  }
0x50: {  	_ =	shalt  }
0x51: {  	_ =	shalt  }
0x52: {  	_ =	shalt  }
0x53: {  	_ =	shalt  }
0x54: {  	_ =	shalt  }
0x55: {  	_ =	shalt  }
0x56: {  	_ =	shalt  }
0x57: {  	_ =	shalt  }
0x58: {  	_ =	shalt  }
0x59: {  	_ =	shalt  }
0x5a: {  	_ =	shalt  }
0x5b: {  	_ =	shalt  }
0x5c: {  	_ =	shalt  }
0x5d: {  	_ =	shalt  }
0x5e: {  	_ =	shalt  }
0x5f: {  	_ =	shalt  }
0x60: {  	_ =	shalt  }
0x61: {  	_ =	shalt  }
0x62: {  	_ =	shalt  }
0x63: {  	_ =	shalt  }
0x64: {  	_ =	shalt  }
0x65: {  	_ =	shalt  }
0x66: {  	_ =	shalt  }
0x67: {  	_ =	shalt  }
0x68: {  	_ =	shalt  }
0x69: {  	_ =	shalt  }
0x6a: {  	_ =	shalt  }
0x6b: {  	_ =	shalt  }
0x6c: {  	_ =	shalt  }
0x6d: {  	_ =	shalt  }
0x6e: {  	_ =	shalt  }
0x6f: {  	_ =	shalt  }
0x70: {  	_ =	shalt  }
0x71: {  	_ =	shalt  }
0x72: {  	_ =	shalt  }
0x73: {  	_ =	shalt  }
0x74: {  	_ =	shalt  }
0x75: {  	_ =	shalt  }
0x76: {  	_ =	shalt  }
0x77: {  	_ =	shalt  }
0x78: {  	_ =	shalt  }
0x79: {  	_ =	shalt  }
0x7a: {  	_ =	shalt  }
0x7b: {  	_ =	shalt  }
0x7c: {  	_ =	shalt  }
0x7d: {  	_ =	shalt  }
0x7e: {  	_ =	shalt  }
0x7f: {  	_ =	shalt  }
0x80: {  	_ =	shalt  }
0x81: {  	_ =	shalt  }
0x82: {  	_ =	shalt  }
0x83: {  	_ =	shalt  }
0x84: {  	_ =	shalt  }
0x85: {  	_ =	shalt  }
0x86: {  	_ =	shalt  }
0x87: {  	_ =	shalt  }
.Lfunc_end0:
.L_simem_size_0:
called_computation.2_lowered:
.L_overlay_start_0:
0x88: {  	s2 =	sld [smem:$0x3FD9]  }
0x89: {  	s3 =	sld [smem:$0x3FFE];
	_ =	sdelay $0x1  }
0x8a: {  	s1 =	srdreg.scid  }
0x8b: {  	s0 =	sand.u32 $0x1, s1  }
0x8c: {  	s17 =	sshll.u32 s0, $0xA;
	s2 =	sadd.s32 s3, s2  }
0x8d: {  	s2 =	sadd.s32 s2, s17  }
0x8e: {  	[smem:$0x3FC4] =	sst s2  }
0x8f: {  	_ = 	snop  }
0x90: {  	s2 =	sld [smem:$0x3FD0];
	(tm) =	ssettm $0x1  }
0x91: {  	s18 =	sld [smem:$0x3FFB];
	_ =	sdelay $0x3  }
0x92: {  	_ =	strace s18  }
0x93: {  	s3 =	sld [smem:$0x3FFC];
	_ =	sdelay $0x3  }
0x94: {  	_ =	strace s3  }
0x95: {  	s3 =	sld [smem:$0x3FFD];
	_ =	sdelay $0x3  }
0x96: {  	_ =	strace s3  }
0x97: {  	_ =	strace $0x8FFFFFFF  }
0x98: {  	s19 =	sld [smem:$0x3FDB];
	_ =	sdelay $0x1  }
0x99: {  	s4 =	simm.s32 $_scs_section_size  }
0x9a: {  	s5 =	simm.s32 $_size__tile_overlayer_lowered;
	s6 =	simm.s32 $_tile_overlayer_lowered  }
0x9b: {  	s22 =	simm.s32 $0x1BFF;
	s21 =	sshll.u32 s6, $0x1;
	s3 =	sadd.s32 s4, s19  }
0x9c: {  	s7 =	simm.s32 $0x0;
	s20 =	sshll.u32 s5, $0x1;
	s5 =	sadd.s32 s21, s3  }
0x9d: {  	[timem:s7], [sflag:s22] =	dma.local [hbm:s5], s20  }
0x9e: {  	_ =	swait.ge [sflag:s22], s20  }
0x9f: {  	s4 =	ssub.s32 $0x0, s20;
	[sflag:s22] =	ssyncset.done $0x0  }
0xa0: {  	[sflag:s22] =	ssyncadd.s32 s4;
	_ =	sdelay $0x1  }
0xa1: {  	s23 =	simm.s32 $0x1B8B  }
0xa2: {  	_ =	swait.ge [sflag:s23], $0x1  }
0xa3: {  	[sflag:s23] =	ssyncset.done $0x0  }
0xa4: {  	s25 =	simm.s32 $0x1B8E;
	s24 =	sld [smem:$0x3FFE];
	[sflag:s23] =	ssyncadd.s32 $0xFFFFFFFF  }
0xa5: {  	s26 =	simm.s32 $execute0_lowered;
	[smem:$0x3FD2] =	sst s25  }
0xa6: {  	s5 =	sshll.u32 s26, $0x1;
	_ =	strace $0x8000004C;
	[dreg:$0x1] =	wrdreg $0xFFFFFFFF  }
0xa7: {  	s28 =	simm.s32 $_size_execute0_lowered;
	s3 =	sadd.s32 s3, s5;
	[dreg:$0x0] =	wrdreg $0x0  }
0xa8: {  	s5 =	sshll.u32 s28, $0x1;
	[dreg:$0x2] =	wrdreg s3  }
0xa9: {  	[dreg:$0x3] =	wrdreg s5  }
0xaa: {  	[dreg:$0x4] =	wrdreg $0xC0  }
0xab: {  	_ =	task [dreg:s7], $0x5FFFF  }
0xac: {  	[dreg:$0x1] =	wrdreg $0xFFFFFFFF  }
0xad: {  	[dreg:$0x0] =	wrdreg $0x60  }
0xae: {  	[dreg:$0x2] =	wrdreg s24  }
0xaf: {  	[dreg:$0x3] =	wrdreg s2  }
0xb0: {  	[dreg:$0x4] =	wrdreg $0xA8000  }
0xb1: {  	[dreg:$0x5] =	wrdreg $0x9  }
0xb2: {  	_ =	task.clear_ibuf [dreg:s7], $0x6FFFF;
	_ =	strace $0x9000004C  }
0xb3: {  	s29 =	simm.s32 $0x9;
	_ =	strace $0x8000004E  }
0xb4: {  	_ =	swait.ge [sflag:s29], $0x1  }
0xb5: {  	[sflag:s29] =	ssyncadd.s32 $0xFFFFFFFF  }
0xb6: {  	_ =	strace $0x9000004E  }
0xb7: {  	_ =	sfence  }
0xb8: {  	s30 =	sld [smem:$0x0];
	_ =	sdelay $0x2  }
0xb9: {  	s31 =	sshll.u32 s1, $0xD;
	s1 =	sshrl.u32 s1, $0x2  }
0xba: {  	s3 =	sand.u32 $0x4000, s31;
	s1 =	sadd.s32 s1, s30  }
0xbb: {  	s0 =	sor.u32 s3, s0;
	s1 =	sshll.u32 s1, $0x11  }
0xbc: {  	s0 =	sor.u32 s1, s0  }
0xbd: {  	s0 =	sadd.s32 $0x8F2B, s0  }
0xbe: {  	[sflag:s0] =	ssyncadd.remote.s32 $0x1  }
0xbf: {  	_ =	sfence.sel $0xFFFF  }
0xc0: {  	[dreg:$0x0] =	wrdreg $0xFFFFFFFF;
	(pc) =	sbr.abs _section_cstart, $3  }
0xc1: {  	[dreg:$0x1] =	wrdreg $0xFFFFFFFF  }
0xc2: {  	_ =	task.clear_ibuf [dreg:s7], $0x2FFFF;
	_ =	strace $0x9FFFFFFF  }
0xc3: {  	(tm) =	ssettm $0x7FFFFFFF  }
tec
execute0_lowered:
.L_overlay_start_1:
0x0: {  	(tag) =	ssettag $0x1  }
0x1: {  	s5 =	rddreg [dreg:$0x0]  }
0x2: {  	s15 =	rddreg [dreg:$0x1]  }
0x3: {  	s0 =	srdreg.scid;
	s2 =	rddreg [dreg:$0x2]  }
0x4: {  	s1 =	stileid.u32;
	s3 =	simm.s32 $0x0;
	s17 =	simm.s32 $0x5  }
0x5: {  	s18 =	simm.s32 $0x1400;
	s19 =	simm.s32 $0x80;
	s20 =	simm.s32 $0x6800  }
0x6: {  	s21 =	simm.s32 $0x1;
	s22 =	simm.s32 $0x2;
	s23 =	simm.s32 $0x3  }
0x7: {  	s24 =	simm.s32 $0x4;
	s25 =	simm.s32 $0x2700;
	s26 =	simm.s32 $0x2780  }
0x8: {  	s6 =	sand.u32 $0x1, s0;
	s0 =	rddreg [dreg:$0x3];
	s7 =	smul.u32 $0x14000, s1  }
0x9: {  	[smem:$0x7FF] =	sst s3;
	s14 =	sadd.s32 $0x2400, s5;
	s9 =	smul.u32 $0x50000, s1  }
0xa: {  	s4 =	smul.u32 $0x140000, s6;
	s8 =	ssub.s32 $0x2, s6;
	s6 =	sshll.u32 s6, $0x4  }
0xb: {  	_ =	strace $0x8000004D;
	s30 =	sshrl.u32 s8, $0x1;
	s6 =	sor.u32 s1, s6  }
0xc: {  	s31 =	sshrl.u32 s9, $0x2;
	s7 =	sadd.s32 s7, s4;
	s10 =	smul.u32 $0x2800, s6  }
0xd: {  	s4 =	sadd.s32 $0xC400, s5;
	s8 =	ssub.s32 s8, s30;
	s7 =	sshrl.u32 s7, $0x3  }
0xe: {  	s7 =	sadd.s32 s7, s5;
	s5 =	sadd.s32 s31, s2;
	s13 =	sshrl.u32 s10, $0x3  }
0xf: {  	s6 =	sadd.s32 $0x34400, s7;
	s7 =	smax.u32 s8, $0x1;
	s8 =	sadd.s32 $0x4000, s5  }
0x10: {  	s9 =	sadd.s32 $0x8000, s5;
	s10 =	sadd.s32 $0xC000, s5;
	s11 =	sadd.s32 $0x10000, s5  }
0x11: {  	s16 =	sadd.s32 $0x280, s13;
	s12 =	sadd.s32 s14, s13;
	s13 =	sadd.s32 s15, s13  }
0x12: {  	v0 =	vimm.f32 $0.0e+00;
	s14 =	sadd.s32 s14, s16;
	s15 =	sadd.s32 s15, s16;
	s16 =	simm.s32 $0x2800  }
.LBB2_1:
0x13: {  	s28 =	simm.s32 $0x0;
	s29 =	simm.s32 $0x200  }
.LBB2_2:
0x14: {  	p0 =	sne.s32 s29, $0xFE00;
	[tilespmem:s28+$0x2870] =	vst v0  }
0x15: {  	[tilespmem:s28+$0x2800] =	vst v0  }
0x16: {  	[tilespmem:s28+$0x2810] =	vst v0  }
.Ltmp0:
0x17: {  	[tilespmem:s28+$0x2820] =	vst v0;
	(pc) =	sbr.rel @p0 .LBB2_2-.Ltmp0, $4  }
0x18: {  	[tilespmem:s28+$0x2830] =	vst v0  }
0x19: {  	[tilespmem:s28+$0x2840] =	vst v0  }
0x1a: {  	[tilespmem:s28+$0x2850] =	vst v0  }
0x1b: {  	[tilespmem:s28+$0x2860] =	vst v0;
	s28 =	sshra.s32 s29, $0x2;
	s29 =	sadd.s32 $0x200, s29  }
0x1c: {  	[tilespmem:s28+$0x2870] =	vst v0  }
0x1d: {  	[tilespmem:s28+$0x2800] =	vst v0  }
0x1e: {  	[tilespmem:s28+$0x2810] =	vst v0  }
0x1f: {  	[tilespmem:s28+$0x2820] =	vst v0  }
0x20: {  	[tilespmem:s28+$0x2830] =	vst v0  }
0x21: {  	[tilespmem:s28+$0x2840] =	vst v0  }
0x22: {  	[tilespmem:s28+$0x2850] =	vst v0  }
0x23: {  	[tilespmem:s28+$0x2860] =	vst v0  }
0x24: {  	[spmem:s5] =	stream.linear.scatter [tilespmem:s16], [sflag:$0x5], $0x4000, $0x38;
	[tilespmem:$0x1E800] =	vst v63  }
0x25: {  	_ =	swait.ge [sflag:s17], $0x4000  }
0x26: {  	[sflag:s17] =	ssyncset.done $0x0  }
0x27: {  	[sflag:s17] =	ssyncadd.s32 $0xFFFFC000  }
0x28: {  	[spmem:s8] =	stream.linear.scatter [tilespmem:s16], [sflag:$0x5], $0x4000, $0x38;
	[tilespmem:$0x1E800] =	vst v63  }
0x29: {  	_ =	swait.ge [sflag:s17], $0x4000  }
0x2a: {  	[sflag:s17] =	ssyncset.done $0x0  }
0x2b: {  	[sflag:s17] =	ssyncadd.s32 $0xFFFFC000  }
0x2c: {  	[spmem:s9] =	stream.linear.scatter [tilespmem:s16], [sflag:$0x5], $0x4000, $0x38;
	[tilespmem:$0x1E800] =	vst v63  }
0x2d: {  	_ =	swait.ge [sflag:s17], $0x4000  }
0x2e: {  	[sflag:s17] =	ssyncset.done $0x0  }
0x2f: {  	[sflag:s17] =	ssyncadd.s32 $0xFFFFC000  }
0x30: {  	[spmem:s10] =	stream.linear.scatter [tilespmem:s16], [sflag:$0x5], $0x4000, $0x38;
	[tilespmem:$0x1E800] =	vst v63  }
0x31: {  	_ =	swait.ge [sflag:s17], $0x4000  }
0x32: {  	[sflag:s17] =	ssyncset.done $0x0  }
0x33: {  	[sflag:s17] =	ssyncadd.s32 $0xFFFFC000  }
0x34: {  	[spmem:s11] =	stream.linear.scatter [tilespmem:s16], [sflag:$0x5], $0x4000, $0x38;
	[tilespmem:$0x1E800] =	vst v63  }
0x35: {  	_ =	swait.ge [sflag:s17], $0x4000  }
0x36: {  	[sflag:s17] =	ssyncset.done $0x0  }
0x37: {  	[sflag:s17] =	ssyncadd.s32 $0xFFFFC000  }
0x38: {  	s28 =	simm.s32 $0x0;
	[bflag:$0x0] =	sbarrier.arrive $0xFFFF  }
0x39: {  	[tilespmem:s28], [sflag:$0x5] =	stream.linear.gather [hbm4b:s12+s28], $0x1400, $0x38;
	[tilespmem:$0x1E800] =	vst v63  }
0x3a: {  	_ =	swait.ge [sflag:s17], $0x1400  }
0x3b: {  	[sflag:s17] =	ssyncset.done $0x0  }
0x3c: {  	[sflag:s17] =	ssyncadd.s32 $0xFFFFEC00  }
0x3d: {  	[tilespmem:s18], [sflag:$0x5] =	stream.linear.gather [hbm4b:s13+s28], $0x1400, $0x38;
	[tilespmem:$0x1E800] =	vst v63  }
0x3e: {  	_ =	swait.ge [sflag:s17], $0x1400  }
0x3f: {  	[sflag:s17] =	ssyncset.done $0x0  }
0x40: {  	[sflag:s17] =	ssyncadd.s32 $0xFFFFEC00  }
0x41: {  	[tilespmem:s16], [sflag:$0x1] =	stream.indirect.gather [hbm4b:s4+s19], $0x80, s28, s19, $0xb8;
	[tilespmem:$0x1E800] =	vst v63  }
0x42: {  	_ = 	snop  }
0x43: {  	[tilespmem:s20], [sflag:$0x2] =	stream.indirect.gather [hbm4b:s4+s19], $0x80, s19, s19, $0xb8;
	[tilespmem:$0x1E800] =	vst v63  }
0x44: {  	_ =	swait.ge [sflag:s21], $0x4000  }
0x45: {  	[sflag:s21] =	ssyncset.done $0x0  }
0x46: {  	s28 =	simm.s32 $0x1400;
	[sflag:s21] =	ssyncadd.s32 $0xFFFFC000  }
0x47: {  	[spmem:s2] =	stream.indirect.scatter.add.f32 [tilespmem:s16], [sflag:$0x3], $0x80, s28, s19, $0xb8;
	[tilespmem:$0x1E800] =	vst v63  }
0x48: {  	_ =	swait.ge [sflag:s22], $0x4000  }
0x49: {  	[sflag:s22] =	ssyncset.done $0x0  }
0x4a: {  	s28 =	simm.s32 $0x1480;
	[sflag:s22] =	ssyncadd.s32 $0xFFFFC000  }
0x4b: {  	[spmem:s2] =	stream.indirect.scatter.add.f32 [tilespmem:s20], [sflag:$0x4], $0x80, s28, s19, $0xb8;
	[tilespmem:$0x1E800] =	vst v63  }
0x4c: {  	_ =	swait.ge [sflag:s23], $0x4000  }
0x4d: {  	[sflag:s23] =	ssyncset.done $0x0  }
0x4e: {  	s28 =	simm.s32 $0x100;
	[sflag:s23] =	ssyncadd.s32 $0xFFFFC000  }
0x4f: {  	[tilespmem:s16], [sflag:$0x1] =	stream.indirect.gather [hbm4b:s4+s19], $0x80, s28, s19, $0xb8;
	[tilespmem:$0x1E800] =	vst v63  }
0x50: {  	_ =	swait.ge [sflag:s24], $0x4000  }
0x51: {  	[sflag:s24] =	ssyncset.done $0x0  }
0x52: {  	s29 =	simm.s32 $0x180;
	s28 =	simm.s32 $0x400;
	[sflag:s24] =	ssyncadd.s32 $0xFFFFC000  }
.LBB2_4:
0x53: {  	[tilespmem:s20], [sflag:$0x2] =	stream.indirect.gather [hbm4b:s4+s19], $0x80, s29, s19, $0xb8;
	[tilespmem:$0x1E800] =	vst v63  }
0x54: {  	s29 =	smov.u32 s28  }
0x55: {  	p0 =	sne.s32 s28, $0x4800;
	s28 =	sadd.s32 $0x400, s28;
	_ =	swait.ge [sflag:s21], $0x4000  }
0x56: {  	s29 =	sshra.s32 s29, $0x2;
	[sflag:s21] =	ssyncset.done $0x0  }
0x57: {  	s30 =	sadd.s32 $0x1400, s29;
	[sflag:s21] =	ssyncadd.s32 $0xFFFFC000  }
0x58: {  	[spmem:s2] =	stream.indirect.scatter.add.f32 [tilespmem:s16], [sflag:$0x3], $0x80, s30, s19, $0xb8;
	[tilespmem:$0x1E800] =	vst v63  }
0x59: {  	_ =	swait.ge [sflag:s22], $0x4000  }
0x5a: {  	[sflag:s22] =	ssyncset.done $0x0  }
0x5b: {  	s30 =	sadd.s32 $0x1480, s29;
	[sflag:s22] =	ssyncadd.s32 $0xFFFFC000  }
0x5c: {  	[spmem:s2] =	stream.indirect.scatter.add.f32 [tilespmem:s20], [sflag:$0x4], $0x80, s30, s19, $0xb8;
	[tilespmem:$0x1E800] =	vst v63  }
0x5d: {  	_ =	swait.ge [sflag:s23], $0x4000  }
0x5e: {  	[sflag:s23] =	ssyncset.done $0x0  }
.Ltmp1:
0x5f: {  	s30 =	sadd.s32 $0x100, s29;
	[sflag:s23] =	ssyncadd.s32 $0xFFFFC000;
	(pc) =	sbr.rel @p0 .LBB2_4-.Ltmp1, $4  }
0x60: {  	[tilespmem:s16], [sflag:$0x1] =	stream.indirect.gather [hbm4b:s4+s19], $0x80, s30, s19, $0xb8;
	[tilespmem:$0x1E800] =	vst v63  }
0x61: {  	_ =	swait.ge [sflag:s24], $0x4000  }
0x62: {  	[sflag:s24] =	ssyncset.done $0x0  }
0x63: {  	s29 =	sadd.s32 $0x180, s29;
	[sflag:s24] =	ssyncadd.s32 $0xFFFFC000  }
0x64: {  	[tilespmem:s20], [sflag:$0x2] =	stream.indirect.gather [hbm4b:s4+s19], $0x80, s29, s19, $0xb8;
	[tilespmem:$0x1E800] =	vst v63  }
0x65: {  	_ =	swait.ge [sflag:s21], $0x4000  }
0x66: {  	[sflag:s21] =	ssyncset.done $0x0  }
0x67: {  	[sflag:s21] =	ssyncadd.s32 $0xFFFFC000  }
0x68: {  	[spmem:s2] =	stream.indirect.scatter.add.f32 [tilespmem:s16], [sflag:$0x5], $0x80, s25, s19, $0xb8;
	[tilespmem:$0x1E800] =	vst v63  }
0x69: {  	_ =	swait.ge [sflag:s17], $0x4000  }
0x6a: {  	[sflag:s17] =	ssyncset.done $0x0  }
0x6b: {  	[sflag:s17] =	ssyncadd.s32 $0xFFFFC000  }
0x6c: {  	_ =	swait.ge [sflag:s22], $0x4000  }
0x6d: {  	[sflag:s22] =	ssyncset.done $0x0  }
0x6e: {  	[sflag:s22] =	ssyncadd.s32 $0xFFFFC000  }
0x6f: {  	[spmem:s2] =	stream.indirect.scatter.add.f32 [tilespmem:s20], [sflag:$0x5], $0x80, s26, s19, $0xb8;
	[tilespmem:$0x1E800] =	vst v63  }
0x70: {  	_ =	swait.ge [sflag:s17], $0x4000  }
0x71: {  	[sflag:s17] =	ssyncset.done $0x0  }
0x72: {  	s28 =	simm.s32 $0x0;
	[sflag:s17] =	ssyncadd.s32 $0xFFFFC000  }
0x73: {  	[tilespmem:s28], [sflag:$0x5] =	stream.linear.gather [hbm4b:s14+s28], $0x1400, $0x38;
	[tilespmem:$0x1E800] =	vst v63  }
0x74: {  	_ =	swait.ge [sflag:s17], $0x1400  }
0x75: {  	[sflag:s17] =	ssyncset.done $0x0  }
0x76: {  	[sflag:s17] =	ssyncadd.s32 $0xFFFFEC00  }
0x77: {  	[tilespmem:s18], [sflag:$0x5] =	stream.linear.gather [hbm4b:s15+s28], $0x1400, $0x38;
	[tilespmem:$0x1E800] =	vst v63  }
0x78: {  	_ =	swait.ge [sflag:s17], $0x1400  }
0x79: {  	[sflag:s17] =	ssyncset.done $0x0  }
0x7a: {  	[sflag:s17] =	ssyncadd.s32 $0xFFFFEC00  }
0x7b: {  	[tilespmem:s16], [sflag:$0x1] =	stream.indirect.gather [hbm4b:s4+s19], $0x80, s28, s19, $0xb8;
	[tilespmem:$0x1E800] =	vst v63  }
0x7c: {  	_ = 	snop  }
0x7d: {  	[tilespmem:s20], [sflag:$0x2] =	stream.indirect.gather [hbm4b:s4+s19], $0x80, s19, s19, $0xb8;
	[tilespmem:$0x1E800] =	vst v63  }
0x7e: {  	_ =	swait.ge [sflag:s21], $0x4000  }
0x7f: {  	[sflag:s21] =	ssyncset.done $0x0  }
0x80: {  	s28 =	simm.s32 $0x1400;
	[sflag:s21] =	ssyncadd.s32 $0xFFFFC000  }
0x81: {  	[spmem:s2] =	stream.indirect.scatter.add.f32 [tilespmem:s16], [sflag:$0x3], $0x80, s28, s19, $0xb8;
	[tilespmem:$0x1E800] =	vst v63  }
0x82: {  	_ =	swait.ge [sflag:s22], $0x4000  }
0x83: {  	[sflag:s22] =	ssyncset.done $0x0  }
0x84: {  	s28 =	simm.s32 $0x1480;
	[sflag:s22] =	ssyncadd.s32 $0xFFFFC000  }
0x85: {  	[spmem:s2] =	stream.indirect.scatter.add.f32 [tilespmem:s20], [sflag:$0x4], $0x80, s28, s19, $0xb8;
	[tilespmem:$0x1E800] =	vst v63  }
0x86: {  	_ =	swait.ge [sflag:s23], $0x4000  }
0x87: {  	[sflag:s23] =	ssyncset.done $0x0  }
0x88: {  	s28 =	simm.s32 $0x100;
	[sflag:s23] =	ssyncadd.s32 $0xFFFFC000  }
0x89: {  	[tilespmem:s16], [sflag:$0x1] =	stream.indirect.gather [hbm4b:s4+s19], $0x80, s28, s19, $0xb8;
	[tilespmem:$0x1E800] =	vst v63  }
0x8a: {  	_ =	swait.ge [sflag:s24], $0x4000  }
0x8b: {  	[sflag:s24] =	ssyncset.done $0x0  }
0x8c: {  	s29 =	simm.s32 $0x180;
	s28 =	simm.s32 $0x400;
	[sflag:s24] =	ssyncadd.s32 $0xFFFFC000  }
.LBB2_6:
0x8d: {  	[tilespmem:s20], [sflag:$0x2] =	stream.indirect.gather [hbm4b:s4+s19], $0x80, s29, s19, $0xb8;
	[tilespmem:$0x1E800] =	vst v63  }
0x8e: {  	s29 =	smov.u32 s28  }
0x8f: {  	p0 =	sne.s32 s28, $0x4800;
	s28 =	sadd.s32 $0x400, s28;
	_ =	swait.ge [sflag:s21], $0x4000  }
0x90: {  	s29 =	sshra.s32 s29, $0x2;
	[sflag:s21] =	ssyncset.done $0x0  }
0x91: {  	s30 =	sadd.s32 $0x1400, s29;
	[sflag:s21] =	ssyncadd.s32 $0xFFFFC000  }
0x92: {  	[spmem:s2] =	stream.indirect.scatter.add.f32 [tilespmem:s16], [sflag:$0x3], $0x80, s30, s19, $0xb8;
	[tilespmem:$0x1E800] =	vst v63  }
0x93: {  	_ =	swait.ge [sflag:s22], $0x4000  }
0x94: {  	[sflag:s22] =	ssyncset.done $0x0  }
0x95: {  	s30 =	sadd.s32 $0x1480, s29;
	[sflag:s22] =	ssyncadd.s32 $0xFFFFC000  }
0x96: {  	[spmem:s2] =	stream.indirect.scatter.add.f32 [tilespmem:s20], [sflag:$0x4], $0x80, s30, s19, $0xb8;
	[tilespmem:$0x1E800] =	vst v63  }
0x97: {  	_ =	swait.ge [sflag:s23], $0x4000  }
0x98: {  	[sflag:s23] =	ssyncset.done $0x0  }
.Ltmp2:
0x99: {  	s30 =	sadd.s32 $0x100, s29;
	[sflag:s23] =	ssyncadd.s32 $0xFFFFC000;
	(pc) =	sbr.rel @p0 .LBB2_6-.Ltmp2, $4  }
0x9a: {  	[tilespmem:s16], [sflag:$0x1] =	stream.indirect.gather [hbm4b:s4+s19], $0x80, s30, s19, $0xb8;
	[tilespmem:$0x1E800] =	vst v63  }
0x9b: {  	_ =	swait.ge [sflag:s24], $0x4000  }
0x9c: {  	[sflag:s24] =	ssyncset.done $0x0  }
0x9d: {  	s29 =	sadd.s32 $0x180, s29;
	[sflag:s24] =	ssyncadd.s32 $0xFFFFC000  }
0x9e: {  	[tilespmem:s20], [sflag:$0x2] =	stream.indirect.gather [hbm4b:s4+s19], $0x80, s29, s19, $0xb8;
	[tilespmem:$0x1E800] =	vst v63  }
0x9f: {  	_ =	swait.ge [sflag:s21], $0x4000  }
0xa0: {  	[sflag:s21] =	ssyncset.done $0x0  }
0xa1: {  	[sflag:s21] =	ssyncadd.s32 $0xFFFFC000  }
0xa2: {  	[spmem:s2] =	stream.indirect.scatter.add.f32 [tilespmem:s16], [sflag:$0x5], $0x80, s25, s19, $0xb8;
	[tilespmem:$0x1E800] =	vst v63  }
0xa3: {  	_ =	swait.ge [sflag:s17], $0x4000  }
0xa4: {  	[sflag:s17] =	ssyncset.done $0x0  }
0xa5: {  	[sflag:s17] =	ssyncadd.s32 $0xFFFFC000  }
0xa6: {  	_ =	swait.ge [sflag:s22], $0x4000  }
0xa7: {  	[sflag:s22] =	ssyncset.done $0x0  }
0xa8: {  	[sflag:s22] =	ssyncadd.s32 $0xFFFFC000  }
0xa9: {  	[spmem:s2] =	stream.indirect.scatter.add.f32 [tilespmem:s20], [sflag:$0x5], $0x80, s26, s19, $0xb8;
	[tilespmem:$0x1E800] =	vst v63  }
0xaa: {  	_ =	swait.ge [sflag:s17], $0x4000  }
0xab: {  	s28 =	sshll.u32 s1, $0x6;
	s3 =	sadd.s32 $0x1, s3;
	[sflag:s17] =	ssyncset.done $0x0  }
0xac: {  	s31 =	sshrl.u32 s5, $0x3;
	p0 =	sne.s32 s3, s7;
	[sflag:s17] =	ssyncadd.s32 $0xFFFFC000  }
.Ltmp3:
0xad: {  	s28 =	sor.u32 $0x1C05, s28;
	[bflag:$0x0] =	sbarrier.arrive $0xFFFF;
	(pc) =	sbr.rel @p0 .LBB2_1-.Ltmp3, $4  }
0xae: {  	[hbm:s6], [sflag:s28] =	dma.local [spmem:s31], $0x2800  }
0xaf: {  	_ =	swait.ge [sflag:s17], $0x2800  }
0xb0: {  	[sflag:s17] =	ssyncset.done $0x0  }
0xb1: {  	[sflag:s17] =	ssyncadd.s32 $0xFFFFD800  }
0xb2: {  	_ =	sfence.sel $0x180000  }
0xb3: {  	[bflag:$0x0] =	sbarrier.arrive $0xFFFF  }
0xb4: {  	p0 =	sne.s32 s1, $0x0;
	_ =	strace $0x9000004D  }
0xb5: {  	s0 =	sadd.s32 @!p0 $0x100000, s0;
	[bflag:$0x2] =	sbarrier.arrive $0xFFFF  }
0xb6: {  	[sflag:s0] =	ssyncadd.tile.s32 @!p0 $0x1;
	_ =	shalt  }
.Lfunc_end2:
_tile_overlayer_lowered:
.L_overlay_start_2:
0xb7: {  	(tag) =	ssettag $0x2  }
0xb8: {  	s0 =	rddreg [dreg:$0x0];
	s2 =	stileid.u32  }
0xb9: {  	s1 =	rddreg [dreg:$0x1];
	p0 =	sne.s32 s2, $0x0  }
0xba: {  	s3 =	rddreg [dreg:$0x2];
	[bflag:$0x3] =	sbarrier.arrive $0xFFFF;
	s2 =	simm.s32 @!p0 $0x1C05  }
0xbb: {  	[timem:s3], [sflag:s2] =	dma.local @!p0 [hbm:s0], s1  }
0xbc: {  	s0 =	simm.s32 @!p0 $0x5  }
0xbd: {  	_ =	swait.ge @!p0 [sflag:s0], s1  }
0xbe: {  	s1 =	ssub.s32 @!p0 $0x0, s1;
	[sflag:s0] =	ssyncset.done @!p0 $0x0  }
0xbf: {  	[sflag:s0] =	ssyncadd.s32 @!p0 s1  }
0xc0: {  	[bflag:$0x3] =	sbarrier.arrive $0xFFFF  }
0xc1: {  	_ =	shalt  }

// kernel: kernel.8.cloned.1.call-start
scs
__scs_entry_jumppad:
0x0: {  	(pc) =	sbr.rel $0x88, $3  }
0x1: {  	(tag) =	ssettag $0x0;
	lr =	simm.s32 $0x1  }
0x2: {  	[smem:$0x3F9D] =	sst lr;
	_ =	strace $0xD0000000  }
0x3: {  	_ = 	snop  }
0x4: {  	_ = 	snop  }
0x5: {  	_ = 	snop  }
0x6: {  	_ = 	snop  }
0x7: {  	_ = 	snop  }
__scs_overlays_trampoline_lowered:
0x8: {  	[smem:$0x3FAC] =	sst s0  }
0x9: {  	[smem:$0x3FAD] =	sst s1  }
0xa: {  	[smem:$0x3FAE] =	sst s2  }
0xb: {  	[smem:$0x3FAF] =	sst s3  }
0xc: {  	[smem:$0x3FB0] =	sst s4  }
0xd: {  	[smem:$0x3FB1] =	sst s5  }
0xe: {  	[smem:$0x3FB2] =	sst s6  }
0xf: {  	[smem:$0x3FB3] =	sst s7  }
0x10: {  	[smem:$0x3FB4] =	sst s8  }
0x11: {  	[smem:$0x3FB5] =	sst s9;
	s0 =	simm.s32 @!p0 $0x0  }
0x12: {  	s1 =	sld [smem:$0x3F9B];
	s0 =	simm.s32 @p0 $0x1  }
0x13: {  	[smem:$0x3FB6] =	sst s0;
	s0 =	simm.s32 @!p1 $0x0  }
0x14: {  	s2 =	sld [smem:$0x3F9A];
	s0 =	simm.s32 @p1 $0x1  }
0x15: {  	[smem:$0x3FB7] =	sst s0;
	s0 =	simm.s32 @!p2 $0x0  }
0x16: {  	s3 =	sld [smem:$0x3FDB];
	s0 =	simm.s32 @p2 $0x1  }
0x17: {  	s4 =	simm.s32 $0x1BF5;
	[smem:$0x3FB9] =	sst s0  }
0x18: {  	s0 =	sld [smem:$0x3F9C];
	_ =	swait.ge [sflag:s4], $0x0  }
0x19: {  	s7 =	sld [smem:$0x3F9D]  }
0x1a: {  	s8 =	sadd.s32 $0xFFFFE003, lr  }
0x1b: {  	s9 =	sadd.s32 $0xFFFFFEF7, lr;
	s5 =	simm.s32 $0xFFFFFFFF;
	p2 =	slt.u32 s8, $0xFFFFF086  }
0x1c: {  	p1 =	slt.u32 s9, $0xF7A;
	s5 =	simm.s32 @!p2 $0x0  }
0x1d: {  	s5 =	simm.s32 @p1 $0x1;
	p0 =	seq.s32 s7, s2  }
0x1e: {  	s7 =	smul.u32 @!p0 $0xF7A, s2;
	p2 =	seq.s32 @!p0 s5, $0x0  }
0x1f: {  	s9 =	smul.u32 $0xF7A, s1;
	s8 =	simm.s32 @!p0 $0x1BF5;
	p2 =	por !p2, p0  }
0x20: {  	[sflag:s8] =	ssyncset.s32 @!p0 $0xFFFFF086;
	s6 =	sadd.s32 @!p0 s3, s7;
	s7 =	simm.s32 @!p0 $0x108  }
0x21: {  	s3 =	sadd.s32 s3, s9;
	s6 =	sadd.s32 @!p0 $0x88, s6;
	s7 =	simm.s32 @p2 $0x1082  }
0x22: {  	[simem:s7], [sflag:s8] =	dma.local @!p0 [hbm:s6], $0xF7A  }
0x23: {  	s9 =	sor.u32 $0xD0000000, s2;
	s6 =	simm.s32 $0x108;
	_ =	swait.ge @!p0 [sflag:s8], $0x0  }
0x24: {  	s3 =	sadd.s32 $0x88, s3;
	s6 =	simm.s32 @!p1 $0x1082;
	[sflag:s4] =	ssyncset.s32 $0xFFFFF086  }
0x25: {  	[simem:s6], [sflag:s4] =	dma.local [hbm:s3], $0xF7A  }
0x26: {  	[smem:$0x3F9D] =	sst s1;
	(tag) =	ssettag s2;
	_ =	strace s9  }
0x27: {  	s1 =	sld [smem:$0x3FAD]  }
0x28: {  	s2 =	sld [smem:$0x3FAE]  }
0x29: {  	s4 =	sld [smem:$0x3FB0]  }
0x2a: {  	p0 =	seq.s32 s5, $0x0;
	s5 =	sld [smem:$0x3FB1]  }
0x2b: {  	s6 =	sld [smem:$0x3FB2]  }
0x2c: {  	s7 =	sld [smem:$0x3FB3]  }
0x2d: {  	s3 =	simm.s32 $0x108;
	s8 =	sld [smem:$0x3FB4]  }
0x2e: {  	s3 =	simm.s32 @!p0 $0x1082;
	s9 =	sld [smem:$0x3FB5]  }
0x2f: {  	lr =	sadd.s32 s0, s3;
	s0 =	sld [smem:$0x3FAC]  }
0x30: {  	s3 =	sld [smem:$0x3FAF]  }
0x31: {  	[smem:$0x3FB8] =	sst s10  }
0x32: {  	s10 =	sld [smem:$0x3FB6];
	_ =	sdelay $0x3  }
0x33: {  	p0 =	seq.s32 s10, $0x1;
	s10 =	sld [smem:$0x3FB8];
	_ =	sdelay $0x3  }
0x34: {  	[smem:$0x3FB8] =	sst s10  }
0x35: {  	s10 =	sld [smem:$0x3FB7];
	_ =	sdelay $0x3  }
0x36: {  	p1 =	seq.s32 s10, $0x1;
	s10 =	sld [smem:$0x3FB8];
	_ =	sdelay $0x3  }
0x37: {  	[smem:$0x3FB8] =	sst s10  }
0x38: {  	s10 =	sld [smem:$0x3FB9]  }
0x39: {  	_ = 	snop;
	(pc) =	sbr.ind lr, $3  }
0x3a: {  	_ = 	snop  }
0x3b: {  	_ = 	snop  }
0x3c: {  	p2 =	seq.s32 s10, $0x1;
	s10 =	sld [smem:$0x3FB8]  }
0x3d: {  	_ =	shalt  }
0x3e: {  	_ =	shalt  }
0x3f: {  	_ =	shalt  }
0x40: {  	_ =	shalt  }
0x41: {  	_ =	shalt  }
0x42: {  	_ =	shalt  }
0x43: {  	_ =	shalt  }
0x44: {  	_ =	shalt  }
0x45: {  	_ =	shalt  }
0x46: {  	_ =	shalt  }
0x47: {  	_ =	shalt  }
0x48: {  	_ =	shalt  }
0x49: {  	_ =	shalt  }
0x4a: {  	_ =	shalt  }
0x4b: {  	_ =	shalt  }
0x4c: {  	_ =	shalt  }
0x4d: {  	_ =	shalt  }
0x4e: {  	_ =	shalt  }
0x4f: {  	_ =	shalt  }
0x50: {  	_ =	shalt  }
0x51: {  	_ =	shalt  }
0x52: {  	_ =	shalt  }
0x53: {  	_ =	shalt  }
0x54: {  	_ =	shalt  }
0x55: {  	_ =	shalt  }
0x56: {  	_ =	shalt  }
0x57: {  	_ =	shalt  }
0x58: {  	_ =	shalt  }
0x59: {  	_ =	shalt  }
0x5a: {  	_ =	shalt  }
0x5b: {  	_ =	shalt  }
0x5c: {  	_ =	shalt  }
0x5d: {  	_ =	shalt  }
0x5e: {  	_ =	shalt  }
0x5f: {  	_ =	shalt  }
0x60: {  	_ =	shalt  }
0x61: {  	_ =	shalt  }
0x62: {  	_ =	shalt  }
0x63: {  	_ =	shalt  }
0x64: {  	_ =	shalt  }
0x65: {  	_ =	shalt  }
0x66: {  	_ =	shalt  }
0x67: {  	_ =	shalt  }
0x68: {  	_ =	shalt  }
0x69: {  	_ =	shalt  }
0x6a: {  	_ =	shalt  }
0x6b: {  	_ =	shalt  }
0x6c: {  	_ =	shalt  }
0x6d: {  	_ =	shalt  }
0x6e: {  	_ =	shalt  }
0x6f: {  	_ =	shalt  }
0x70: {  	_ =	shalt  }
0x71: {  	_ =	shalt  }
0x72: {  	_ =	shalt  }
0x73: {  	_ =	shalt  }
0x74: {  	_ =	shalt  }
0x75: {  	_ =	shalt  }
0x76: {  	_ =	shalt  }
0x77: {  	_ =	shalt  }
0x78: {  	_ =	shalt  }
0x79: {  	_ =	shalt  }
0x7a: {  	_ =	shalt  }
0x7b: {  	_ =	shalt  }
0x7c: {  	_ =	shalt  }
0x7d: {  	_ =	shalt  }
0x7e: {  	_ =	shalt  }
0x7f: {  	_ =	shalt  }
0x80: {  	_ =	shalt  }
0x81: {  	_ =	shalt  }
0x82: {  	_ =	shalt  }
0x83: {  	_ =	shalt  }
0x84: {  	_ =	shalt  }
0x85: {  	_ =	shalt  }
0x86: {  	_ =	shalt  }
0x87: {  	_ =	shalt  }
.Lfunc_end0:
.L_simem_size_0:
called_computation_lowered:
.L_overlay_start_0:
0x88: {  	s2 =	sld [smem:$0x3FD9]  }
0x89: {  	s3 =	sld [smem:$0x3FFE];
	_ =	sdelay $0x1  }
0x8a: {  	s1 =	srdreg.scid  }
0x8b: {  	s0 =	sand.u32 $0x1, s1  }
0x8c: {  	s17 =	sshll.u32 s0, $0xA;
	s2 =	sadd.s32 s3, s2  }
0x8d: {  	s2 =	sadd.s32 s2, s17  }
0x8e: {  	[smem:$0x3FC4] =	sst s2  }
0x8f: {  	_ = 	snop  }
0x90: {  	s2 =	sld [smem:$0x3FD0];
	(tm) =	ssettm $0x1  }
0x91: {  	s18 =	sld [smem:$0x3FFB];
	_ =	sdelay $0x3  }
0x92: {  	_ =	strace s18  }
0x93: {  	s3 =	sld [smem:$0x3FFC];
	_ =	sdelay $0x3  }
0x94: {  	_ =	strace s3  }
0x95: {  	s3 =	sld [smem:$0x3FFD];
	_ =	sdelay $0x3  }
0x96: {  	_ =	strace s3  }
0x97: {  	_ =	strace $0x8FFFFFFF  }
0x98: {  	s19 =	sld [smem:$0x3FDB];
	_ =	sdelay $0x1  }
0x99: {  	s4 =	simm.s32 $_scs_section_size  }
0x9a: {  	s5 =	simm.s32 $_size__tile_overlayer_lowered;
	s6 =	simm.s32 $_tile_overlayer_lowered  }
0x9b: {  	s22 =	simm.s32 $0x1BFF;
	s21 =	sshll.u32 s6, $0x1;
	s3 =	sadd.s32 s4, s19  }
0x9c: {  	s7 =	simm.s32 $0x0;
	s20 =	sshll.u32 s5, $0x1;
	s5 =	sadd.s32 s21, s3  }
0x9d: {  	[timem:s7], [sflag:s22] =	dma.local [hbm:s5], s20  }
0x9e: {  	_ =	swait.ge [sflag:s22], s20  }
0x9f: {  	s4 =	ssub.s32 $0x0, s20;
	[sflag:s22] =	ssyncset.done $0x0  }
0xa0: {  	[sflag:s22] =	ssyncadd.s32 s4;
	_ =	sdelay $0x1  }
0xa1: {  	s23 =	simm.s32 $0x1B8B  }
0xa2: {  	_ =	swait.ge [sflag:s23], $0x1  }
0xa3: {  	[sflag:s23] =	ssyncset.done $0x0  }
0xa4: {  	s25 =	simm.s32 $0x1B8E;
	s24 =	sld [smem:$0x3FFE];
	[sflag:s23] =	ssyncadd.s32 $0xFFFFFFFF  }
0xa5: {  	s26 =	simm.s32 $execute0_lowered;
	[smem:$0x3FD2] =	sst s25  }
0xa6: {  	s5 =	sshll.u32 s26, $0x1;
	_ =	strace $0x80000046;
	[dreg:$0x1] =	wrdreg $0xFFFFFFFF  }
0xa7: {  	s28 =	simm.s32 $_size_execute0_lowered;
	s3 =	sadd.s32 s3, s5;
	[dreg:$0x0] =	wrdreg $0x0  }
0xa8: {  	s5 =	sshll.u32 s28, $0x1;
	[dreg:$0x2] =	wrdreg s3  }
0xa9: {  	[dreg:$0x3] =	wrdreg s5  }
0xaa: {  	[dreg:$0x4] =	wrdreg $0xC0  }
0xab: {  	_ =	task [dreg:s7], $0x5FFFF  }
0xac: {  	[dreg:$0x1] =	wrdreg $0xFFFFFFFF  }
0xad: {  	[dreg:$0x0] =	wrdreg $0x60  }
0xae: {  	[dreg:$0x2] =	wrdreg s2  }
0xaf: {  	[dreg:$0x3] =	wrdreg s24  }
0xb0: {  	[dreg:$0x4] =	wrdreg $0x78000  }
0xb1: {  	[dreg:$0x5] =	wrdreg $0x9  }
0xb2: {  	_ =	task.clear_ibuf [dreg:s7], $0x6FFFF;
	_ =	strace $0x90000046  }
0xb3: {  	s29 =	simm.s32 $0x9;
	_ =	strace $0x80000048  }
0xb4: {  	_ =	swait.ge [sflag:s29], $0x1  }
0xb5: {  	[sflag:s29] =	ssyncadd.s32 $0xFFFFFFFF  }
0xb6: {  	_ =	strace $0x90000048  }
0xb7: {  	_ =	sfence  }
0xb8: {  	s30 =	sld [smem:$0x0];
	_ =	sdelay $0x2  }
0xb9: {  	s31 =	sshll.u32 s1, $0xD;
	s1 =	sshrl.u32 s1, $0x2  }
0xba: {  	s3 =	sand.u32 $0x4000, s31;
	s1 =	sadd.s32 s1, s30  }
0xbb: {  	s0 =	sor.u32 s3, s0;
	s1 =	sshll.u32 s1, $0x11  }
0xbc: {  	s0 =	sor.u32 s1, s0  }
0xbd: {  	s0 =	sadd.s32 $0x8F2B, s0  }
0xbe: {  	[sflag:s0] =	ssyncadd.remote.s32 $0x1  }
0xbf: {  	_ =	sfence.sel $0xFFFF  }
0xc0: {  	[dreg:$0x0] =	wrdreg $0xFFFFFFFF;
	(pc) =	sbr.abs _section_cstart, $3  }
0xc1: {  	[dreg:$0x1] =	wrdreg $0xFFFFFFFF  }
0xc2: {  	_ =	task.clear_ibuf [dreg:s7], $0x2FFFF;
	_ =	strace $0x9FFFFFFF  }
0xc3: {  	(tm) =	ssettm $0x7FFFFFFF  }
tec
execute0_lowered:
.L_overlay_start_1:
0x0: {  	(tag) =	ssettag $0x1  }
0x1: {  	s0 =	rddreg [dreg:$0x0]  }
0x2: {  	s1 =	rddreg [dreg:$0x1]  }
0x3: {  	s2 =	rddreg [dreg:$0x2]  }
0x4: {  	s3 =	srdreg.scid;
	s4 =	simm.s32 $0x0;
	s9 =	stileid.u32  }
0x5: {  	s3 =	sand.u32 $0x1, s3;
	[smem:$0x7FF] =	sst s4;
	s5 =	smul.u32 $0x500, s9  }
0x6: {  	s7 =	sshrl.u32 s9, $0x3;
	s8 =	sshll.u32 s3, $0x4;
	_ =	strace $0x80000047  }
0x7: {  	s6 =	sshll.u32 s3, $0x7;
	s3 =	ssub.s32 $0x2, s3;
	s10 =	smul.u32 $0x50000, s7  }
0x8: {  	s4 =	sor.u32 s9, s8;
	s11 =	sshrl.u32 s3, $0x1;
	s8 =	smul.u32 $0x5000, s9  }
0x9: {  	s5 =	sor.u32 s6, s5;
	s4 =	smul.u32 $0x500, s4;
	s3 =	ssub.s32 s3, s11  }
0xa: {  	s5 =	sshrl.u32 s5, $0x3;
	s14 =	sshrl.u32 s8, $0x2;
	s8 =	smax.u32 s3, $0x1  }
0xb: {  	s1 =	sadd.s32 s5, s1;
	s0 =	sadd.s32 s0, s4;
	[dreg:$0x16] =	wrdreg s8  }
0xc: {  	s4 =	sadd.s32 s14, s2;
	s7 =	sadd.s32 $0x1A00, s1;
	[dreg:$0x4] =	wrdreg s0  }
0xd: {  	s15 =	sadd.s32 $0x80, s4;
	[dreg:$0x15] =	wrdreg s7  }
0xe: {  	s16 =	sadd.s32 $0x100, s4;
	[dreg:$0x6] =	wrdreg s15  }
0xf: {  	s17 =	sadd.s32 $0x180, s4;
	[dreg:$0x7] =	wrdreg s16  }
0x10: {  	s18 =	sadd.s32 $0x200, s4;
	[dreg:$0x8] =	wrdreg s17  }
0x11: {  	s19 =	sadd.s32 $0x280, s4;
	[dreg:$0x9] =	wrdreg s18  }
0x12: {  	s20 =	sadd.s32 $0x300, s4;
	[dreg:$0xa] =	wrdreg s19  }
0x13: {  	s21 =	sadd.s32 $0x380, s4;
	[dreg:$0xb] =	wrdreg s20  }
0x14: {  	s22 =	sadd.s32 $0x14000, s4;
	[dreg:$0xc] =	wrdreg s21  }
0x15: {  	s23 =	sadd.s32 $0x14080, s4;
	[dreg:$0xd] =	wrdreg s22  }
0x16: {  	s24 =	sadd.s32 $0x14100, s4;
	[dreg:$0xe] =	wrdreg s23  }
0x17: {  	s25 =	sadd.s32 $0x14180, s4;
	[dreg:$0xf] =	wrdreg s24  }
0x18: {  	s13 =	sshrl.u32 s10, $0x2;
	s26 =	sadd.s32 $0x14200, s4;
	[dreg:$0x10] =	wrdreg s25  }
0x19: {  	s6 =	sadd.s32 s13, s2;
	s2 =	sadd.s32 $0x14280, s4;
	[dreg:$0x11] =	wrdreg s26  }
0x1a: {  	s5 =	sadd.s32 $0x14300, s4;
	[dreg:$0x12] =	wrdreg s2  }
0x1b: {  	s12 =	sshll.u32 s9, $0x7;
	s9 =	sadd.s32 $0x400, s4;
	[dreg:$0x13] =	wrdreg s5  }
0x1c: {  	s10 =	sadd.s32 $0x800, s4;
	[dreg:$0x17] =	wrdreg s9  }
0x1d: {  	s11 =	sadd.s32 $0xC00, s4;
	[dreg:$0x18] =	wrdreg s10  }
0x1e: {  	s0 =	sand.u32 $0x380, s12;
	s12 =	sadd.s32 $0x1000, s4;
	[dreg:$0x19] =	wrdreg s11  }
0x1f: {  	s13 =	sadd.s32 $0x480, s4;
	[dreg:$0x1a] =	wrdreg s12  }
0x20: {  	s14 =	sadd.s32 $0x880, s4;
	[dreg:$0x1b] =	wrdreg s13  }
0x21: {  	s1 =	sadd.s32 $0xE00, s4;
	[dreg:$0x1c] =	wrdreg s14  }
0x22: {  	s3 =	sadd.s32 $0x680, s4;
	[smem:$0x7E5] =	sst s1  }
0x23: {  	s7 =	sadd.s32 $0x1280, s4;
	[smem:$0x7E7] =	sst s3  }
0x24: {  	s8 =	sadd.s32 $0x700, s4;
	[smem:$0x7EA] =	sst s7  }
0x25: {  	s0 =	sadd.s32 s0, s6;
	[smem:$0x7EB] =	sst s8  }
0x26: {  	s6 =	sadd.s32 $0x14380, s4;
	[dreg:$0x5] =	wrdreg s0  }
0x27: {  	s15 =	sadd.s32 $0xC80, s4;
	[dreg:$0x14] =	wrdreg s6  }
0x28: {  	s16 =	sadd.s32 $0x1080, s4;
	[dreg:$0x1d] =	wrdreg s15  }
0x29: {  	s17 =	sadd.s32 $0x500, s4;
	[dreg:$0x1e] =	wrdreg s16  }
0x2a: {  	s18 =	sadd.s32 $0x900, s4;
	[dreg:$0x1f] =	wrdreg s17  }
0x2b: {  	s19 =	sadd.s32 $0xD00, s4;
	[smem:$0x7DC] =	sst s18  }
0x2c: {  	s20 =	sadd.s32 $0x1100, s4;
	[smem:$0x7DD] =	sst s19  }
0x2d: {  	s21 =	sadd.s32 $0x580, s4;
	[smem:$0x7DE] =	sst s20  }
0x2e: {  	s22 =	sadd.s32 $0x980, s4;
	[smem:$0x7DF] =	sst s21  }
0x2f: {  	s23 =	sadd.s32 $0xD80, s4;
	[smem:$0x7E0] =	sst s22  }
0x30: {  	s24 =	sadd.s32 $0x1180, s4;
	[smem:$0x7E1] =	sst s23  }
0x31: {  	s25 =	sadd.s32 $0x600, s4;
	[smem:$0x7E2] =	sst s24  }
0x32: {  	s26 =	sadd.s32 $0xA00, s4;
	[smem:$0x7E3] =	sst s25  }
0x33: {  	s2 =	sadd.s32 $0x1200, s4;
	[smem:$0x7E4] =	sst s26  }
0x34: {  	s5 =	sadd.s32 $0xA80, s4;
	[smem:$0x7E6] =	sst s2  }
0x35: {  	s9 =	sadd.s32 $0xB00, s4;
	[smem:$0x7E8] =	sst s5  }
0x36: {  	s10 =	sadd.s32 $0xF00, s4;
	[smem:$0x7EC] =	sst s9  }
0x37: {  	s11 =	sadd.s32 $0x1300, s4;
	[smem:$0x7ED] =	sst s10  }
0x38: {  	s12 =	sadd.s32 $0x780, s4;
	[smem:$0x7EE] =	sst s11  }
0x39: {  	s13 =	sadd.s32 $0xB80, s4;
	[smem:$0x7EF] =	sst s12  }
0x3a: {  	s14 =	sadd.s32 $0xF80, s4;
	[smem:$0x7F0] =	sst s13  }
0x3b: {  	s6 =	sadd.s32 $0xE80, s4;
	[smem:$0x7F1] =	sst s14  }
0x3c: {  	s15 =	sadd.s32 $0x1380, s4;
	[smem:$0x7E9] =	sst s6  }
0x3d: {  	s28 =	simm.s32 $0x1;
	s16 =	sadd.s32 $0x14400, s4;
	[smem:$0x7F2] =	sst s15  }
0x3e: {  	s29 =	simm.s32 $0x2800;
	s17 =	sadd.s32 $0x14800, s4;
	[smem:$0x7F3] =	sst s16  }
0x3f: {  	s30 =	simm.s32 $0x80;
	s18 =	sadd.s32 $0x14C00, s4;
	[smem:$0x7F4] =	sst s17  }
0x40: {  	s31 =	simm.s32 $0x0;
	s19 =	sadd.s32 $0x15000, s4;
	[smem:$0x7F5] =	sst s18  }
0x41: {  	s7 =	sadd.s32 $0x14580, s4;
	s20 =	sadd.s32 $0x14480, s4;
	[smem:$0x7F6] =	sst s19  }
0x42: {  	s8 =	sadd.s32 $0x14980, s4;
	s21 =	sadd.s32 $0x14880, s4;
	[smem:$0x7F7] =	sst s20  }
0x43: {  	s22 =	sadd.s32 $0x14C80, s4;
	s23 =	sadd.s32 $0x15080, s4;
	[smem:$0x7F8] =	sst s21  }
0x44: {  	s24 =	sadd.s32 $0x14500, s4;
	s25 =	sadd.s32 $0x14900, s4;
	[smem:$0x7F9] =	sst s22  }
0x45: {  	s26 =	sadd.s32 $0x14D00, s4;
	s9 =	sadd.s32 $0x14D80, s4;
	[smem:$0x7FA] =	sst s23  }
0x46: {  	s10 =	sadd.s32 $0x15180, s4;
	s11 =	sadd.s32 $0x14600, s4;
	[smem:$0x7FB] =	sst s24  }
0x47: {  	s12 =	sadd.s32 $0x14A00, s4;
	s13 =	sadd.s32 $0x14E00, s4;
	[smem:$0x7FC] =	sst s25  }
0x48: {  	s14 =	sadd.s32 $0x15200, s4;
	[smem:$0x7FD] =	sst s26;
	s6 =	sadd.s32 $0x15100, s4  }
0x49: {  	s15 =	sadd.s32 $0x14680, s4;
	s16 =	sadd.s32 $0x14A80, s4;
	s17 =	sadd.s32 $0x14E80, s4  }
0x4a: {  	s18 =	sadd.s32 $0x15280, s4;
	s19 =	sadd.s32 $0x14700, s4;
	s20 =	sadd.s32 $0x14B00, s4  }
0x4b: {  	s21 =	sadd.s32 $0x14F00, s4;
	s22 =	sadd.s32 $0x15300, s4;
	s23 =	sadd.s32 $0x14780, s4  }
0x4c: {  	v0 =	vimm.f32 $0.0e+00;
	v1 =	vimm.f32 $1.000000000e+00;
	s24 =	sadd.s32 $0x14B80, s4;
	s25 =	sadd.s32 $0x14F80, s4;
	s26 =	sadd.s32 $0x15380, s4  }
.LBB2_1:
0x4d: {  	s0 =	simm.s32 $0x40;
	s1 =	simm.s32 $0x0  }
.LBB2_2:
0x4e: {  	p0 =	sne.s32 s0, $0x9FC0;
	[tilespmem:s1+$0x2800] =	vst v0;
	s1 =	smov.u32 s0;
	s0 =	sadd.s32 $0x40, s0  }
.Ltmp0:
0x4f: {  	(pc) =	sbr.rel @p0 .LBB2_2-.Ltmp0, $2  }
0x50: {  	_ =	sdelay $0x2  }
0x51: {  	s1 =	sshra.s32 s1, $0x2  }
0x52: {  	[tilespmem:s1+$0x2800] =	vst v0;
	s0 =	simm.s32 $0x0;
	s5 =	rddreg [dreg:$0x4]  }
0x53: {  	[tilespmem:s0], [sflag:$0x1] =	stream.linear.gather [hbm4b:s5+s0], $0x2800, $0x38;
	[tilespmem:$0xA000] =	vst v63  }
0x54: {  	_ =	swait.ge [sflag:s28], $0x2800  }
0x55: {  	[sflag:s28] =	ssyncset.done $0x0  }
0x56: {  	s0 =	simm.s32 $0x1C0;
	[sflag:s28] =	ssyncadd.s32 $0xFFFFD800  }
.LBB2_4:
0x57: {  	s1 =	sshra.s32 s0, $0x2  }
0x58: {  	v2 =	vld [tilespmem:s1+$0xFFFFFF90];
	_ =	sdelay $0x7  }
0x59: {  	[tilespmem:v2+s29+$0x0] =	vst.idx.add.f32.msk $0xffff, v1  }
0x5a: {  	v2 =	vld [tilespmem:s1+$0xFFFFFFA0];
	_ =	sdelay $0x7  }
0x5b: {  	[tilespmem:v2+s29+$0x0] =	vst.idx.add.f32.msk $0xffff, v1  }
0x5c: {  	v2 =	vld [tilespmem:s1+$0xFFFFFFB0];
	_ =	sdelay $0x7  }
0x5d: {  	[tilespmem:v2+s29+$0x0] =	vst.idx.add.f32.msk $0xffff, v1  }
0x5e: {  	v2 =	vld [tilespmem:s1+$0xFFFFFFC0];
	_ =	sdelay $0x7  }
0x5f: {  	[tilespmem:v2+s29+$0x0] =	vst.idx.add.f32.msk $0xffff, v1  }
0x60: {  	v2 =	vld [tilespmem:s1+$0xFFFFFFD0];
	_ =	sdelay $0x7  }
0x61: {  	[tilespmem:v2+s29+$0x0] =	vst.idx.add.f32.msk $0xffff, v1  }
0x62: {  	v2 =	vld [tilespmem:s1+$0xFFFFFFE0];
	_ =	sdelay $0x7  }
0x63: {  	[tilespmem:v2+s29+$0x0] =	vst.idx.add.f32.msk $0xffff, v1  }
0x64: {  	v2 =	vld [tilespmem:s1+$0xFFFFFFF0];
	_ =	sdelay $0x7  }
0x65: {  	[tilespmem:v2+s29+$0x0] =	vst.idx.add.f32.msk $0xffff, v1  }
0x66: {  	v2 =	vld [tilespmem:s1+$0x0];
	_ =	sdelay $0x2  }
0x67: {  	p0 =	sne.s32 s0, $0x9FC0  }
.Ltmp1:
0x68: {  	_ = 	snop;
	(pc) =	sbr.rel @p0 .LBB2_4-.Ltmp1, $2  }
0x69: {  	_ =	sdelay $0x2  }
0x6a: {  	s0 =	sadd.s32 $0x200, s0;
	[tilespmem:v2+s29+$0x0] =	vst.idx.add.f32.msk $0xffff, v1  }
0x6b: {  	s0 =	simm.s32 $0x2800;
	s1 =	rddreg [dreg:$0x5];
	s2 =	simm.s32 $0x400  }
0x6c: {  	[spmem:s1] =	stream.strided.scatter [tilespmem:s0], [sflag:$0x1], $0x2800, s2, s30, $0x38;
	[tilespmem:$0xA000] =	vst v63  }
0x6d: {  	_ =	swait.ge [sflag:s28], $0x2800  }
0x6e: {  	[sflag:s28] =	ssyncset.done $0x0  }
0x6f: {  	[sflag:s28] =	ssyncadd.s32 $0xFFFFD800  }
0x70: {  	s2 =	simm.s32 $0x5000;
	[bflag:$0x0] =	sbarrier.arrive $0xFFFF  }
0x71: {  	[tilespmem:s2], [sflag:$0x1] =	stream.linear.gather [spmem:s4], $0x80, $0x38;
	[tilespmem:$0xA000] =	vst v63  }
0x72: {  	s5 =	simm.s32 $0x5400;
	s3 =	rddreg [dreg:$0x17]  }
0x73: {  	[tilespmem:s5], [sflag:$0x1] =	stream.linear.gather [spmem:s3], $0x80, $0x38;
	[tilespmem:$0xA000] =	vst v63  }
0x74: {  	s3 =	rddreg [dreg:$0x18];
	s5 =	simm.s32 $0x5800  }
0x75: {  	[tilespmem:s5], [sflag:$0x1] =	stream.linear.gather [spmem:s3], $0x80, $0x38;
	[tilespmem:$0xA000] =	vst v63  }
0x76: {  	s3 =	rddreg [dreg:$0x19];
	s5 =	simm.s32 $0x5C00  }
0x77: {  	[tilespmem:s5], [sflag:$0x1] =	stream.linear.gather [spmem:s3], $0x80, $0x38;
	[tilespmem:$0xA000] =	vst v63  }
0x78: {  	s3 =	rddreg [dreg:$0x1a];
	s5 =	simm.s32 $0x6000  }
0x79: {  	[tilespmem:s5], [sflag:$0x1] =	stream.linear.gather [spmem:s3], $0x80, $0x38;
	[tilespmem:$0xA000] =	vst v63  }
0x7a: {  	_ =	swait.ge [sflag:s28], $0x280  }
0x7b: {  	[sflag:s28] =	ssyncset.done $0x0  }
0x7c: {  	s5 =	simm.s32 $0x5080;
	s3 =	rddreg [dreg:$0x6];
	[sflag:s28] =	ssyncadd.s32 $0xFFFFFD80  }
0x7d: {  	[tilespmem:s5], [sflag:$0x1] =	stream.linear.gather [spmem:s3], $0x80, $0x38;
	[tilespmem:$0xA000] =	vst v63  }
0x7e: {  	s3 =	rddreg [dreg:$0x1b];
	s5 =	simm.s32 $0x5480  }
0x7f: {  	[tilespmem:s5], [sflag:$0x1] =	stream.linear.gather [spmem:s3], $0x80, $0x38;
	[tilespmem:$0xA000] =	vst v63  }
0x80: {  	s3 =	rddreg [dreg:$0x1c];
	s5 =	simm.s32 $0x5880  }
0x81: {  	[tilespmem:s5], [sflag:$0x1] =	stream.linear.gather [spmem:s3], $0x80, $0x38;
	[tilespmem:$0xA000] =	vst v63  }
0x82: {  	s3 =	rddreg [dreg:$0x1d];
	s5 =	simm.s32 $0x5C80  }
0x83: {  	[tilespmem:s5], [sflag:$0x1] =	stream.linear.gather [spmem:s3], $0x80, $0x38;
	[tilespmem:$0xA000] =	vst v63  }
0x84: {  	s3 =	rddreg [dreg:$0x1e];
	s5 =	simm.s32 $0x6080  }
0x85: {  	[tilespmem:s5], [sflag:$0x1] =	stream.linear.gather [spmem:s3], $0x80, $0x38;
	[tilespmem:$0xA000] =	vst v63  }
0x86: {  	_ =	swait.ge [sflag:s28], $0x280  }
0x87: {  	[sflag:s28] =	ssyncset.done $0x0  }
0x88: {  	s5 =	simm.s32 $0x5100;
	s3 =	rddreg [dreg:$0x7];
	[sflag:s28] =	ssyncadd.s32 $0xFFFFFD80  }
0x89: {  	[tilespmem:s5], [sflag:$0x1] =	stream.linear.gather [spmem:s3], $0x80, $0x38;
	[tilespmem:$0xA000] =	vst v63  }
0x8a: {  	s3 =	rddreg [dreg:$0x1f];
	s5 =	simm.s32 $0x5500  }
0x8b: {  	[tilespmem:s5], [sflag:$0x1] =	stream.linear.gather [spmem:s3], $0x80, $0x38;
	[tilespmem:$0xA000] =	vst v63  }
0x8c: {  	s3 =	sld [smem:$0x7DC];
	_ =	sdelay $0x1  }
0x8d: {  	s5 =	simm.s32 $0x5900  }
0x8e: {  	[tilespmem:s5], [sflag:$0x1] =	stream.linear.gather [spmem:s3], $0x80, $0x38;
	[tilespmem:$0xA000] =	vst v63  }
0x8f: {  	s3 =	sld [smem:$0x7DD];
	_ =	sdelay $0x1  }
0x90: {  	s5 =	simm.s32 $0x5D00  }
0x91: {  	[tilespmem:s5], [sflag:$0x1] =	stream.linear.gather [spmem:s3], $0x80, $0x38;
	[tilespmem:$0xA000] =	vst v63  }
0x92: {  	s3 =	sld [smem:$0x7DE];
	_ =	sdelay $0x1  }
0x93: {  	s5 =	simm.s32 $0x6100  }
0x94: {  	[tilespmem:s5], [sflag:$0x1] =	stream.linear.gather [spmem:s3], $0x80, $0x38;
	[tilespmem:$0xA000] =	vst v63  }
0x95: {  	_ =	swait.ge [sflag:s28], $0x280  }
0x96: {  	[sflag:s28] =	ssyncset.done $0x0  }
0x97: {  	s5 =	simm.s32 $0x5180;
	s3 =	rddreg [dreg:$0x8];
	[sflag:s28] =	ssyncadd.s32 $0xFFFFFD80  }
0x98: {  	[tilespmem:s5], [sflag:$0x1] =	stream.linear.gather [spmem:s3], $0x80, $0x38;
	[tilespmem:$0xA000] =	vst v63  }
0x99: {  	s3 =	sld [smem:$0x7DF];
	_ =	sdelay $0x1  }
0x9a: {  	s5 =	simm.s32 $0x5580  }
0x9b: {  	[tilespmem:s5], [sflag:$0x1] =	stream.linear.gather [spmem:s3], $0x80, $0x38;
	[tilespmem:$0xA000] =	vst v63  }
0x9c: {  	s3 =	sld [smem:$0x7E0];
	_ =	sdelay $0x1  }
0x9d: {  	s5 =	simm.s32 $0x5980  }
0x9e: {  	[tilespmem:s5], [sflag:$0x1] =	stream.linear.gather [spmem:s3], $0x80, $0x38;
	[tilespmem:$0xA000] =	vst v63  }
0x9f: {  	s3 =	sld [smem:$0x7E1];
	_ =	sdelay $0x1  }
0xa0: {  	s5 =	simm.s32 $0x5D80  }
0xa1: {  	[tilespmem:s5], [sflag:$0x1] =	stream.linear.gather [spmem:s3], $0x80, $0x38;
	[tilespmem:$0xA000] =	vst v63  }
0xa2: {  	s3 =	sld [smem:$0x7E2];
	_ =	sdelay $0x1  }
0xa3: {  	s5 =	simm.s32 $0x6180  }
0xa4: {  	[tilespmem:s5], [sflag:$0x1] =	stream.linear.gather [spmem:s3], $0x80, $0x38;
	[tilespmem:$0xA000] =	vst v63  }
0xa5: {  	_ =	swait.ge [sflag:s28], $0x280  }
0xa6: {  	[sflag:s28] =	ssyncset.done $0x0  }
0xa7: {  	s5 =	simm.s32 $0x5200;
	s3 =	rddreg [dreg:$0x9];
	[sflag:s28] =	ssyncadd.s32 $0xFFFFFD80  }
0xa8: {  	[tilespmem:s5], [sflag:$0x1] =	stream.linear.gather [spmem:s3], $0x80, $0x38;
	[tilespmem:$0xA000] =	vst v63  }
0xa9: {  	s3 =	sld [smem:$0x7E3];
	_ =	sdelay $0x1  }
0xaa: {  	s5 =	simm.s32 $0x5600  }
0xab: {  	[tilespmem:s5], [sflag:$0x1] =	stream.linear.gather [spmem:s3], $0x80, $0x38;
	[tilespmem:$0xA000] =	vst v63  }
0xac: {  	s3 =	sld [smem:$0x7E4];
	_ =	sdelay $0x1  }
0xad: {  	s5 =	simm.s32 $0x5A00  }
0xae: {  	[tilespmem:s5], [sflag:$0x1] =	stream.linear.gather [spmem:s3], $0x80, $0x38;
	[tilespmem:$0xA000] =	vst v63  }
0xaf: {  	s3 =	sld [smem:$0x7E5];
	_ =	sdelay $0x1  }
0xb0: {  	s5 =	simm.s32 $0x5E00  }
0xb1: {  	[tilespmem:s5], [sflag:$0x1] =	stream.linear.gather [spmem:s3], $0x80, $0x38;
	[tilespmem:$0xA000] =	vst v63  }
0xb2: {  	s3 =	sld [smem:$0x7E6];
	_ =	sdelay $0x1  }
0xb3: {  	s5 =	simm.s32 $0x6200  }
0xb4: {  	[tilespmem:s5], [sflag:$0x1] =	stream.linear.gather [spmem:s3], $0x80, $0x38;
	[tilespmem:$0xA000] =	vst v63  }
0xb5: {  	_ =	swait.ge [sflag:s28], $0x280  }
0xb6: {  	[sflag:s28] =	ssyncset.done $0x0  }
0xb7: {  	s5 =	simm.s32 $0x5280;
	s3 =	rddreg [dreg:$0xa];
	[sflag:s28] =	ssyncadd.s32 $0xFFFFFD80  }
0xb8: {  	[tilespmem:s5], [sflag:$0x1] =	stream.linear.gather [spmem:s3], $0x80, $0x38;
	[tilespmem:$0xA000] =	vst v63  }
0xb9: {  	s3 =	sld [smem:$0x7E7];
	_ =	sdelay $0x1  }
0xba: {  	s5 =	simm.s32 $0x5680  }
0xbb: {  	[tilespmem:s5], [sflag:$0x1] =	stream.linear.gather [spmem:s3], $0x80, $0x38;
	[tilespmem:$0xA000] =	vst v63  }
0xbc: {  	s3 =	sld [smem:$0x7E8];
	_ =	sdelay $0x1  }
0xbd: {  	s5 =	simm.s32 $0x5A80  }
0xbe: {  	[tilespmem:s5], [sflag:$0x1] =	stream.linear.gather [spmem:s3], $0x80, $0x38;
	[tilespmem:$0xA000] =	vst v63  }
0xbf: {  	s3 =	sld [smem:$0x7E9];
	_ =	sdelay $0x1  }
0xc0: {  	s5 =	simm.s32 $0x5E80  }
0xc1: {  	[tilespmem:s5], [sflag:$0x1] =	stream.linear.gather [spmem:s3], $0x80, $0x38;
	[tilespmem:$0xA000] =	vst v63  }
0xc2: {  	s3 =	sld [smem:$0x7EA];
	_ =	sdelay $0x1  }
0xc3: {  	s5 =	simm.s32 $0x6280  }
0xc4: {  	[tilespmem:s5], [sflag:$0x1] =	stream.linear.gather [spmem:s3], $0x80, $0x38;
	[tilespmem:$0xA000] =	vst v63  }
0xc5: {  	_ =	swait.ge [sflag:s28], $0x280  }
0xc6: {  	[sflag:s28] =	ssyncset.done $0x0  }
0xc7: {  	s5 =	simm.s32 $0x5300;
	s3 =	rddreg [dreg:$0xb];
	[sflag:s28] =	ssyncadd.s32 $0xFFFFFD80  }
0xc8: {  	[tilespmem:s5], [sflag:$0x1] =	stream.linear.gather [spmem:s3], $0x80, $0x38;
	[tilespmem:$0xA000] =	vst v63  }
0xc9: {  	s3 =	sld [smem:$0x7EB];
	_ =	sdelay $0x1  }
0xca: {  	s5 =	simm.s32 $0x5700  }
0xcb: {  	[tilespmem:s5], [sflag:$0x1] =	stream.linear.gather [spmem:s3], $0x80, $0x38;
	[tilespmem:$0xA000] =	vst v63  }
0xcc: {  	s3 =	sld [smem:$0x7EC];
	_ =	sdelay $0x1  }
0xcd: {  	s5 =	simm.s32 $0x5B00  }
0xce: {  	[tilespmem:s5], [sflag:$0x1] =	stream.linear.gather [spmem:s3], $0x80, $0x38;
	[tilespmem:$0xA000] =	vst v63  }
0xcf: {  	s3 =	sld [smem:$0x7ED];
	_ =	sdelay $0x1  }
0xd0: {  	s5 =	simm.s32 $0x5F00  }
0xd1: {  	[tilespmem:s5], [sflag:$0x1] =	stream.linear.gather [spmem:s3], $0x80, $0x38;
	[tilespmem:$0xA000] =	vst v63  }
0xd2: {  	s3 =	sld [smem:$0x7EE];
	_ =	sdelay $0x1  }
0xd3: {  	s5 =	simm.s32 $0x6300  }
0xd4: {  	[tilespmem:s5], [sflag:$0x1] =	stream.linear.gather [spmem:s3], $0x80, $0x38;
	[tilespmem:$0xA000] =	vst v63  }
0xd5: {  	_ =	swait.ge [sflag:s28], $0x280  }
0xd6: {  	[sflag:s28] =	ssyncset.done $0x0  }
0xd7: {  	s5 =	simm.s32 $0x5380;
	s3 =	rddreg [dreg:$0xc];
	[sflag:s28] =	ssyncadd.s32 $0xFFFFFD80  }
0xd8: {  	[tilespmem:s5], [sflag:$0x1] =	stream.linear.gather [spmem:s3], $0x80, $0x38;
	[tilespmem:$0xA000] =	vst v63  }
0xd9: {  	s3 =	sld [smem:$0x7EF];
	_ =	sdelay $0x1  }
0xda: {  	s5 =	simm.s32 $0x5780  }
0xdb: {  	[tilespmem:s5], [sflag:$0x1] =	stream.linear.gather [spmem:s3], $0x80, $0x38;
	[tilespmem:$0xA000] =	vst v63  }
0xdc: {  	s3 =	sld [smem:$0x7F0];
	_ =	sdelay $0x1  }
0xdd: {  	s5 =	simm.s32 $0x5B80  }
0xde: {  	[tilespmem:s5], [sflag:$0x1] =	stream.linear.gather [spmem:s3], $0x80, $0x38;
	[tilespmem:$0xA000] =	vst v63  }
0xdf: {  	s3 =	sld [smem:$0x7F1];
	_ =	sdelay $0x1  }
0xe0: {  	s5 =	simm.s32 $0x5F80  }
0xe1: {  	[tilespmem:s5], [sflag:$0x1] =	stream.linear.gather [spmem:s3], $0x80, $0x38;
	[tilespmem:$0xA000] =	vst v63  }
0xe2: {  	s3 =	sld [smem:$0x7F2];
	_ =	sdelay $0x1  }
0xe3: {  	s5 =	simm.s32 $0x6380  }
0xe4: {  	[tilespmem:s5], [sflag:$0x1] =	stream.linear.gather [spmem:s3], $0x80, $0x38;
	[tilespmem:$0xA000] =	vst v63  }
0xe5: {  	_ =	swait.ge [sflag:s28], $0x280  }
0xe6: {  	[sflag:s28] =	ssyncset.done $0x0  }
0xe7: {  	s5 =	simm.s32 $0x6400;
	s3 =	rddreg [dreg:$0xd];
	[sflag:s28] =	ssyncadd.s32 $0xFFFFFD80  }
0xe8: {  	[tilespmem:s5], [sflag:$0x1] =	stream.linear.gather [spmem:s3], $0x80, $0x38;
	[tilespmem:$0xA000] =	vst v63  }
0xe9: {  	s3 =	sld [smem:$0x7F3];
	_ =	sdelay $0x1  }
0xea: {  	s5 =	simm.s32 $0x6800  }
0xeb: {  	[tilespmem:s5], [sflag:$0x1] =	stream.linear.gather [spmem:s3], $0x80, $0x38;
	[tilespmem:$0xA000] =	vst v63  }
0xec: {  	s3 =	sld [smem:$0x7F4];
	_ =	sdelay $0x1  }
0xed: {  	s5 =	simm.s32 $0x6C00  }
0xee: {  	[tilespmem:s5], [sflag:$0x1] =	stream.linear.gather [spmem:s3], $0x80, $0x38;
	[tilespmem:$0xA000] =	vst v63  }
0xef: {  	s3 =	sld [smem:$0x7F5];
	_ =	sdelay $0x1  }
0xf0: {  	s5 =	simm.s32 $0x7000  }
0xf1: {  	[tilespmem:s5], [sflag:$0x1] =	stream.linear.gather [spmem:s3], $0x80, $0x38;
	[tilespmem:$0xA000] =	vst v63  }
0xf2: {  	s3 =	sld [smem:$0x7F6];
	_ =	sdelay $0x1  }
0xf3: {  	s5 =	simm.s32 $0x7400  }
0xf4: {  	[tilespmem:s5], [sflag:$0x1] =	stream.linear.gather [spmem:s3], $0x80, $0x38;
	[tilespmem:$0xA000] =	vst v63  }
0xf5: {  	_ =	swait.ge [sflag:s28], $0x280  }
0xf6: {  	[sflag:s28] =	ssyncset.done $0x0  }
0xf7: {  	s5 =	simm.s32 $0x6480;
	s3 =	rddreg [dreg:$0xe];
	[sflag:s28] =	ssyncadd.s32 $0xFFFFFD80  }
0xf8: {  	[tilespmem:s5], [sflag:$0x1] =	stream.linear.gather [spmem:s3], $0x80, $0x38;
	[tilespmem:$0xA000] =	vst v63  }
0xf9: {  	s3 =	sld [smem:$0x7F7];
	_ =	sdelay $0x1  }
0xfa: {  	s5 =	simm.s32 $0x6880  }
0xfb: {  	[tilespmem:s5], [sflag:$0x1] =	stream.linear.gather [spmem:s3], $0x80, $0x38;
	[tilespmem:$0xA000] =	vst v63  }
0xfc: {  	s3 =	sld [smem:$0x7F8];
	_ =	sdelay $0x1  }
0xfd: {  	s5 =	simm.s32 $0x6C80  }
0xfe: {  	[tilespmem:s5], [sflag:$0x1] =	stream.linear.gather [spmem:s3], $0x80, $0x38;
	[tilespmem:$0xA000] =	vst v63  }
0xff: {  	s3 =	sld [smem:$0x7F9];
	_ =	sdelay $0x1  }
0x100: {  	s5 =	simm.s32 $0x7080  }
0x101: {  	[tilespmem:s5], [sflag:$0x1] =	stream.linear.gather [spmem:s3], $0x80, $0x38;
	[tilespmem:$0xA000] =	vst v63  }
0x102: {  	s3 =	sld [smem:$0x7FA];
	_ =	sdelay $0x1  }
0x103: {  	s5 =	simm.s32 $0x7480  }
0x104: {  	[tilespmem:s5], [sflag:$0x1] =	stream.linear.gather [spmem:s3], $0x80, $0x38;
	[tilespmem:$0xA000] =	vst v63  }
0x105: {  	_ =	swait.ge [sflag:s28], $0x280  }
0x106: {  	[sflag:s28] =	ssyncset.done $0x0  }
0x107: {  	s5 =	simm.s32 $0x6500;
	s3 =	rddreg [dreg:$0xf];
	[sflag:s28] =	ssyncadd.s32 $0xFFFFFD80  }
0x108: {  	[tilespmem:s5], [sflag:$0x1] =	stream.linear.gather [spmem:s3], $0x80, $0x38;
	[tilespmem:$0xA000] =	vst v63  }
0x109: {  	s3 =	sld [smem:$0x7FB];
	_ =	sdelay $0x1  }
0x10a: {  	s5 =	simm.s32 $0x6900  }
0x10b: {  	[tilespmem:s5], [sflag:$0x1] =	stream.linear.gather [spmem:s3], $0x80, $0x38;
	[tilespmem:$0xA000] =	vst v63  }
0x10c: {  	s3 =	sld [smem:$0x7FC];
	_ =	sdelay $0x1  }
0x10d: {  	s2 =	sld [smem:$0x7FD];
	s5 =	simm.s32 $0x6D00  }
0x10e: {  	[tilespmem:s5], [sflag:$0x1] =	stream.linear.gather [spmem:s3], $0x80, $0x38;
	[tilespmem:$0xA000] =	vst v63  }
0x10f: {  	s3 =	simm.s32 $0x7100  }
0x110: {  	[tilespmem:s3], [sflag:$0x1] =	stream.linear.gather [spmem:s2], $0x80, $0x38;
	[tilespmem:$0xA000] =	vst v63  }
0x111: {  	s5 =	simm.s32 $0x7500  }
0x112: {  	[tilespmem:s5], [sflag:$0x1] =	stream.linear.gather [spmem:s6], $0x80, $0x38;
	[tilespmem:$0xA000] =	vst v63  }
0x113: {  	_ =	swait.ge [sflag:s28], $0x280  }
0x114: {  	[sflag:s28] =	ssyncset.done $0x0  }
0x115: {  	s3 =	simm.s32 $0x6580;
	s2 =	rddreg [dreg:$0x10];
	[sflag:s28] =	ssyncadd.s32 $0xFFFFFD80  }
0x116: {  	[tilespmem:s3], [sflag:$0x1] =	stream.linear.gather [spmem:s2], $0x80, $0x38;
	[tilespmem:$0xA000] =	vst v63  }
0x117: {  	s5 =	simm.s32 $0x6980  }
0x118: {  	[tilespmem:s5], [sflag:$0x1] =	stream.linear.gather [spmem:s7], $0x80, $0x38;
	[tilespmem:$0xA000] =	vst v63  }
0x119: {  	s2 =	simm.s32 $0x6D80  }
0x11a: {  	[tilespmem:s2], [sflag:$0x1] =	stream.linear.gather [spmem:s8], $0x80, $0x38;
	[tilespmem:$0xA000] =	vst v63  }
0x11b: {  	s3 =	simm.s32 $0x7180  }
0x11c: {  	[tilespmem:s3], [sflag:$0x1] =	stream.linear.gather [spmem:s9], $0x80, $0x38;
	[tilespmem:$0xA000] =	vst v63  }
0x11d: {  	s5 =	simm.s32 $0x7580  }
0x11e: {  	[tilespmem:s5], [sflag:$0x1] =	stream.linear.gather [spmem:s10], $0x80, $0x38;
	[tilespmem:$0xA000] =	vst v63  }
0x11f: {  	_ =	swait.ge [sflag:s28], $0x280  }
0x120: {  	[sflag:s28] =	ssyncset.done $0x0  }
0x121: {  	s3 =	simm.s32 $0x6600;
	s2 =	rddreg [dreg:$0x11];
	[sflag:s28] =	ssyncadd.s32 $0xFFFFFD80  }
0x122: {  	[tilespmem:s3], [sflag:$0x1] =	stream.linear.gather [spmem:s2], $0x80, $0x38;
	[tilespmem:$0xA000] =	vst v63  }
0x123: {  	s5 =	simm.s32 $0x6A00  }
0x124: {  	[tilespmem:s5], [sflag:$0x1] =	stream.linear.gather [spmem:s11], $0x80, $0x38;
	[tilespmem:$0xA000] =	vst v63  }
0x125: {  	s2 =	simm.s32 $0x6E00  }
0x126: {  	[tilespmem:s2], [sflag:$0x1] =	stream.linear.gather [spmem:s12], $0x80, $0x38;
	[tilespmem:$0xA000] =	vst v63  }
0x127: {  	s3 =	simm.s32 $0x7200  }
0x128: {  	[tilespmem:s3], [sflag:$0x1] =	stream.linear.gather [spmem:s13], $0x80, $0x38;
	[tilespmem:$0xA000] =	vst v63  }
0x129: {  	s5 =	simm.s32 $0x7600  }
0x12a: {  	[tilespmem:s5], [sflag:$0x1] =	stream.linear.gather [spmem:s14], $0x80, $0x38;
	[tilespmem:$0xA000] =	vst v63  }
0x12b: {  	_ =	swait.ge [sflag:s28], $0x280  }
0x12c: {  	[sflag:s28] =	ssyncset.done $0x0  }
0x12d: {  	s3 =	simm.s32 $0x6680;
	s2 =	rddreg [dreg:$0x12];
	[sflag:s28] =	ssyncadd.s32 $0xFFFFFD80  }
0x12e: {  	[tilespmem:s3], [sflag:$0x1] =	stream.linear.gather [spmem:s2], $0x80, $0x38;
	[tilespmem:$0xA000] =	vst v63  }
0x12f: {  	s5 =	simm.s32 $0x6A80  }
0x130: {  	[tilespmem:s5], [sflag:$0x1] =	stream.linear.gather [spmem:s15], $0x80, $0x38;
	[tilespmem:$0xA000] =	vst v63  }
0x131: {  	s2 =	simm.s32 $0x6E80  }
0x132: {  	[tilespmem:s2], [sflag:$0x1] =	stream.linear.gather [spmem:s16], $0x80, $0x38;
	[tilespmem:$0xA000] =	vst v63  }
0x133: {  	s3 =	simm.s32 $0x7280  }
0x134: {  	[tilespmem:s3], [sflag:$0x1] =	stream.linear.gather [spmem:s17], $0x80, $0x38;
	[tilespmem:$0xA000] =	vst v63  }
0x135: {  	s5 =	simm.s32 $0x7680  }
0x136: {  	[tilespmem:s5], [sflag:$0x1] =	stream.linear.gather [spmem:s18], $0x80, $0x38;
	[tilespmem:$0xA000] =	vst v63  }
0x137: {  	_ =	swait.ge [sflag:s28], $0x280  }
0x138: {  	[sflag:s28] =	ssyncset.done $0x0  }
0x139: {  	s3 =	simm.s32 $0x6700;
	s2 =	rddreg [dreg:$0x13];
	[sflag:s28] =	ssyncadd.s32 $0xFFFFFD80  }
0x13a: {  	[tilespmem:s3], [sflag:$0x1] =	stream.linear.gather [spmem:s2], $0x80, $0x38;
	[tilespmem:$0xA000] =	vst v63  }
0x13b: {  	s5 =	simm.s32 $0x6B00  }
0x13c: {  	[tilespmem:s5], [sflag:$0x1] =	stream.linear.gather [spmem:s19], $0x80, $0x38;
	[tilespmem:$0xA000] =	vst v63  }
0x13d: {  	s2 =	simm.s32 $0x6F00  }
0x13e: {  	[tilespmem:s2], [sflag:$0x1] =	stream.linear.gather [spmem:s20], $0x80, $0x38;
	[tilespmem:$0xA000] =	vst v63  }
0x13f: {  	s3 =	simm.s32 $0x7300  }
0x140: {  	[tilespmem:s3], [sflag:$0x1] =	stream.linear.gather [spmem:s21], $0x80, $0x38;
	[tilespmem:$0xA000] =	vst v63  }
0x141: {  	s5 =	simm.s32 $0x7700  }
0x142: {  	[tilespmem:s5], [sflag:$0x1] =	stream.linear.gather [spmem:s22], $0x80, $0x38;
	[tilespmem:$0xA000] =	vst v63  }
0x143: {  	_ =	swait.ge [sflag:s28], $0x280  }
0x144: {  	[sflag:s28] =	ssyncset.done $0x0  }
0x145: {  	s3 =	simm.s32 $0x6780;
	s2 =	rddreg [dreg:$0x14];
	[sflag:s28] =	ssyncadd.s32 $0xFFFFFD80  }
0x146: {  	[tilespmem:s3], [sflag:$0x1] =	stream.linear.gather [spmem:s2], $0x80, $0x38;
	[tilespmem:$0xA000] =	vst v63  }
0x147: {  	s5 =	simm.s32 $0x6B80  }
0x148: {  	[tilespmem:s5], [sflag:$0x1] =	stream.linear.gather [spmem:s23], $0x80, $0x38;
	[tilespmem:$0xA000] =	vst v63  }
0x149: {  	s2 =	simm.s32 $0x6F80  }
0x14a: {  	[tilespmem:s2], [sflag:$0x1] =	stream.linear.gather [spmem:s24], $0x80, $0x38;
	[tilespmem:$0xA000] =	vst v63  }
0x14b: {  	s3 =	simm.s32 $0x7380  }
0x14c: {  	[tilespmem:s3], [sflag:$0x1] =	stream.linear.gather [spmem:s25], $0x80, $0x38;
	[tilespmem:$0xA000] =	vst v63  }
0x14d: {  	s5 =	simm.s32 $0x7780  }
0x14e: {  	[tilespmem:s5], [sflag:$0x1] =	stream.linear.gather [spmem:s26], $0x80, $0x38;
	[tilespmem:$0xA000] =	vst v63  }
0x14f: {  	s2 =	simm.s32 $0x0;
	_ =	swait.ge [sflag:s28], $0x280  }
0x150: {  	s1 =	sand.u32 $0x1C00, s2;
	s3 =	sand.u32 $0x70, s2;
	[sflag:s28] =	ssyncset.done $0x0  }
0x151: {  	s1 =	sor.u32 s3, s1;
	[sflag:s28] =	ssyncadd.s32 $0xFFFFFD80  }
0x152: {  	v2 =	vld [tilespmem:s1+$0x5080]  }
0x153: {  	v3 =	vld [tilespmem:s1+$0x5000];
	_ =	sdelay $0x1  }
0x154: {  	v4 =	vld [tilespmem:s1+$0x5100];
	_ =	sdelay $0x1  }
0x155: {  	v5 =	vld [tilespmem:s1+$0x5180]  }
0x156: {  	v2 =	vadd.f32 v2, v3  }
0x157: {  	v3 =	vld [tilespmem:s1+$0x5200]  }
0x158: {  	v2 =	vadd.f32 v4, v2  }
0x159: {  	v56 =	vld [tilespmem:s1+$0x5280]  }
0x15a: {  	v2 =	vadd.f32 v5, v2  }
0x15b: {  	v57 =	vld [tilespmem:s1+$0x5300]  }
0x15c: {  	v2 =	vadd.f32 v3, v2  }
0x15d: {  	v3 =	vld [tilespmem:s1+$0x5380]  }
0x15e: {  	v2 =	vadd.f32 v56, v2  }
0x15f: {  	v58 =	vld [tilespmem:s1+$0x6400]  }
0x160: {  	v2 =	vadd.f32 v57, v2  }
0x161: {  	v59 =	vld [tilespmem:s1+$0x6480]  }
0x162: {  	v2 =	vadd.f32 v3, v2  }
0x163: {  	v3 =	vld [tilespmem:s1+$0x6500]  }
0x164: {  	v2 =	vadd.f32 v58, v2  }
0x165: {  	v60 =	vld [tilespmem:s1+$0x6580]  }
0x166: {  	v2 =	vadd.f32 v59, v2  }
0x167: {  	v61 =	vld [tilespmem:s1+$0x6600]  }
0x168: {  	v2 =	vadd.f32 v3, v2  }
0x169: {  	v3 =	vld [tilespmem:s1+$0x6680]  }
0x16a: {  	v2 =	vadd.f32 v60, v2  }
0x16b: {  	v62 =	vld [tilespmem:s1+$0x6700]  }
0x16c: {  	v2 =	vadd.f32 v61, v2  }
0x16d: {  	v63 =	vld [tilespmem:s1+$0x6780]  }
0x16e: {  	v2 =	vadd.f32 v3, v2;
	_ =	sdelay $0x1  }
0x16f: {  	v2 =	vadd.f32 v62, v2;
	_ =	sdelay $0x1  }
0x170: {  	s2 =	simm.s32 $0x80;
	s5 =	simm.s32 $0x10;
	v2 =	vadd.f32 v63, v2  }
0x171: {  	s3 =	sand.u32 $0x1C00, s2;
	s1 =	sand.u32 $0x70, s5  }
0x172: {  	s1 =	sor.u32 s1, s3;
	s3 =	simm.s32 $0x20;
	[tilespmem:s0+$0x0] =	vst v2  }
.LBB2_6:
0x173: {  	p0 =	sne.s32 s3, $0x270;
	v2 =	vld [tilespmem:s1+$0x5080]  }
0x174: {  	v3 =	vld [tilespmem:s1+$0x5000];
	_ =	sdelay $0x1  }
0x175: {  	v4 =	vld [tilespmem:s1+$0x5100];
	_ =	sdelay $0x1  }
0x176: {  	v5 =	vld [tilespmem:s1+$0x5180]  }
0x177: {  	v2 =	vadd.f32 v2, v3  }
0x178: {  	v3 =	vld [tilespmem:s1+$0x5200]  }
0x179: {  	v2 =	vadd.f32 v4, v2  }
0x17a: {  	v4 =	vld [tilespmem:s1+$0x5280]  }
0x17b: {  	v2 =	vadd.f32 v5, v2  }
0x17c: {  	v5 =	vld [tilespmem:s1+$0x5300]  }
0x17d: {  	v2 =	vadd.f32 v3, v2  }
0x17e: {  	v3 =	vld [tilespmem:s1+$0x5380]  }
0x17f: {  	v2 =	vadd.f32 v4, v2  }
0x180: {  	v4 =	vld [tilespmem:s1+$0x6400]  }
0x181: {  	v2 =	vadd.f32 v5, v2  }
0x182: {  	v5 =	vld [tilespmem:s1+$0x6480]  }
0x183: {  	v2 =	vadd.f32 v3, v2  }
0x184: {  	v3 =	vld [tilespmem:s1+$0x6500]  }
0x185: {  	v2 =	vadd.f32 v4, v2  }
0x186: {  	v4 =	vld [tilespmem:s1+$0x6580]  }
0x187: {  	v2 =	vadd.f32 v5, v2  }
0x188: {  	v5 =	vld [tilespmem:s1+$0x6600]  }
0x189: {  	v2 =	vadd.f32 v3, v2  }
0x18a: {  	v3 =	vld [tilespmem:s1+$0x6680]  }
0x18b: {  	v2 =	vadd.f32 v4, v2  }
0x18c: {  	v4 =	vld [tilespmem:s1+$0x6700]  }
0x18d: {  	v2 =	vadd.f32 v5, v2  }
0x18e: {  	v5 =	vld [tilespmem:s1+$0x6780]  }
0x18f: {  	v2 =	vadd.f32 v3, v2;
	_ =	sdelay $0x1  }
.Ltmp2:
0x190: {  	v2 =	vadd.f32 v4, v2;
	(pc) =	sbr.rel @p0 .LBB2_6-.Ltmp2, $4  }
0x191: {  	_ = 	snop  }
0x192: {  	s2 =	sadd.s32 $0x80, s2;
	v2 =	vadd.f32 v5, v2  }
0x193: {  	s0 =	sadd.s32 $0x10, s0;
	s5 =	sand.u32 $0x1C00, s2;
	s1 =	sand.u32 $0x70, s3  }
0x194: {  	s3 =	sadd.s32 $0x10, s3;
	s1 =	sor.u32 s1, s5;
	[tilespmem:s0+$0x0] =	vst v2  }
0x195: {  	v2 =	vld [tilespmem:s1+$0x5080]  }
0x196: {  	v3 =	vld [tilespmem:s1+$0x5000];
	_ =	sdelay $0x1  }
0x197: {  	v4 =	vld [tilespmem:s1+$0x5100];
	_ =	sdelay $0x1  }
0x198: {  	v5 =	vld [tilespmem:s1+$0x5180]  }
0x199: {  	v2 =	vadd.f32 v2, v3  }
0x19a: {  	v3 =	vld [tilespmem:s1+$0x5200]  }
0x19b: {  	v2 =	vadd.f32 v4, v2  }
0x19c: {  	v56 =	vld [tilespmem:s1+$0x5280]  }
0x19d: {  	v2 =	vadd.f32 v5, v2  }
0x19e: {  	v57 =	vld [tilespmem:s1+$0x5300]  }
0x19f: {  	v2 =	vadd.f32 v3, v2  }
0x1a0: {  	v3 =	vld [tilespmem:s1+$0x5380]  }
0x1a1: {  	v2 =	vadd.f32 v56, v2  }
0x1a2: {  	v58 =	vld [tilespmem:s1+$0x6400]  }
0x1a3: {  	v2 =	vadd.f32 v57, v2  }
0x1a4: {  	v59 =	vld [tilespmem:s1+$0x6480]  }
0x1a5: {  	v2 =	vadd.f32 v3, v2  }
0x1a6: {  	v3 =	vld [tilespmem:s1+$0x6500]  }
0x1a7: {  	v2 =	vadd.f32 v58, v2  }
0x1a8: {  	v60 =	vld [tilespmem:s1+$0x6580]  }
0x1a9: {  	v2 =	vadd.f32 v59, v2  }
0x1aa: {  	v61 =	vld [tilespmem:s1+$0x6600]  }
0x1ab: {  	v2 =	vadd.f32 v3, v2  }
0x1ac: {  	v3 =	vld [tilespmem:s1+$0x6680]  }
0x1ad: {  	v2 =	vadd.f32 v60, v2  }
0x1ae: {  	v62 =	vld [tilespmem:s1+$0x6700]  }
0x1af: {  	v2 =	vadd.f32 v61, v2  }
0x1b0: {  	v63 =	vld [tilespmem:s1+$0x6780]  }
0x1b1: {  	v2 =	vadd.f32 v3, v2;
	_ =	sdelay $0x1  }
0x1b2: {  	v2 =	vadd.f32 v62, v2;
	_ =	sdelay $0x1  }
0x1b3: {  	v2 =	vadd.f32 v63, v2  }
0x1b4: {  	s0 =	sadd.s32 $0x10, s0  }
0x1b5: {  	s2 =	rddreg [dreg:$0x15];
	s3 =	simm.s32 $0x100;
	[tilespmem:s0+$0x0] =	vst v2  }
0x1b6: {  	[hbm4b:s2+s30] =	stream.strided.scatter [tilespmem:s29], [sflag:$0x1], $0x280, s3, s30, $0x38;
	[tilespmem:$0xA000] =	vst v63  }
0x1b7: {  	_ =	swait.ge [sflag:s28], $0x280  }
0x1b8: {  	s31 =	sadd.s32 $0x1, s31;
	s5 =	rddreg [dreg:$0x16]  }
0x1b9: {  	p0 =	sne.s32 s31, s5  }
.Ltmp3:
0x1ba: {  	_ = 	snop;
	(pc) =	sbr.rel @p0 .LBB2_1-.Ltmp3, $3  }
0x1bb: {  	_ =	sdelay $0x1  }
0x1bc: {  	[sflag:s28] =	ssyncset.done $0x0  }
0x1bd: {  	[sflag:s28] =	ssyncadd.s32 $0xFFFFFD80  }
0x1be: {  	_ =	sfence.sel $0x180000  }
0x1bf: {  	[bflag:$0x0] =	sbarrier.arrive $0xFFFF  }
0x1c0: {  	_ =	strace $0x90000047  }
0x1c1: {  	s0 =	stileid.u32;
	[bflag:$0x2] =	sbarrier.arrive $0xFFFF  }
0x1c2: {  	p0 =	sne.s32 s0, $0x0;
	s0 =	rddreg [dreg:$0x3]  }
0x1c3: {  	s0 =	sadd.s32 @!p0 $0x100000, s0  }
0x1c4: {  	[sflag:s0] =	ssyncadd.tile.s32 @!p0 $0x1;
	_ =	shalt  }
.Lfunc_end2:
_tile_overlayer_lowered:
.L_overlay_start_2:
0x1c5: {  	(tag) =	ssettag $0x2  }
0x1c6: {  	s0 =	rddreg [dreg:$0x0];
	s2 =	stileid.u32  }
0x1c7: {  	s1 =	rddreg [dreg:$0x1];
	p0 =	sne.s32 s2, $0x0  }
0x1c8: {  	s3 =	rddreg [dreg:$0x2];
	[bflag:$0x3] =	sbarrier.arrive $0xFFFF;
	s2 =	simm.s32 @!p0 $0x1C01  }
0x1c9: {  	[timem:s3], [sflag:s2] =	dma.local @!p0 [hbm:s0], s1  }
0x1ca: {  	s0 =	simm.s32 @!p0 $0x1  }
0x1cb: {  	_ =	swait.ge @!p0 [sflag:s0], s1  }
0x1cc: {  	s1 =	ssub.s32 @!p0 $0x0, s1;
	[sflag:s0] =	ssyncset.done @!p0 $0x0  }
0x1cd: {  	[sflag:s0] =	ssyncadd.s32 @!p0 s1  }
0x1ce: {  	[bflag:$0x3] =	sbarrier.arrive $0xFFFF  }
0x1cf: {  	_ =	shalt  }

</sc_bundles>
